<compile_context>
chip_gen: v7x
topology: tpu7x:2x2x1
jax: 0.10.2.dev20260603
libtpu: 0.0.44.dev20260713+nightly
codegen_flags: <defaults>
</compile_context>

<pallas_src>
import jax
import jax.numpy as jnp
from jax import lax
from jax.experimental import pallas as pl
from jax.experimental.pallas import tpu as pltpu
from jax.experimental.pallas import tpu_sc as plsc

N_NODES = 10000
N_EDGES = 320000
N_REL = 1000
D = 128
L = 16
L2 = 32
NC = 2
NS = 16
NW = NC * NS
EW = N_EDGES // NW
B = 80
NCHUNK = EW // B
NG = B // L


def _body(z_hbm, ei_hbm, rid_hbm, rel_hbm, out_hbm,
          src_v, dst_v, rid_v, rel_v, srow, drow, part0, part1, outb, sem0, sem1, semo):
    wid = lax.axis_index("s") * NC + lax.axis_index("c")
    base = wid * EW

    pltpu.sync_copy(rel_hbm, rel_v)
    pltpu.sync_copy(ei_hbm.at[0, pl.ds(base, EW)], src_v)
    pltpu.sync_copy(ei_hbm.at[1, pl.ds(base, EW)], dst_v)
    pltpu.sync_copy(rid_hbm.at[pl.ds(base, EW)], rid_v.at[pl.ds(0, EW)])

    sems = (sem0, sem1)
    lane16 = jnp.arange(L, dtype=jnp.int32) * L
    last_lane = jnp.arange(L, dtype=jnp.int32) == (L - 1)

    def issue(g, slot, sem):
        off = g * B
        pltpu.async_copy(z_hbm.at[src_v.at[pl.ds(off, B)]], srow.at[slot], sem)
        pltpu.async_copy(z_hbm.at[dst_v.at[pl.ds(off, B)]], drow.at[slot], sem)

    def drain(slot, sem):
        pltpu.make_async_copy(z_hbm.at[src_v.at[pl.ds(0, B)]], srow.at[slot], sem).wait()
        pltpu.make_async_copy(z_hbm.at[dst_v.at[pl.ds(0, B)]], drow.at[slot], sem).wait()

    parts_bufs = (part0, part1)

    def compute(g, b):
        part_v = parts_bufs[b]

        @plsc.parallel_loop(0, B // 2, unroll=4)
        def _pairs(p):
            rvec = rid_v[pl.ds(g * B + 2 * p, L)]
            for i in range(2):
                e = 2 * p + i
                rid = rvec[i]
                parts = []
                for k in range(D // L2):
                    sl = pl.ds(k * L2, L2)
                    prod = srow[b, e, sl] * rel_v[rid, sl] * drow[b, e, sl]
                    p0, p1 = plsc.unpack(prod, format=plsc.PackFormat.INTERLEAVED)
                    parts.append(p0 + p1)
                while len(parts) > 1:
                    parts = [parts[j] + parts[j + 1]
                             for j in range(0, len(parts), 2)]
                tot = jnp.cumsum(parts[0])
                plsc.store_compressed(part_v.at[pl.ds(e * L, L)], tot, mask=last_lane)

        for q in range(NG):
            acc = plsc.load_gather(part_v, [lane16 + (q * L * L)])
            outb[pl.ds(g * B + q * L, L)] = 1.0 / (1.0 + jnp.exp(-acc))

    issue(0, 0, sem0)

    @pl.loop(0, NCHUNK - 1, step=2)
    def _chunks(g0):
        for b in (0, 1):
            g = g0 + b
            drain(b, sems[b])
            issue(g + 1, 1 - b, sems[1 - b])
            compute(g, b)

    drain(0, sem0)
    compute(NCHUNK - 1, 0)

    pltpu.async_copy(outb, out_hbm.at[pl.ds(base, EW)], semo).wait()


@jax.jit
def _distmult_sc(z, ei, rid, rel):
    mesh = plsc.VectorSubcoreMesh(core_axis_name="c", subcore_axis_name="s")
    return pl.kernel(
        _body,
        out_type=jax.ShapeDtypeStruct((N_EDGES,), jnp.float32),
        mesh=mesh,
        compiler_params=pltpu.CompilerParams(
            needs_layout_passes=False, use_tc_tiling_on_sc=False),
        scratch_types=[
            pltpu.VMEM((EW,), jnp.int32),
            pltpu.VMEM((EW,), jnp.int32),
            pltpu.VMEM((EW + L,), jnp.int32),
            pltpu.VMEM((N_REL, D), jnp.bfloat16),
            pltpu.VMEM((2, B, D), jnp.bfloat16),
            pltpu.VMEM((2, B, D), jnp.bfloat16),
            pltpu.VMEM((B * L,), jnp.float32),
            pltpu.VMEM((B * L,), jnp.float32),
            pltpu.VMEM((EW,), jnp.float32),
            pltpu.SemaphoreType.DMA,
            pltpu.SemaphoreType.DMA,
            pltpu.SemaphoreType.DMA,
        ],
    )(z, ei, rid, rel)


def kernel(z, edge_index, relation_id, rel):
    return _distmult_sc(z.astype(jnp.bfloat16),
                        edge_index.astype(jnp.int32),
                        relation_id.astype(jnp.int32),
                        rel.astype(jnp.bfloat16))

# --- scband reference (transcript-rebuilt; emitter-appended) ---
"""Pipeline reference for scband-dist-mult-2568390443230 (READ-ONLY COPY).

The authoritative reference and input builder live on the scoring server;
editing this copy changes nothing except your own understanding.
"""

import jax, jax.numpy as jnp
import numpy as np


def setup_inputs(seed: int = 0) -> dict:
    key = jax.random.key(seed)
    k_z, k_ei, k_rid, k_rel = jax.random.split(key, 4)
    n_nodes = 10000
    n_edges = 320000
    d = 128
    num_relations = 1000
    z = jax.random.normal(k_z, (n_nodes, d), dtype=jnp.float32)
    edge_index = jax.random.randint(k_ei, (2, n_edges), 0, n_nodes, dtype=jnp.int64)
    relation_id = jax.random.randint(k_rid, (n_edges,), 0, num_relations, dtype=jnp.int64)
    # learned relation embedding table (glorot-orthogonal in original; random normal scaled here)
    rel = jax.random.normal(k_rel, (num_relations, d), dtype=jnp.float32) * (1.0 / np.sqrt(d))
    return {"z": z, "edge_index": edge_index, "relation_id": relation_id, "rel": rel}


def reference(z, edge_index, relation_id, rel):
    # DistMult scoring: sigmoid(sum_d z[src] * rel[r] * z[dst])
    src = jnp.take(z, edge_index[0], axis=0)
    dst = jnp.take(z, edge_index[1], axis=0)
    r = jnp.take(rel, relation_id, axis=0)
    res = jnp.sum(src * r * dst, axis=1)
    return jax.nn.sigmoid(res)

if __name__ == "__main__":
    import jax
    _d = setup_inputs()
    print(jax.jit(kernel)(*tuple(_d.values())))

</pallas_src>

<mosaic_0001>
#map = affine_map<(d0, d1) -> (0, 0)>
#map1 = affine_map<(d0, d1) -> (0)>
module attributes {stable_mosaic.version = 14 : i64} {
  func.func @_body(%arg0: i32, %arg1: i32, %arg2: memref<10000x128xbf16, #tpu.memory_space<hbm>>, %arg3: memref<2x320000xi32, #tpu.memory_space<hbm>>, %arg4: memref<320000xi32, #tpu.memory_space<hbm>>, %arg5: memref<1000x128xbf16, #tpu.memory_space<hbm>>, %arg6: memref<320000xf32, #tpu.memory_space<hbm>>, %arg7: memref<10000xi32, #tpu.memory_space<vmem>>, %arg8: memref<10000xi32, #tpu.memory_space<vmem>>, %arg9: memref<10016xi32, #tpu.memory_space<vmem>>, %arg10: memref<1000x128xbf16, #tpu.memory_space<vmem>>, %arg11: memref<2x80x128xbf16, #tpu.memory_space<vmem>>, %arg12: memref<2x80x128xbf16, #tpu.memory_space<vmem>>, %arg13: memref<1280xf32, #tpu.memory_space<vmem>>, %arg14: memref<1280xf32, #tpu.memory_space<vmem>>, %arg15: memref<10000xf32, #tpu.memory_space<vmem>>, %arg16: memref<!tpu.dma_semaphore, #tpu.memory_space<semaphore_mem>>, %arg17: memref<!tpu.dma_semaphore, #tpu.memory_space<semaphore_mem>>, %arg18: memref<!tpu.dma_semaphore, #tpu.memory_space<semaphore_mem>>) attributes {dimension_semantics = [#tpu.dimension_semantics<core_parallel>, #tpu.dimension_semantics<subcore_parallel>], iteration_bounds = array<i64: 2, 16>, scalar_prefetch = 0 : i64, scratch_operands = 12 : i64, tpu.core_type = #tpu.core_type<sc_vector_subcore>, window_params = [{transform_indices = #map}, {transform_indices = #map}, {transform_indices = #map1}, {transform_indices = #map}, {transform_indices = #map1}]} {
    %mul3A = arith.constant 2 : i32
    %mul3A_0 = arith.muli %arg1, %mul3A : i32
    %add3A = arith.addi %mul3A_0, %arg0 : i32
    %mul3A_1 = arith.constant 10000 : i32
    %mul3A_2 = arith.muli %add3A, %mul3A_1 : i32
    "tpu.region"() ({
      %run_scoped3A_133 = tpu.sem_alloc : memref<!tpu.dma_semaphore, #tpu.memory_space<semaphore_mem>>
      tpu.enqueue_dma source(%arg5 : memref<1000x128xbf16, #tpu.memory_space<hbm>>) target(%arg10 : memref<1000x128xbf16, #tpu.memory_space<vmem>>) target_semaphore(%run_scoped3A_133 : memref<!tpu.dma_semaphore, #tpu.memory_space<semaphore_mem>>)
      tpu.wait_dma2 semaphore(%run_scoped3A_133 : memref<!tpu.dma_semaphore, #tpu.memory_space<semaphore_mem>>) src(%arg5 : memref<1000x128xbf16, #tpu.memory_space<hbm>>) dst(%arg10 : memref<1000x128xbf16, #tpu.memory_space<vmem>>)
      tpu.yield
    }) : () -> ()
    %run_scoped3A = arith.constant 0 : i32
    "tpu.region"() ({
      %run_scoped3A_133 = tpu.sem_alloc : memref<!tpu.dma_semaphore, #tpu.memory_space<semaphore_mem>>
      %dma_start3A_134 = tpu.memref_slice %arg3[%run_scoped3A, %mul3A_2] : memref<2x320000xi32, #tpu.memory_space<hbm>> -> memref<1x10000xi32, #tpu.memory_space<hbm>>
      %dma_start3A_135 = tpu.memref_squeeze %dma_start3A_134 : memref<1x10000xi32, #tpu.memory_space<hbm>> -> memref<10000xi32, #tpu.memory_space<hbm>>
      %dma_start3A_136 = tpu.memref_slice %arg3[%run_scoped3A, %mul3A_2] : memref<2x320000xi32, #tpu.memory_space<hbm>> -> memref<1x10000xi32, #tpu.memory_space<hbm>>
      %dma_start3A_137 = tpu.memref_squeeze %dma_start3A_136 : memref<1x10000xi32, #tpu.memory_space<hbm>> -> memref<10000xi32, #tpu.memory_space<hbm>>
      tpu.enqueue_dma source(%dma_start3A_137 : memref<10000xi32, #tpu.memory_space<hbm>>) target(%arg7 : memref<10000xi32, #tpu.memory_space<vmem>>) target_semaphore(%run_scoped3A_133 : memref<!tpu.dma_semaphore, #tpu.memory_space<semaphore_mem>>)
      %dma_wait3A_138 = tpu.memref_slice %arg3[%run_scoped3A, %mul3A_2] : memref<2x320000xi32, #tpu.memory_space<hbm>> -> memref<1x10000xi32, #tpu.memory_space<hbm>>
      %dma_wait3A_139 = tpu.memref_squeeze %dma_wait3A_138 : memref<1x10000xi32, #tpu.memory_space<hbm>> -> memref<10000xi32, #tpu.memory_space<hbm>>
      %dma_wait3A_140 = tpu.memref_slice %arg3[%run_scoped3A, %mul3A_2] : memref<2x320000xi32, #tpu.memory_space<hbm>> -> memref<1x10000xi32, #tpu.memory_space<hbm>>
      %dma_wait3A_141 = tpu.memref_squeeze %dma_wait3A_140 : memref<1x10000xi32, #tpu.memory_space<hbm>> -> memref<10000xi32, #tpu.memory_space<hbm>>
      tpu.wait_dma2 semaphore(%run_scoped3A_133 : memref<!tpu.dma_semaphore, #tpu.memory_space<semaphore_mem>>) src(%dma_wait3A_141 : memref<10000xi32, #tpu.memory_space<hbm>>) dst(%arg7 : memref<10000xi32, #tpu.memory_space<vmem>>)
      tpu.yield
    }) : () -> ()
    %run_scoped3A_3 = arith.constant 1 : i32
    "tpu.region"() ({
      %run_scoped3A_133 = tpu.sem_alloc : memref<!tpu.dma_semaphore, #tpu.memory_space<semaphore_mem>>
      %dma_start3A_134 = tpu.memref_slice %arg3[%run_scoped3A_3, %mul3A_2] : memref<2x320000xi32, #tpu.memory_space<hbm>> -> memref<1x10000xi32, #tpu.memory_space<hbm>>
      %dma_start3A_135 = tpu.memref_squeeze %dma_start3A_134 : memref<1x10000xi32, #tpu.memory_space<hbm>> -> memref<10000xi32, #tpu.memory_space<hbm>>
      %dma_start3A_136 = tpu.memref_slice %arg3[%run_scoped3A_3, %mul3A_2] : memref<2x320000xi32, #tpu.memory_space<hbm>> -> memref<1x10000xi32, #tpu.memory_space<hbm>>
      %dma_start3A_137 = tpu.memref_squeeze %dma_start3A_136 : memref<1x10000xi32, #tpu.memory_space<hbm>> -> memref<10000xi32, #tpu.memory_space<hbm>>
      tpu.enqueue_dma source(%dma_start3A_137 : memref<10000xi32, #tpu.memory_space<hbm>>) target(%arg8 : memref<10000xi32, #tpu.memory_space<vmem>>) target_semaphore(%run_scoped3A_133 : memref<!tpu.dma_semaphore, #tpu.memory_space<semaphore_mem>>)
      %dma_wait3A_138 = tpu.memref_slice %arg3[%run_scoped3A_3, %mul3A_2] : memref<2x320000xi32, #tpu.memory_space<hbm>> -> memref<1x10000xi32, #tpu.memory_space<hbm>>
      %dma_wait3A_139 = tpu.memref_squeeze %dma_wait3A_138 : memref<1x10000xi32, #tpu.memory_space<hbm>> -> memref<10000xi32, #tpu.memory_space<hbm>>
      %dma_wait3A_140 = tpu.memref_slice %arg3[%run_scoped3A_3, %mul3A_2] : memref<2x320000xi32, #tpu.memory_space<hbm>> -> memref<1x10000xi32, #tpu.memory_space<hbm>>
      %dma_wait3A_141 = tpu.memref_squeeze %dma_wait3A_140 : memref<1x10000xi32, #tpu.memory_space<hbm>> -> memref<10000xi32, #tpu.memory_space<hbm>>
      tpu.wait_dma2 semaphore(%run_scoped3A_133 : memref<!tpu.dma_semaphore, #tpu.memory_space<semaphore_mem>>) src(%dma_wait3A_141 : memref<10000xi32, #tpu.memory_space<hbm>>) dst(%arg8 : memref<10000xi32, #tpu.memory_space<vmem>>)
      tpu.yield
    }) : () -> ()
    "tpu.region"() ({
      %run_scoped3A_133 = tpu.sem_alloc : memref<!tpu.dma_semaphore, #tpu.memory_space<semaphore_mem>>
      %dma_start3A_134 = arith.constant 0 : i32
      %dma_start3A_135 = tpu.memref_slice %arg9[%dma_start3A_134] : memref<10016xi32, #tpu.memory_space<vmem>> -> memref<10000xi32, #tpu.memory_space<vmem>>
      %dma_start3A_136 = tpu.memref_slice %arg4[%mul3A_2] : memref<320000xi32, #tpu.memory_space<hbm>> -> memref<10000xi32, #tpu.memory_space<hbm>>
      %dma_start3A_137 = arith.constant 0 : i32
      %dma_start3A_138 = tpu.memref_slice %arg9[%dma_start3A_137] : memref<10016xi32, #tpu.memory_space<vmem>> -> memref<10000xi32, #tpu.memory_space<vmem>>
      %dma_start3A_139 = tpu.memref_slice %arg4[%mul3A_2] : memref<320000xi32, #tpu.memory_space<hbm>> -> memref<10000xi32, #tpu.memory_space<hbm>>
      tpu.enqueue_dma source(%dma_start3A_139 : memref<10000xi32, #tpu.memory_space<hbm>>) target(%dma_start3A_138 : memref<10000xi32, #tpu.memory_space<vmem>>) target_semaphore(%run_scoped3A_133 : memref<!tpu.dma_semaphore, #tpu.memory_space<semaphore_mem>>)
      %dma_wait3A_140 = arith.constant 0 : i32
      %dma_wait3A_141 = tpu.memref_slice %arg9[%dma_wait3A_140] : memref<10016xi32, #tpu.memory_space<vmem>> -> memref<10000xi32, #tpu.memory_space<vmem>>
      %dma_wait3A_142 = tpu.memref_slice %arg4[%mul3A_2] : memref<320000xi32, #tpu.memory_space<hbm>> -> memref<10000xi32, #tpu.memory_space<hbm>>
      %dma_wait3A_143 = arith.constant 0 : i32
      %dma_wait3A_144 = tpu.memref_slice %arg9[%dma_wait3A_143] : memref<10016xi32, #tpu.memory_space<vmem>> -> memref<10000xi32, #tpu.memory_space<vmem>>
      %dma_wait3A_145 = tpu.memref_slice %arg4[%mul3A_2] : memref<320000xi32, #tpu.memory_space<hbm>> -> memref<10000xi32, #tpu.memory_space<hbm>>
      tpu.wait_dma2 semaphore(%run_scoped3A_133 : memref<!tpu.dma_semaphore, #tpu.memory_space<semaphore_mem>>) src(%dma_wait3A_145 : memref<10000xi32, #tpu.memory_space<hbm>>) dst(%dma_wait3A_144 : memref<10000xi32, #tpu.memory_space<vmem>>)
      tpu.yield
    }) : () -> ()
    %iota3A = tpu.iota {dimensions = array<i32: 0>} : vector<16xi32>
    %mul3A_4 = arith.constant 16 : i32
    %mul3A_5 = vector.broadcast %mul3A_4 : i32 to vector<16xi32>
    %mul3A_6 = arith.muli %iota3A, %mul3A_5 : vector<16xi32>
    %iota3A_7 = tpu.iota {dimensions = array<i32: 0>} : vector<16xi32>
    %eq3A = arith.constant 15 : i32
    %eq3A_8 = vector.broadcast %eq3A : i32 to vector<16xi32>
    %eq3A_9 = arith.cmpi eq, %iota3A_7, %eq3A_8 : vector<16xi32>
    %dma_start3A = arith.constant 0 : i32
    %dma_start3A_10 = arith.constant 0 : i32
    %dma_start3A_11 = arith.constant 0 : i32
    %dma_start3A_12 = tpu.memref_slice %arg11[%dma_start3A, %dma_start3A_10, %dma_start3A_11] : memref<2x80x128xbf16, #tpu.memory_space<vmem>> -> memref<1x80x128xbf16, #tpu.memory_space<vmem>>
    %dma_start3A_13 = tpu.memref_squeeze %dma_start3A_12 : memref<1x80x128xbf16, #tpu.memory_space<vmem>> -> memref<80x128xbf16, #tpu.memory_space<vmem>>
    %dma_start3A_14 = arith.constant 0 : i32
    %dma_start3A_15 = tpu.memref_slice %arg7[%dma_start3A_14] : memref<10000xi32, #tpu.memory_space<vmem>> -> memref<80xi32, #tpu.memory_space<vmem>>
    %dma_start3A_16 = arith.constant 0 : i32
    %dma_start3A_17 = arith.constant 0 : i32
    %dma_start3A_18 = tpu.memref_slice %arg2[%dma_start3A_16, %dma_start3A_17] : memref<10000x128xbf16, #tpu.memory_space<hbm>> -> memref<10000x128xbf16, #tpu.memory_space<hbm>>
    tpu.enqueue_indirect_dma source(%dma_start3A_18 : memref<10000x128xbf16, #tpu.memory_space<hbm>>) target(%dma_start3A_13 : memref<80x128xbf16, #tpu.memory_space<vmem>>) offsets(%dma_start3A_15 : memref<80xi32, #tpu.memory_space<vmem>>) semaphore(%arg16 : memref<!tpu.dma_semaphore, #tpu.memory_space<semaphore_mem>>)
    %dma_start3A_19 = arith.constant 0 : i32
    %dma_start3A_20 = arith.constant 0 : i32
    %dma_start3A_21 = arith.constant 0 : i32
    %dma_start3A_22 = tpu.memref_slice %arg12[%dma_start3A_19, %dma_start3A_20, %dma_start3A_21] : memref<2x80x128xbf16, #tpu.memory_space<vmem>> -> memref<1x80x128xbf16, #tpu.memory_space<vmem>>
    %dma_start3A_23 = tpu.memref_squeeze %dma_start3A_22 : memref<1x80x128xbf16, #tpu.memory_space<vmem>> -> memref<80x128xbf16, #tpu.memory_space<vmem>>
    %dma_start3A_24 = arith.constant 0 : i32
    %dma_start3A_25 = tpu.memref_slice %arg8[%dma_start3A_24] : memref<10000xi32, #tpu.memory_space<vmem>> -> memref<80xi32, #tpu.memory_space<vmem>>
    %dma_start3A_26 = arith.constant 0 : i32
    %dma_start3A_27 = arith.constant 0 : i32
    %dma_start3A_28 = tpu.memref_slice %arg2[%dma_start3A_26, %dma_start3A_27] : memref<10000x128xbf16, #tpu.memory_space<hbm>> -> memref<10000x128xbf16, #tpu.memory_space<hbm>>
    tpu.enqueue_indirect_dma source(%dma_start3A_28 : memref<10000x128xbf16, #tpu.memory_space<hbm>>) target(%dma_start3A_23 : memref<80x128xbf16, #tpu.memory_space<vmem>>) offsets(%dma_start3A_25 : memref<80xi32, #tpu.memory_space<vmem>>) semaphore(%arg16 : memref<!tpu.dma_semaphore, #tpu.memory_space<semaphore_mem>>)
    %scan3A = arith.constant 0 : i32
    %scan3A_29 = arith.constant 62 : i32
    %scan3A_30 = arith.addi %scan3A, %scan3A_29 : i32
    %scan3A_31 = arith.constant 1 : i32
    scf.for %scan3A_133 = %scan3A to %scan3A_30 step %scan3A_31  : i32 {
      %mul3A_134 = arith.constant 2 : i32
      %mul3A_135 = arith.muli %scan3A_133, %mul3A_134 : i32
      %add3A_136 = arith.constant 0 : i32
      %add3A_137 = arith.addi %add3A_136, %mul3A_135 : i32
      %add3A_138 = arith.constant 0 : i32
      %add3A_139 = arith.addi %add3A_137, %add3A_138 : i32
      %dma_wait3A_140 = arith.constant 0 : i32
      %dma_wait3A_141 = arith.constant 0 : i32
      %dma_wait3A_142 = arith.constant 0 : i32
      %dma_wait3A_143 = tpu.memref_slice %arg11[%dma_wait3A_140, %dma_wait3A_141, %dma_wait3A_142] : memref<2x80x128xbf16, #tpu.memory_space<vmem>> -> memref<1x80x128xbf16, #tpu.memory_space<vmem>>
      %dma_wait3A_144 = tpu.memref_squeeze %dma_wait3A_143 : memref<1x80x128xbf16, #tpu.memory_space<vmem>> -> memref<80x128xbf16, #tpu.memory_space<vmem>>
      %dma_wait3A_145 = arith.constant 0 : i32
      %dma_wait3A_146 = tpu.memref_slice %arg7[%dma_wait3A_145] : memref<10000xi32, #tpu.memory_space<vmem>> -> memref<80xi32, #tpu.memory_space<vmem>>
      %dma_wait3A_147 = arith.constant 0 : i32
      %dma_wait3A_148 = arith.constant 0 : i32
      %dma_wait3A_149 = tpu.memref_slice %arg2[%dma_wait3A_147, %dma_wait3A_148] : memref<10000x128xbf16, #tpu.memory_space<hbm>> -> memref<10000x128xbf16, #tpu.memory_space<hbm>>
      tpu.wait_indirect_dma semaphore(%arg16 : memref<!tpu.dma_semaphore, #tpu.memory_space<semaphore_mem>>) src(%dma_wait3A_149 : memref<10000x128xbf16, #tpu.memory_space<hbm>>) dst(%dma_wait3A_144 : memref<80x128xbf16, #tpu.memory_space<vmem>>)
      %dma_wait3A_150 = arith.constant 0 : i32
      %dma_wait3A_151 = arith.constant 0 : i32
      %dma_wait3A_152 = arith.constant 0 : i32
      %dma_wait3A_153 = tpu.memref_slice %arg12[%dma_wait3A_150, %dma_wait3A_151, %dma_wait3A_152] : memref<2x80x128xbf16, #tpu.memory_space<vmem>> -> memref<1x80x128xbf16, #tpu.memory_space<vmem>>
      %dma_wait3A_154 = tpu.memref_squeeze %dma_wait3A_153 : memref<1x80x128xbf16, #tpu.memory_space<vmem>> -> memref<80x128xbf16, #tpu.memory_space<vmem>>
      %dma_wait3A_155 = arith.constant 0 : i32
      %dma_wait3A_156 = tpu.memref_slice %arg8[%dma_wait3A_155] : memref<10000xi32, #tpu.memory_space<vmem>> -> memref<80xi32, #tpu.memory_space<vmem>>
      %dma_wait3A_157 = arith.constant 0 : i32
      %dma_wait3A_158 = arith.constant 0 : i32
      %dma_wait3A_159 = tpu.memref_slice %arg2[%dma_wait3A_157, %dma_wait3A_158] : memref<10000x128xbf16, #tpu.memory_space<hbm>> -> memref<10000x128xbf16, #tpu.memory_space<hbm>>
      tpu.wait_indirect_dma semaphore(%arg16 : memref<!tpu.dma_semaphore, #tpu.memory_space<semaphore_mem>>) src(%dma_wait3A_159 : memref<10000x128xbf16, #tpu.memory_space<hbm>>) dst(%dma_wait3A_154 : memref<80x128xbf16, #tpu.memory_space<vmem>>)
      %add3A_160 = arith.constant 1 : i32
      %add3A_161 = arith.addi %add3A_139, %add3A_160 : i32
      %mul3A_162 = arith.constant 80 : i32
      %mul3A_163 = arith.muli %add3A_161, %mul3A_162 : i32
      %dma_start3A_164 = arith.constant 1 : i32
      %dma_start3A_165 = arith.constant 0 : i32
      %dma_start3A_166 = arith.constant 0 : i32
      %dma_start3A_167 = tpu.memref_slice %arg11[%dma_start3A_164, %dma_start3A_165, %dma_start3A_166] : memref<2x80x128xbf16, #tpu.memory_space<vmem>> -> memref<1x80x128xbf16, #tpu.memory_space<vmem>>
      %dma_start3A_168 = tpu.memref_squeeze %dma_start3A_167 : memref<1x80x128xbf16, #tpu.memory_space<vmem>> -> memref<80x128xbf16, #tpu.memory_space<vmem>>
      %dma_start3A_169 = tpu.memref_slice %arg7[%mul3A_163] : memref<10000xi32, #tpu.memory_space<vmem>> -> memref<80xi32, #tpu.memory_space<vmem>>
      %dma_start3A_170 = arith.constant 0 : i32
      %dma_start3A_171 = arith.constant 0 : i32
      %dma_start3A_172 = tpu.memref_slice %arg2[%dma_start3A_170, %dma_start3A_171] : memref<10000x128xbf16, #tpu.memory_space<hbm>> -> memref<10000x128xbf16, #tpu.memory_space<hbm>>
      tpu.enqueue_indirect_dma source(%dma_start3A_172 : memref<10000x128xbf16, #tpu.memory_space<hbm>>) target(%dma_start3A_168 : memref<80x128xbf16, #tpu.memory_space<vmem>>) offsets(%dma_start3A_169 : memref<80xi32, #tpu.memory_space<vmem>>) semaphore(%arg17 : memref<!tpu.dma_semaphore, #tpu.memory_space<semaphore_mem>>)
      %dma_start3A_173 = arith.constant 1 : i32
      %dma_start3A_174 = arith.constant 0 : i32
      %dma_start3A_175 = arith.constant 0 : i32
      %dma_start3A_176 = tpu.memref_slice %arg12[%dma_start3A_173, %dma_start3A_174, %dma_start3A_175] : memref<2x80x128xbf16, #tpu.memory_space<vmem>> -> memref<1x80x128xbf16, #tpu.memory_space<vmem>>
      %dma_start3A_177 = tpu.memref_squeeze %dma_start3A_176 : memref<1x80x128xbf16, #tpu.memory_space<vmem>> -> memref<80x128xbf16, #tpu.memory_space<vmem>>
      %dma_start3A_178 = tpu.memref_slice %arg8[%mul3A_163] : memref<10000xi32, #tpu.memory_space<vmem>> -> memref<80xi32, #tpu.memory_space<vmem>>
      %dma_start3A_179 = arith.constant 0 : i32
      %dma_start3A_180 = arith.constant 0 : i32
      %dma_start3A_181 = tpu.memref_slice %arg2[%dma_start3A_179, %dma_start3A_180] : memref<10000x128xbf16, #tpu.memory_space<hbm>> -> memref<10000x128xbf16, #tpu.memory_space<hbm>>
      tpu.enqueue_indirect_dma source(%dma_start3A_181 : memref<10000x128xbf16, #tpu.memory_space<hbm>>) target(%dma_start3A_177 : memref<80x128xbf16, #tpu.memory_space<vmem>>) offsets(%dma_start3A_178 : memref<80xi32, #tpu.memory_space<vmem>>) semaphore(%arg17 : memref<!tpu.dma_semaphore, #tpu.memory_space<semaphore_mem>>)
      %parallel_loop3A_182 = arith.constant 0 : i32
      %parallel_loop3A_183 = arith.constant 40 : i32
      %parallel_loop3A_184 = arith.constant 1 : i32
      scf.for %parallel_loop3A_432 = %parallel_loop3A_182 to %parallel_loop3A_183 step %parallel_loop3A_184  : i32 {
        %parallel_loop3A_433 = arith.constant 80 : i32
        %parallel_loop3A_434 = arith.muli %add3A_139, %parallel_loop3A_433 : i32
        %parallel_loop3A_435 = arith.constant 2 : i32
        %parallel_loop3A_436 = arith.muli %parallel_loop3A_435, %parallel_loop3A_432 : i32
        %parallel_loop3A_437 = arith.addi %parallel_loop3A_434, %parallel_loop3A_436 : i32
        %parallel_loop3A_438 = arith.index_cast %parallel_loop3A_437 : i32 to index
        %parallel_loop3A_439 = tpu.vector_load %arg9[%parallel_loop3A_438] {strides = array<i32>} : memref<10016xi32, #tpu.memory_space<vmem>>, vector<16xi32>,
        %parallel_loop3A_440 = arith.constant 2 : i32
        %parallel_loop3A_441 = arith.muli %parallel_loop3A_440, %parallel_loop3A_432 : i32
        %parallel_loop3A_442 = arith.constant 0 : i32
        %parallel_loop3A_443 = arith.addi %parallel_loop3A_441, %parallel_loop3A_442 : i32
        %parallel_loop3A_444 = vector.extract_strided_slice %parallel_loop3A_439 {offsets = [0], sizes = [1], strides = [1]} : vector<16xi32> to vector<1xi32>
        %parallel_loop3A_445 = vector.extract %parallel_loop3A_444[0] : i32 from vector<1xi32>
        %parallel_loop3A_446 = arith.constant 0 : i32
        %parallel_loop3A_447 = arith.index_cast %parallel_loop3A_446 : i32 to index
        %parallel_loop3A_448 = arith.index_cast %parallel_loop3A_443 : i32 to index
        %parallel_loop3A_449 = arith.constant 0 : index
        %parallel_loop3A_450 = tpu.vector_load %arg11[%parallel_loop3A_447, %parallel_loop3A_448, %parallel_loop3A_449] {strides = array<i32>} : memref<2x80x128xbf16, #tpu.memory_space<vmem>>, vector<32xbf16>,
        %parallel_loop3A_451 = arith.index_cast %parallel_loop3A_445 : i32 to index
        %parallel_loop3A_452 = arith.constant 0 : index
        %parallel_loop3A_453 = tpu.vector_load %arg10[%parallel_loop3A_451, %parallel_loop3A_452] {strides = array<i32>} : memref<1000x128xbf16, #tpu.memory_space<vmem>>, vector<32xbf16>,
        %parallel_loop3A_454 = arith.mulf %parallel_loop3A_450, %parallel_loop3A_453 : vector<32xbf16>
        %parallel_loop3A_455 = arith.constant 0 : i32
        %parallel_loop3A_456 = arith.index_cast %parallel_loop3A_455 : i32 to index
        %parallel_loop3A_457 = arith.index_cast %parallel_loop3A_443 : i32 to index
        %parallel_loop3A_458 = arith.constant 0 : index
        %parallel_loop3A_459 = tpu.vector_load %arg12[%parallel_loop3A_456, %parallel_loop3A_457, %parallel_loop3A_458] {strides = array<i32>} : memref<2x80x128xbf16, #tpu.memory_space<vmem>>, vector<32xbf16>,
        %parallel_loop3A_460 = arith.mulf %parallel_loop3A_454, %parallel_loop3A_459 : vector<32xbf16>
        %parallel_loop3A_461 = tpu.unpack_subelements %parallel_loop3A_460, 0 {pack_format = #tpu.pack_format<interleaved>} : vector<32xbf16> -> vector<16xf32>
        %parallel_loop3A_462 = tpu.unpack_subelements %parallel_loop3A_460, 1 {pack_format = #tpu.pack_format<interleaved>} : vector<32xbf16> -> vector<16xf32>
        %parallel_loop3A_463 = arith.addf %parallel_loop3A_461, %parallel_loop3A_462 : vector<16xf32>
        %parallel_loop3A_464 = arith.constant 0 : i32
        %parallel_loop3A_465 = arith.index_cast %parallel_loop3A_464 : i32 to index
        %parallel_loop3A_466 = arith.index_cast %parallel_loop3A_443 : i32 to index
        %parallel_loop3A_467 = arith.constant 32 : index
        %parallel_loop3A_468 = tpu.vector_load %arg11[%parallel_loop3A_465, %parallel_loop3A_466, %parallel_loop3A_467] {strides = array<i32>} : memref<2x80x128xbf16, #tpu.memory_space<vmem>>, vector<32xbf16>,
        %parallel_loop3A_469 = arith.index_cast %parallel_loop3A_445 : i32 to index
        %parallel_loop3A_470 = arith.constant 32 : index
        %parallel_loop3A_471 = tpu.vector_load %arg10[%parallel_loop3A_469, %parallel_loop3A_470] {strides = array<i32>} : memref<1000x128xbf16, #tpu.memory_space<vmem>>, vector<32xbf16>,
        %parallel_loop3A_472 = arith.mulf %parallel_loop3A_468, %parallel_loop3A_471 : vector<32xbf16>
        %parallel_loop3A_473 = arith.constant 0 : i32
        %parallel_loop3A_474 = arith.index_cast %parallel_loop3A_473 : i32 to index
        %parallel_loop3A_475 = arith.index_cast %parallel_loop3A_443 : i32 to index
        %parallel_loop3A_476 = arith.constant 32 : index
        %parallel_loop3A_477 = tpu.vector_load %arg12[%parallel_loop3A_474, %parallel_loop3A_475, %parallel_loop3A_476] {strides = array<i32>} : memref<2x80x128xbf16, #tpu.memory_space<vmem>>, vector<32xbf16>,
        %parallel_loop3A_478 = arith.mulf %parallel_loop3A_472, %parallel_loop3A_477 : vector<32xbf16>
        %parallel_loop3A_479 = tpu.unpack_subelements %parallel_loop3A_478, 0 {pack_format = #tpu.pack_format<interleaved>} : vector<32xbf16> -> vector<16xf32>
        %parallel_loop3A_480 = tpu.unpack_subelements %parallel_loop3A_478, 1 {pack_format = #tpu.pack_format<interleaved>} : vector<32xbf16> -> vector<16xf32>
        %parallel_loop3A_481 = arith.addf %parallel_loop3A_479, %parallel_loop3A_480 : vector<16xf32>
        %parallel_loop3A_482 = arith.constant 0 : i32
        %parallel_loop3A_483 = arith.index_cast %parallel_loop3A_482 : i32 to index
        %parallel_loop3A_484 = arith.index_cast %parallel_loop3A_443 : i32 to index
        %parallel_loop3A_485 = arith.constant 64 : index
        %parallel_loop3A_486 = tpu.vector_load %arg11[%parallel_loop3A_483, %parallel_loop3A_484, %parallel_loop3A_485] {strides = array<i32>} : memref<2x80x128xbf16, #tpu.memory_space<vmem>>, vector<32xbf16>,
        %parallel_loop3A_487 = arith.index_cast %parallel_loop3A_445 : i32 to index
        %parallel_loop3A_488 = arith.constant 64 : index
        %parallel_loop3A_489 = tpu.vector_load %arg10[%parallel_loop3A_487, %parallel_loop3A_488] {strides = array<i32>} : memref<1000x128xbf16, #tpu.memory_space<vmem>>, vector<32xbf16>,
        %parallel_loop3A_490 = arith.mulf %parallel_loop3A_486, %parallel_loop3A_489 : vector<32xbf16>
        %parallel_loop3A_491 = arith.constant 0 : i32
        %parallel_loop3A_492 = arith.index_cast %parallel_loop3A_491 : i32 to index
        %parallel_loop3A_493 = arith.index_cast %parallel_loop3A_443 : i32 to index
        %parallel_loop3A_494 = arith.constant 64 : index
        %parallel_loop3A_495 = tpu.vector_load %arg12[%parallel_loop3A_492, %parallel_loop3A_493, %parallel_loop3A_494] {strides = array<i32>} : memref<2x80x128xbf16, #tpu.memory_space<vmem>>, vector<32xbf16>,
        %parallel_loop3A_496 = arith.mulf %parallel_loop3A_490, %parallel_loop3A_495 : vector<32xbf16>
        %parallel_loop3A_497 = tpu.unpack_subelements %parallel_loop3A_496, 0 {pack_format = #tpu.pack_format<interleaved>} : vector<32xbf16> -> vector<16xf32>
        %parallel_loop3A_498 = tpu.unpack_subelements %parallel_loop3A_496, 1 {pack_format = #tpu.pack_format<interleaved>} : vector<32xbf16> -> vector<16xf32>
        %parallel_loop3A_499 = arith.addf %parallel_loop3A_497, %parallel_loop3A_498 : vector<16xf32>
        %parallel_loop3A_500 = arith.constant 0 : i32
        %parallel_loop3A_501 = arith.index_cast %parallel_loop3A_500 : i32 to index
        %parallel_loop3A_502 = arith.index_cast %parallel_loop3A_443 : i32 to index
        %parallel_loop3A_503 = arith.constant 96 : index
        %parallel_loop3A_504 = tpu.vector_load %arg11[%parallel_loop3A_501, %parallel_loop3A_502, %parallel_loop3A_503] {strides = array<i32>} : memref<2x80x128xbf16, #tpu.memory_space<vmem>>, vector<32xbf16>,
        %parallel_loop3A_505 = arith.index_cast %parallel_loop3A_445 : i32 to index
        %parallel_loop3A_506 = arith.constant 96 : index
        %parallel_loop3A_507 = tpu.vector_load %arg10[%parallel_loop3A_505, %parallel_loop3A_506] {strides = array<i32>} : memref<1000x128xbf16, #tpu.memory_space<vmem>>, vector<32xbf16>,
        %parallel_loop3A_508 = arith.mulf %parallel_loop3A_504, %parallel_loop3A_507 : vector<32xbf16>
        %parallel_loop3A_509 = arith.constant 0 : i32
        %parallel_loop3A_510 = arith.index_cast %parallel_loop3A_509 : i32 to index
        %parallel_loop3A_511 = arith.index_cast %parallel_loop3A_443 : i32 to index
        %parallel_loop3A_512 = arith.constant 96 : index
        %parallel_loop3A_513 = tpu.vector_load %arg12[%parallel_loop3A_510, %parallel_loop3A_511, %parallel_loop3A_512] {strides = array<i32>} : memref<2x80x128xbf16, #tpu.memory_space<vmem>>, vector<32xbf16>,
        %parallel_loop3A_514 = arith.mulf %parallel_loop3A_508, %parallel_loop3A_513 : vector<32xbf16>
        %parallel_loop3A_515 = tpu.unpack_subelements %parallel_loop3A_514, 0 {pack_format = #tpu.pack_format<interleaved>} : vector<32xbf16> -> vector<16xf32>
        %parallel_loop3A_516 = tpu.unpack_subelements %parallel_loop3A_514, 1 {pack_format = #tpu.pack_format<interleaved>} : vector<32xbf16> -> vector<16xf32>
        %parallel_loop3A_517 = arith.addf %parallel_loop3A_515, %parallel_loop3A_516 : vector<16xf32>
        %parallel_loop3A_518 = arith.addf %parallel_loop3A_463, %parallel_loop3A_481 : vector<16xf32>
        %parallel_loop3A_519 = arith.addf %parallel_loop3A_499, %parallel_loop3A_517 : vector<16xf32>
        %parallel_loop3A_520 = arith.addf %parallel_loop3A_518, %parallel_loop3A_519 : vector<16xf32>
        %parallel_loop3A_521 = arith.constant true
        %parallel_loop3A_522 = vector.broadcast %parallel_loop3A_521 : i1 to vector<16xi1>
        %parallel_loop3A_523 = tpu.scan <sum>, %parallel_loop3A_520 masked %parallel_loop3A_522 : vector<16xf32>, vector<16xi1> -> vector<16xf32>
        %parallel_loop3A_524 = arith.constant 16 : i32
        %parallel_loop3A_525 = arith.muli %parallel_loop3A_443, %parallel_loop3A_524 : i32
        %parallel_loop3A_526 = arith.index_cast %parallel_loop3A_525 : i32 to index
        %parallel_loop3A_527 = tpu.vector_load %arg13[%parallel_loop3A_526] masked %eq3A_9 {strides = array<i32>} : memref<1280xf32, #tpu.memory_space<vmem>>, vector<16xf32>, vector<16xi1>
        tpu.vector_store %arg13[%parallel_loop3A_526], %parallel_loop3A_523 masked %eq3A_9 {strides = array<i32>} : memref<1280xf32, #tpu.memory_space<vmem>>, vector<16xf32>, vector<16xi1>
        %parallel_loop3A_528 = arith.constant 2 : i32
        %parallel_loop3A_529 = arith.muli %parallel_loop3A_528, %parallel_loop3A_432 : i32
        %parallel_loop3A_530 = arith.constant 1 : i32
        %parallel_loop3A_531 = arith.addi %parallel_loop3A_529, %parallel_loop3A_530 : i32
        %parallel_loop3A_532 = vector.extract_strided_slice %parallel_loop3A_439 {offsets = [1], sizes = [1], strides = [1]} : vector<16xi32> to vector<1xi32>
        %parallel_loop3A_533 = vector.extract %parallel_loop3A_532[0] : i32 from vector<1xi32>
        %parallel_loop3A_534 = arith.constant 0 : i32
        %parallel_loop3A_535 = arith.index_cast %parallel_loop3A_534 : i32 to index
        %parallel_loop3A_536 = arith.index_cast %parallel_loop3A_531 : i32 to index
        %parallel_loop3A_537 = arith.constant 0 : index
        %parallel_loop3A_538 = tpu.vector_load %arg11[%parallel_loop3A_535, %parallel_loop3A_536, %parallel_loop3A_537] {strides = array<i32>} : memref<2x80x128xbf16, #tpu.memory_space<vmem>>, vector<32xbf16>,
        %parallel_loop3A_539 = arith.index_cast %parallel_loop3A_533 : i32 to index
        %parallel_loop3A_540 = arith.constant 0 : index
        %parallel_loop3A_541 = tpu.vector_load %arg10[%parallel_loop3A_539, %parallel_loop3A_540] {strides = array<i32>} : memref<1000x128xbf16, #tpu.memory_space<vmem>>, vector<32xbf16>,
        %parallel_loop3A_542 = arith.mulf %parallel_loop3A_538, %parallel_loop3A_541 : vector<32xbf16>
        %parallel_loop3A_543 = arith.constant 0 : i32
        %parallel_loop3A_544 = arith.index_cast %parallel_loop3A_543 : i32 to index
        %parallel_loop3A_545 = arith.index_cast %parallel_loop3A_531 : i32 to index
        %parallel_loop3A_546 = arith.constant 0 : index
        %parallel_loop3A_547 = tpu.vector_load %arg12[%parallel_loop3A_544, %parallel_loop3A_545, %parallel_loop3A_546] {strides = array<i32>} : memref<2x80x128xbf16, #tpu.memory_space<vmem>>, vector<32xbf16>,
        %parallel_loop3A_548 = arith.mulf %parallel_loop3A_542, %parallel_loop3A_547 : vector<32xbf16>
        %parallel_loop3A_549 = tpu.unpack_subelements %parallel_loop3A_548, 0 {pack_format = #tpu.pack_format<interleaved>} : vector<32xbf16> -> vector<16xf32>
        %parallel_loop3A_550 = tpu.unpack_subelements %parallel_loop3A_548, 1 {pack_format = #tpu.pack_format<interleaved>} : vector<32xbf16> -> vector<16xf32>
        %parallel_loop3A_551 = arith.addf %parallel_loop3A_549, %parallel_loop3A_550 : vector<16xf32>
        %parallel_loop3A_552 = arith.constant 0 : i32
        %parallel_loop3A_553 = arith.index_cast %parallel_loop3A_552 : i32 to index
        %parallel_loop3A_554 = arith.index_cast %parallel_loop3A_531 : i32 to index
        %parallel_loop3A_555 = arith.constant 32 : index
        %parallel_loop3A_556 = tpu.vector_load %arg11[%parallel_loop3A_553, %parallel_loop3A_554, %parallel_loop3A_555] {strides = array<i32>} : memref<2x80x128xbf16, #tpu.memory_space<vmem>>, vector<32xbf16>,
        %parallel_loop3A_557 = arith.index_cast %parallel_loop3A_533 : i32 to index
        %parallel_loop3A_558 = arith.constant 32 : index
        %parallel_loop3A_559 = tpu.vector_load %arg10[%parallel_loop3A_557, %parallel_loop3A_558] {strides = array<i32>} : memref<1000x128xbf16, #tpu.memory_space<vmem>>, vector<32xbf16>,
        %parallel_loop3A_560 = arith.mulf %parallel_loop3A_556, %parallel_loop3A_559 : vector<32xbf16>
        %parallel_loop3A_561 = arith.constant 0 : i32
        %parallel_loop3A_562 = arith.index_cast %parallel_loop3A_561 : i32 to index
        %parallel_loop3A_563 = arith.index_cast %parallel_loop3A_531 : i32 to index
        %parallel_loop3A_564 = arith.constant 32 : index
        %parallel_loop3A_565 = tpu.vector_load %arg12[%parallel_loop3A_562, %parallel_loop3A_563, %parallel_loop3A_564] {strides = array<i32>} : memref<2x80x128xbf16, #tpu.memory_space<vmem>>, vector<32xbf16>,
        %parallel_loop3A_566 = arith.mulf %parallel_loop3A_560, %parallel_loop3A_565 : vector<32xbf16>
        %parallel_loop3A_567 = tpu.unpack_subelements %parallel_loop3A_566, 0 {pack_format = #tpu.pack_format<interleaved>} : vector<32xbf16> -> vector<16xf32>
        %parallel_loop3A_568 = tpu.unpack_subelements %parallel_loop3A_566, 1 {pack_format = #tpu.pack_format<interleaved>} : vector<32xbf16> -> vector<16xf32>
        %parallel_loop3A_569 = arith.addf %parallel_loop3A_567, %parallel_loop3A_568 : vector<16xf32>
        %parallel_loop3A_570 = arith.constant 0 : i32
        %parallel_loop3A_571 = arith.index_cast %parallel_loop3A_570 : i32 to index
        %parallel_loop3A_572 = arith.index_cast %parallel_loop3A_531 : i32 to index
        %parallel_loop3A_573 = arith.constant 64 : index
        %parallel_loop3A_574 = tpu.vector_load %arg11[%parallel_loop3A_571, %parallel_loop3A_572, %parallel_loop3A_573] {strides = array<i32>} : memref<2x80x128xbf16, #tpu.memory_space<vmem>>, vector<32xbf16>,
        %parallel_loop3A_575 = arith.index_cast %parallel_loop3A_533 : i32 to index
        %parallel_loop3A_576 = arith.constant 64 : index
        %parallel_loop3A_577 = tpu.vector_load %arg10[%parallel_loop3A_575, %parallel_loop3A_576] {strides = array<i32>} : memref<1000x128xbf16, #tpu.memory_space<vmem>>, vector<32xbf16>,
        %parallel_loop3A_578 = arith.mulf %parallel_loop3A_574, %parallel_loop3A_577 : vector<32xbf16>
        %parallel_loop3A_579 = arith.constant 0 : i32
        %parallel_loop3A_580 = arith.index_cast %parallel_loop3A_579 : i32 to index
        %parallel_loop3A_581 = arith.index_cast %parallel_loop3A_531 : i32 to index
        %parallel_loop3A_582 = arith.constant 64 : index
        %parallel_loop3A_583 = tpu.vector_load %arg12[%parallel_loop3A_580, %parallel_loop3A_581, %parallel_loop3A_582] {strides = array<i32>} : memref<2x80x128xbf16, #tpu.memory_space<vmem>>, vector<32xbf16>,
        %parallel_loop3A_584 = arith.mulf %parallel_loop3A_578, %parallel_loop3A_583 : vector<32xbf16>
        %parallel_loop3A_585 = tpu.unpack_subelements %parallel_loop3A_584, 0 {pack_format = #tpu.pack_format<interleaved>} : vector<32xbf16> -> vector<16xf32>
        %parallel_loop3A_586 = tpu.unpack_subelements %parallel_loop3A_584, 1 {pack_format = #tpu.pack_format<interleaved>} : vector<32xbf16> -> vector<16xf32>
        %parallel_loop3A_587 = arith.addf %parallel_loop3A_585, %parallel_loop3A_586 : vector<16xf32>
        %parallel_loop3A_588 = arith.constant 0 : i32
        %parallel_loop3A_589 = arith.index_cast %parallel_loop3A_588 : i32 to index
        %parallel_loop3A_590 = arith.index_cast %parallel_loop3A_531 : i32 to index
        %parallel_loop3A_591 = arith.constant 96 : index
        %parallel_loop3A_592 = tpu.vector_load %arg11[%parallel_loop3A_589, %parallel_loop3A_590, %parallel_loop3A_591] {strides = array<i32>} : memref<2x80x128xbf16, #tpu.memory_space<vmem>>, vector<32xbf16>,
        %parallel_loop3A_593 = arith.index_cast %parallel_loop3A_533 : i32 to index
        %parallel_loop3A_594 = arith.constant 96 : index
        %parallel_loop3A_595 = tpu.vector_load %arg10[%parallel_loop3A_593, %parallel_loop3A_594] {strides = array<i32>} : memref<1000x128xbf16, #tpu.memory_space<vmem>>, vector<32xbf16>,
        %parallel_loop3A_596 = arith.mulf %parallel_loop3A_592, %parallel_loop3A_595 : vector<32xbf16>
        %parallel_loop3A_597 = arith.constant 0 : i32
        %parallel_loop3A_598 = arith.index_cast %parallel_loop3A_597 : i32 to index
        %parallel_loop3A_599 = arith.index_cast %parallel_loop3A_531 : i32 to index
        %parallel_loop3A_600 = arith.constant 96 : index
        %parallel_loop3A_601 = tpu.vector_load %arg12[%parallel_loop3A_598, %parallel_loop3A_599, %parallel_loop3A_600] {strides = array<i32>} : memref<2x80x128xbf16, #tpu.memory_space<vmem>>, vector<32xbf16>,
        %parallel_loop3A_602 = arith.mulf %parallel_loop3A_596, %parallel_loop3A_601 : vector<32xbf16>
        %parallel_loop3A_603 = tpu.unpack_subelements %parallel_loop3A_602, 0 {pack_format = #tpu.pack_format<interleaved>} : vector<32xbf16> -> vector<16xf32>
        %parallel_loop3A_604 = tpu.unpack_subelements %parallel_loop3A_602, 1 {pack_format = #tpu.pack_format<interleaved>} : vector<32xbf16> -> vector<16xf32>
        %parallel_loop3A_605 = arith.addf %parallel_loop3A_603, %parallel_loop3A_604 : vector<16xf32>
        %parallel_loop3A_606 = arith.addf %parallel_loop3A_551, %parallel_loop3A_569 : vector<16xf32>
        %parallel_loop3A_607 = arith.addf %parallel_loop3A_587, %parallel_loop3A_605 : vector<16xf32>
        %parallel_loop3A_608 = arith.addf %parallel_loop3A_606, %parallel_loop3A_607 : vector<16xf32>
        %parallel_loop3A_609 = arith.constant true
        %parallel_loop3A_610 = vector.broadcast %parallel_loop3A_609 : i1 to vector<16xi1>
        %parallel_loop3A_611 = tpu.scan <sum>, %parallel_loop3A_608 masked %parallel_loop3A_610 : vector<16xf32>, vector<16xi1> -> vector<16xf32>
        %parallel_loop3A_612 = arith.constant 16 : i32
        %parallel_loop3A_613 = arith.muli %parallel_loop3A_531, %parallel_loop3A_612 : i32
        %parallel_loop3A_614 = arith.index_cast %parallel_loop3A_613 : i32 to index
        %parallel_loop3A_615 = tpu.vector_load %arg13[%parallel_loop3A_614] masked %eq3A_9 {strides = array<i32>} : memref<1280xf32, #tpu.memory_space<vmem>>, vector<16xf32>, vector<16xi1>
        tpu.vector_store %arg13[%parallel_loop3A_614], %parallel_loop3A_611 masked %eq3A_9 {strides = array<i32>} : memref<1280xf32, #tpu.memory_space<vmem>>, vector<16xf32>, vector<16xi1>
      } {sc.loop_unroll_factor = 4 : i64, sc.parallel_access}
      %add3A_185 = arith.constant 0 : i32
      %add3A_186 = vector.broadcast %add3A_185 : i32 to vector<16xi32>
      %add3A_187 = arith.addi %mul3A_6, %add3A_186 : vector<16xi32>
      %gather3A_188 = tpu.vector_load_idx %arg13[%add3A_187] : memref<1280xf32, #tpu.memory_space<vmem>>[vector<16xi32>], vector<16xf32>,
      %neg3A_189 = arith.constant 0.000000e+00 : f32
      %neg3A_190 = vector.broadcast %neg3A_189 : f32 to vector<16xf32>
      %neg3A_191 = arith.subf %neg3A_190, %gather3A_188 : vector<16xf32>
      %exp3A_192 = math.exp %neg3A_191 : vector<16xf32>
      %add3A_193 = arith.constant 1.000000e+00 : f32
      %add3A_194 = vector.broadcast %add3A_193 : f32 to vector<16xf32>
      %add3A_195 = arith.addf %add3A_194, %exp3A_192 : vector<16xf32>
      %div3A_196 = arith.constant 1.000000e+00 : f32
      %div3A_197 = vector.broadcast %div3A_196 : f32 to vector<16xf32>
      %div3A_198 = arith.divf %div3A_197, %add3A_195 : vector<16xf32>
      %mul3A_199 = arith.constant 80 : i32
      %mul3A_200 = arith.muli %add3A_139, %mul3A_199 : i32
      %add3A_201 = arith.constant 0 : i32
      %add3A_202 = arith.addi %mul3A_200, %add3A_201 : i32
      %swap3A_203 = arith.index_cast %add3A_202 : i32 to index
      %swap3A_204 = tpu.vector_load %arg15[%swap3A_203] {strides = array<i32>} : memref<10000xf32, #tpu.memory_space<vmem>>, vector<16xf32>,
      tpu.vector_store %arg15[%swap3A_203], %div3A_198 {strides = array<i32>} : memref<10000xf32, #tpu.memory_space<vmem>>, vector<16xf32>,
      %add3A_205 = arith.constant 256 : i32
      %add3A_206 = vector.broadcast %add3A_205 : i32 to vector<16xi32>
      %add3A_207 = arith.addi %mul3A_6, %add3A_206 : vector<16xi32>
      %gather3A_208 = tpu.vector_load_idx %arg13[%add3A_207] : memref<1280xf32, #tpu.memory_space<vmem>>[vector<16xi32>], vector<16xf32>,
      %neg3A_209 = arith.constant 0.000000e+00 : f32
      %neg3A_210 = vector.broadcast %neg3A_209 : f32 to vector<16xf32>
      %neg3A_211 = arith.subf %neg3A_210, %gather3A_208 : vector<16xf32>
      %exp3A_212 = math.exp %neg3A_211 : vector<16xf32>
      %add3A_213 = arith.constant 1.000000e+00 : f32
      %add3A_214 = vector.broadcast %add3A_213 : f32 to vector<16xf32>
      %add3A_215 = arith.addf %add3A_214, %exp3A_212 : vector<16xf32>
      %div3A_216 = arith.constant 1.000000e+00 : f32
      %div3A_217 = vector.broadcast %div3A_216 : f32 to vector<16xf32>
      %div3A_218 = arith.divf %div3A_217, %add3A_215 : vector<16xf32>
      %mul3A_219 = arith.constant 80 : i32
      %mul3A_220 = arith.muli %add3A_139, %mul3A_219 : i32
      %add3A_221 = arith.constant 16 : i32
      %add3A_222 = arith.addi %mul3A_220, %add3A_221 : i32
      %swap3A_223 = arith.index_cast %add3A_222 : i32 to index
      %swap3A_224 = tpu.vector_load %arg15[%swap3A_223] {strides = array<i32>} : memref<10000xf32, #tpu.memory_space<vmem>>, vector<16xf32>,
      tpu.vector_store %arg15[%swap3A_223], %div3A_218 {strides = array<i32>} : memref<10000xf32, #tpu.memory_space<vmem>>, vector<16xf32>,
      %add3A_225 = arith.constant 512 : i32
      %add3A_226 = vector.broadcast %add3A_225 : i32 to vector<16xi32>
      %add3A_227 = arith.addi %mul3A_6, %add3A_226 : vector<16xi32>
      %gather3A_228 = tpu.vector_load_idx %arg13[%add3A_227] : memref<1280xf32, #tpu.memory_space<vmem>>[vector<16xi32>], vector<16xf32>,
      %neg3A_229 = arith.constant 0.000000e+00 : f32
      %neg3A_230 = vector.broadcast %neg3A_229 : f32 to vector<16xf32>
      %neg3A_231 = arith.subf %neg3A_230, %gather3A_228 : vector<16xf32>
      %exp3A_232 = math.exp %neg3A_231 : vector<16xf32>
      %add3A_233 = arith.constant 1.000000e+00 : f32
      %add3A_234 = vector.broadcast %add3A_233 : f32 to vector<16xf32>
      %add3A_235 = arith.addf %add3A_234, %exp3A_232 : vector<16xf32>
      %div3A_236 = arith.constant 1.000000e+00 : f32
      %div3A_237 = vector.broadcast %div3A_236 : f32 to vector<16xf32>
      %div3A_238 = arith.divf %div3A_237, %add3A_235 : vector<16xf32>
      %mul3A_239 = arith.constant 80 : i32
      %mul3A_240 = arith.muli %add3A_139, %mul3A_239 : i32
      %add3A_241 = arith.constant 32 : i32
      %add3A_242 = arith.addi %mul3A_240, %add3A_241 : i32
      %swap3A_243 = arith.index_cast %add3A_242 : i32 to index
      %swap3A_244 = tpu.vector_load %arg15[%swap3A_243] {strides = array<i32>} : memref<10000xf32, #tpu.memory_space<vmem>>, vector<16xf32>,
      tpu.vector_store %arg15[%swap3A_243], %div3A_238 {strides = array<i32>} : memref<10000xf32, #tpu.memory_space<vmem>>, vector<16xf32>,
      %add3A_245 = arith.constant 768 : i32
      %add3A_246 = vector.broadcast %add3A_245 : i32 to vector<16xi32>
      %add3A_247 = arith.addi %mul3A_6, %add3A_246 : vector<16xi32>
      %gather3A_248 = tpu.vector_load_idx %arg13[%add3A_247] : memref<1280xf32, #tpu.memory_space<vmem>>[vector<16xi32>], vector<16xf32>,
      %neg3A_249 = arith.constant 0.000000e+00 : f32
      %neg3A_250 = vector.broadcast %neg3A_249 : f32 to vector<16xf32>
      %neg3A_251 = arith.subf %neg3A_250, %gather3A_248 : vector<16xf32>
      %exp3A_252 = math.exp %neg3A_251 : vector<16xf32>
      %add3A_253 = arith.constant 1.000000e+00 : f32
      %add3A_254 = vector.broadcast %add3A_253 : f32 to vector<16xf32>
      %add3A_255 = arith.addf %add3A_254, %exp3A_252 : vector<16xf32>
      %div3A_256 = arith.constant 1.000000e+00 : f32
      %div3A_257 = vector.broadcast %div3A_256 : f32 to vector<16xf32>
      %div3A_258 = arith.divf %div3A_257, %add3A_255 : vector<16xf32>
      %mul3A_259 = arith.constant 80 : i32
      %mul3A_260 = arith.muli %add3A_139, %mul3A_259 : i32
      %add3A_261 = arith.constant 48 : i32
      %add3A_262 = arith.addi %mul3A_260, %add3A_261 : i32
      %swap3A_263 = arith.index_cast %add3A_262 : i32 to index
      %swap3A_264 = tpu.vector_load %arg15[%swap3A_263] {strides = array<i32>} : memref<10000xf32, #tpu.memory_space<vmem>>, vector<16xf32>,
      tpu.vector_store %arg15[%swap3A_263], %div3A_258 {strides = array<i32>} : memref<10000xf32, #tpu.memory_space<vmem>>, vector<16xf32>,
      %add3A_265 = arith.constant 1024 : i32
      %add3A_266 = vector.broadcast %add3A_265 : i32 to vector<16xi32>
      %add3A_267 = arith.addi %mul3A_6, %add3A_266 : vector<16xi32>
      %gather3A_268 = tpu.vector_load_idx %arg13[%add3A_267] : memref<1280xf32, #tpu.memory_space<vmem>>[vector<16xi32>], vector<16xf32>,
      %neg3A_269 = arith.constant 0.000000e+00 : f32
      %neg3A_270 = vector.broadcast %neg3A_269 : f32 to vector<16xf32>
      %neg3A_271 = arith.subf %neg3A_270, %gather3A_268 : vector<16xf32>
      %exp3A_272 = math.exp %neg3A_271 : vector<16xf32>
      %add3A_273 = arith.constant 1.000000e+00 : f32
      %add3A_274 = vector.broadcast %add3A_273 : f32 to vector<16xf32>
      %add3A_275 = arith.addf %add3A_274, %exp3A_272 : vector<16xf32>
      %div3A_276 = arith.constant 1.000000e+00 : f32
      %div3A_277 = vector.broadcast %div3A_276 : f32 to vector<16xf32>
      %div3A_278 = arith.divf %div3A_277, %add3A_275 : vector<16xf32>
      %mul3A_279 = arith.constant 80 : i32
      %mul3A_280 = arith.muli %add3A_139, %mul3A_279 : i32
      %add3A_281 = arith.constant 64 : i32
      %add3A_282 = arith.addi %mul3A_280, %add3A_281 : i32
      %swap3A_283 = arith.index_cast %add3A_282 : i32 to index
      %swap3A_284 = tpu.vector_load %arg15[%swap3A_283] {strides = array<i32>} : memref<10000xf32, #tpu.memory_space<vmem>>, vector<16xf32>,
      tpu.vector_store %arg15[%swap3A_283], %div3A_278 {strides = array<i32>} : memref<10000xf32, #tpu.memory_space<vmem>>, vector<16xf32>,
      %add3A_285 = arith.constant 1 : i32
      %add3A_286 = arith.addi %add3A_137, %add3A_285 : i32
      %dma_wait3A_287 = arith.constant 1 : i32
      %dma_wait3A_288 = arith.constant 0 : i32
      %dma_wait3A_289 = arith.constant 0 : i32
      %dma_wait3A_290 = tpu.memref_slice %arg11[%dma_wait3A_287, %dma_wait3A_288, %dma_wait3A_289] : memref<2x80x128xbf16, #tpu.memory_space<vmem>> -> memref<1x80x128xbf16, #tpu.memory_space<vmem>>
      %dma_wait3A_291 = tpu.memref_squeeze %dma_wait3A_290 : memref<1x80x128xbf16, #tpu.memory_space<vmem>> -> memref<80x128xbf16, #tpu.memory_space<vmem>>
      %dma_wait3A_292 = arith.constant 0 : i32
      %dma_wait3A_293 = tpu.memref_slice %arg7[%dma_wait3A_292] : memref<10000xi32, #tpu.memory_space<vmem>> -> memref<80xi32, #tpu.memory_space<vmem>>
      %dma_wait3A_294 = arith.constant 0 : i32
      %dma_wait3A_295 = arith.constant 0 : i32
      %dma_wait3A_296 = tpu.memref_slice %arg2[%dma_wait3A_294, %dma_wait3A_295] : memref<10000x128xbf16, #tpu.memory_space<hbm>> -> memref<10000x128xbf16, #tpu.memory_space<hbm>>
      tpu.wait_indirect_dma semaphore(%arg17 : memref<!tpu.dma_semaphore, #tpu.memory_space<semaphore_mem>>) src(%dma_wait3A_296 : memref<10000x128xbf16, #tpu.memory_space<hbm>>) dst(%dma_wait3A_291 : memref<80x128xbf16, #tpu.memory_space<vmem>>)
      %dma_wait3A_297 = arith.constant 1 : i32
      %dma_wait3A_298 = arith.constant 0 : i32
      %dma_wait3A_299 = arith.constant 0 : i32
      %dma_wait3A_300 = tpu.memref_slice %arg12[%dma_wait3A_297, %dma_wait3A_298, %dma_wait3A_299] : memref<2x80x128xbf16, #tpu.memory_space<vmem>> -> memref<1x80x128xbf16, #tpu.memory_space<vmem>>
      %dma_wait3A_301 = tpu.memref_squeeze %dma_wait3A_300 : memref<1x80x128xbf16, #tpu.memory_space<vmem>> -> memref<80x128xbf16, #tpu.memory_space<vmem>>
      %dma_wait3A_302 = arith.constant 0 : i32
      %dma_wait3A_303 = tpu.memref_slice %arg8[%dma_wait3A_302] : memref<10000xi32, #tpu.memory_space<vmem>> -> memref<80xi32, #tpu.memory_space<vmem>>
      %dma_wait3A_304 = arith.constant 0 : i32
      %dma_wait3A_305 = arith.constant 0 : i32
      %dma_wait3A_306 = tpu.memref_slice %arg2[%dma_wait3A_304, %dma_wait3A_305] : memref<10000x128xbf16, #tpu.memory_space<hbm>> -> memref<10000x128xbf16, #tpu.memory_space<hbm>>
      tpu.wait_indirect_dma semaphore(%arg17 : memref<!tpu.dma_semaphore, #tpu.memory_space<semaphore_mem>>) src(%dma_wait3A_306 : memref<10000x128xbf16, #tpu.memory_space<hbm>>) dst(%dma_wait3A_301 : memref<80x128xbf16, #tpu.memory_space<vmem>>)
      %add3A_307 = arith.constant 1 : i32
      %add3A_308 = arith.addi %add3A_286, %add3A_307 : i32
      %mul3A_309 = arith.constant 80 : i32
      %mul3A_310 = arith.muli %add3A_308, %mul3A_309 : i32
      %dma_start3A_311 = arith.constant 0 : i32
      %dma_start3A_312 = arith.constant 0 : i32
      %dma_start3A_313 = arith.constant 0 : i32
      %dma_start3A_314 = tpu.memref_slice %arg11[%dma_start3A_311, %dma_start3A_312, %dma_start3A_313] : memref<2x80x128xbf16, #tpu.memory_space<vmem>> -> memref<1x80x128xbf16, #tpu.memory_space<vmem>>
      %dma_start3A_315 = tpu.memref_squeeze %dma_start3A_314 : memref<1x80x128xbf16, #tpu.memory_space<vmem>> -> memref<80x128xbf16, #tpu.memory_space<vmem>>
      %dma_start3A_316 = tpu.memref_slice %arg7[%mul3A_310] : memref<10000xi32, #tpu.memory_space<vmem>> -> memref<80xi32, #tpu.memory_space<vmem>>
      %dma_start3A_317 = arith.constant 0 : i32
      %dma_start3A_318 = arith.constant 0 : i32
      %dma_start3A_319 = tpu.memref_slice %arg2[%dma_start3A_317, %dma_start3A_318] : memref<10000x128xbf16, #tpu.memory_space<hbm>> -> memref<10000x128xbf16, #tpu.memory_space<hbm>>
      tpu.enqueue_indirect_dma source(%dma_start3A_319 : memref<10000x128xbf16, #tpu.memory_space<hbm>>) target(%dma_start3A_315 : memref<80x128xbf16, #tpu.memory_space<vmem>>) offsets(%dma_start3A_316 : memref<80xi32, #tpu.memory_space<vmem>>) semaphore(%arg16 : memref<!tpu.dma_semaphore, #tpu.memory_space<semaphore_mem>>)
      %dma_start3A_320 = arith.constant 0 : i32
      %dma_start3A_321 = arith.constant 0 : i32
      %dma_start3A_322 = arith.constant 0 : i32
      %dma_start3A_323 = tpu.memref_slice %arg12[%dma_start3A_320, %dma_start3A_321, %dma_start3A_322] : memref<2x80x128xbf16, #tpu.memory_space<vmem>> -> memref<1x80x128xbf16, #tpu.memory_space<vmem>>
      %dma_start3A_324 = tpu.memref_squeeze %dma_start3A_323 : memref<1x80x128xbf16, #tpu.memory_space<vmem>> -> memref<80x128xbf16, #tpu.memory_space<vmem>>
      %dma_start3A_325 = tpu.memref_slice %arg8[%mul3A_310] : memref<10000xi32, #tpu.memory_space<vmem>> -> memref<80xi32, #tpu.memory_space<vmem>>
      %dma_start3A_326 = arith.constant 0 : i32
      %dma_start3A_327 = arith.constant 0 : i32
      %dma_start3A_328 = tpu.memref_slice %arg2[%dma_start3A_326, %dma_start3A_327] : memref<10000x128xbf16, #tpu.memory_space<hbm>> -> memref<10000x128xbf16, #tpu.memory_space<hbm>>
      tpu.enqueue_indirect_dma source(%dma_start3A_328 : memref<10000x128xbf16, #tpu.memory_space<hbm>>) target(%dma_start3A_324 : memref<80x128xbf16, #tpu.memory_space<vmem>>) offsets(%dma_start3A_325 : memref<80xi32, #tpu.memory_space<vmem>>) semaphore(%arg16 : memref<!tpu.dma_semaphore, #tpu.memory_space<semaphore_mem>>)
      %parallel_loop3A_329 = arith.constant 0 : i32
      %parallel_loop3A_330 = arith.constant 40 : i32
      %parallel_loop3A_331 = arith.constant 1 : i32
      scf.for %parallel_loop3A_432 = %parallel_loop3A_329 to %parallel_loop3A_330 step %parallel_loop3A_331  : i32 {
        %parallel_loop3A_433 = arith.constant 80 : i32
        %parallel_loop3A_434 = arith.muli %add3A_286, %parallel_loop3A_433 : i32
        %parallel_loop3A_435 = arith.constant 2 : i32
        %parallel_loop3A_436 = arith.muli %parallel_loop3A_435, %parallel_loop3A_432 : i32
        %parallel_loop3A_437 = arith.addi %parallel_loop3A_434, %parallel_loop3A_436 : i32
        %parallel_loop3A_438 = arith.index_cast %parallel_loop3A_437 : i32 to index
        %parallel_loop3A_439 = tpu.vector_load %arg9[%parallel_loop3A_438] {strides = array<i32>} : memref<10016xi32, #tpu.memory_space<vmem>>, vector<16xi32>,
        %parallel_loop3A_440 = arith.constant 2 : i32
        %parallel_loop3A_441 = arith.muli %parallel_loop3A_440, %parallel_loop3A_432 : i32
        %parallel_loop3A_442 = arith.constant 0 : i32
        %parallel_loop3A_443 = arith.addi %parallel_loop3A_441, %parallel_loop3A_442 : i32
        %parallel_loop3A_444 = vector.extract_strided_slice %parallel_loop3A_439 {offsets = [0], sizes = [1], strides = [1]} : vector<16xi32> to vector<1xi32>
        %parallel_loop3A_445 = vector.extract %parallel_loop3A_444[0] : i32 from vector<1xi32>
        %parallel_loop3A_446 = arith.constant 1 : i32
        %parallel_loop3A_447 = arith.index_cast %parallel_loop3A_446 : i32 to index
        %parallel_loop3A_448 = arith.index_cast %parallel_loop3A_443 : i32 to index
        %parallel_loop3A_449 = arith.constant 0 : index
        %parallel_loop3A_450 = tpu.vector_load %arg11[%parallel_loop3A_447, %parallel_loop3A_448, %parallel_loop3A_449] {strides = array<i32>} : memref<2x80x128xbf16, #tpu.memory_space<vmem>>, vector<32xbf16>,
        %parallel_loop3A_451 = arith.index_cast %parallel_loop3A_445 : i32 to index
        %parallel_loop3A_452 = arith.constant 0 : index
        %parallel_loop3A_453 = tpu.vector_load %arg10[%parallel_loop3A_451, %parallel_loop3A_452] {strides = array<i32>} : memref<1000x128xbf16, #tpu.memory_space<vmem>>, vector<32xbf16>,
        %parallel_loop3A_454 = arith.mulf %parallel_loop3A_450, %parallel_loop3A_453 : vector<32xbf16>
        %parallel_loop3A_455 = arith.constant 1 : i32
        %parallel_loop3A_456 = arith.index_cast %parallel_loop3A_455 : i32 to index
        %parallel_loop3A_457 = arith.index_cast %parallel_loop3A_443 : i32 to index
        %parallel_loop3A_458 = arith.constant 0 : index
        %parallel_loop3A_459 = tpu.vector_load %arg12[%parallel_loop3A_456, %parallel_loop3A_457, %parallel_loop3A_458] {strides = array<i32>} : memref<2x80x128xbf16, #tpu.memory_space<vmem>>, vector<32xbf16>,
        %parallel_loop3A_460 = arith.mulf %parallel_loop3A_454, %parallel_loop3A_459 : vector<32xbf16>
        %parallel_loop3A_461 = tpu.unpack_subelements %parallel_loop3A_460, 0 {pack_format = #tpu.pack_format<interleaved>} : vector<32xbf16> -> vector<16xf32>
        %parallel_loop3A_462 = tpu.unpack_subelements %parallel_loop3A_460, 1 {pack_format = #tpu.pack_format<interleaved>} : vector<32xbf16> -> vector<16xf32>
        %parallel_loop3A_463 = arith.addf %parallel_loop3A_461, %parallel_loop3A_462 : vector<16xf32>
        %parallel_loop3A_464 = arith.constant 1 : i32
        %parallel_loop3A_465 = arith.index_cast %parallel_loop3A_464 : i32 to index
        %parallel_loop3A_466 = arith.index_cast %parallel_loop3A_443 : i32 to index
        %parallel_loop3A_467 = arith.constant 32 : index
        %parallel_loop3A_468 = tpu.vector_load %arg11[%parallel_loop3A_465, %parallel_loop3A_466, %parallel_loop3A_467] {strides = array<i32>} : memref<2x80x128xbf16, #tpu.memory_space<vmem>>, vector<32xbf16>,
        %parallel_loop3A_469 = arith.index_cast %parallel_loop3A_445 : i32 to index
        %parallel_loop3A_470 = arith.constant 32 : index
        %parallel_loop3A_471 = tpu.vector_load %arg10[%parallel_loop3A_469, %parallel_loop3A_470] {strides = array<i32>} : memref<1000x128xbf16, #tpu.memory_space<vmem>>, vector<32xbf16>,
        %parallel_loop3A_472 = arith.mulf %parallel_loop3A_468, %parallel_loop3A_471 : vector<32xbf16>
        %parallel_loop3A_473 = arith.constant 1 : i32
        %parallel_loop3A_474 = arith.index_cast %parallel_loop3A_473 : i32 to index
        %parallel_loop3A_475 = arith.index_cast %parallel_loop3A_443 : i32 to index
        %parallel_loop3A_476 = arith.constant 32 : index
        %parallel_loop3A_477 = tpu.vector_load %arg12[%parallel_loop3A_474, %parallel_loop3A_475, %parallel_loop3A_476] {strides = array<i32>} : memref<2x80x128xbf16, #tpu.memory_space<vmem>>, vector<32xbf16>,
        %parallel_loop3A_478 = arith.mulf %parallel_loop3A_472, %parallel_loop3A_477 : vector<32xbf16>
        %parallel_loop3A_479 = tpu.unpack_subelements %parallel_loop3A_478, 0 {pack_format = #tpu.pack_format<interleaved>} : vector<32xbf16> -> vector<16xf32>
        %parallel_loop3A_480 = tpu.unpack_subelements %parallel_loop3A_478, 1 {pack_format = #tpu.pack_format<interleaved>} : vector<32xbf16> -> vector<16xf32>
        %parallel_loop3A_481 = arith.addf %parallel_loop3A_479, %parallel_loop3A_480 : vector<16xf32>
        %parallel_loop3A_482 = arith.constant 1 : i32
        %parallel_loop3A_483 = arith.index_cast %parallel_loop3A_482 : i32 to index
        %parallel_loop3A_484 = arith.index_cast %parallel_loop3A_443 : i32 to index
        %parallel_loop3A_485 = arith.constant 64 : index
        %parallel_loop3A_486 = tpu.vector_load %arg11[%parallel_loop3A_483, %parallel_loop3A_484, %parallel_loop3A_485] {strides = array<i32>} : memref<2x80x128xbf16, #tpu.memory_space<vmem>>, vector<32xbf16>,
        %parallel_loop3A_487 = arith.index_cast %parallel_loop3A_445 : i32 to index
        %parallel_loop3A_488 = arith.constant 64 : index
        %parallel_loop3A_489 = tpu.vector_load %arg10[%parallel_loop3A_487, %parallel_loop3A_488] {strides = array<i32>} : memref<1000x128xbf16, #tpu.memory_space<vmem>>, vector<32xbf16>,
        %parallel_loop3A_490 = arith.mulf %parallel_loop3A_486, %parallel_loop3A_489 : vector<32xbf16>
        %parallel_loop3A_491 = arith.constant 1 : i32
        %parallel_loop3A_492 = arith.index_cast %parallel_loop3A_491 : i32 to index
        %parallel_loop3A_493 = arith.index_cast %parallel_loop3A_443 : i32 to index
        %parallel_loop3A_494 = arith.constant 64 : index
        %parallel_loop3A_495 = tpu.vector_load %arg12[%parallel_loop3A_492, %parallel_loop3A_493, %parallel_loop3A_494] {strides = array<i32>} : memref<2x80x128xbf16, #tpu.memory_space<vmem>>, vector<32xbf16>,
        %parallel_loop3A_496 = arith.mulf %parallel_loop3A_490, %parallel_loop3A_495 : vector<32xbf16>
        %parallel_loop3A_497 = tpu.unpack_subelements %parallel_loop3A_496, 0 {pack_format = #tpu.pack_format<interleaved>} : vector<32xbf16> -> vector<16xf32>
        %parallel_loop3A_498 = tpu.unpack_subelements %parallel_loop3A_496, 1 {pack_format = #tpu.pack_format<interleaved>} : vector<32xbf16> -> vector<16xf32>
        %parallel_loop3A_499 = arith.addf %parallel_loop3A_497, %parallel_loop3A_498 : vector<16xf32>
        %parallel_loop3A_500 = arith.constant 1 : i32
        %parallel_loop3A_501 = arith.index_cast %parallel_loop3A_500 : i32 to index
        %parallel_loop3A_502 = arith.index_cast %parallel_loop3A_443 : i32 to index
        %parallel_loop3A_503 = arith.constant 96 : index
        %parallel_loop3A_504 = tpu.vector_load %arg11[%parallel_loop3A_501, %parallel_loop3A_502, %parallel_loop3A_503] {strides = array<i32>} : memref<2x80x128xbf16, #tpu.memory_space<vmem>>, vector<32xbf16>,
        %parallel_loop3A_505 = arith.index_cast %parallel_loop3A_445 : i32 to index
        %parallel_loop3A_506 = arith.constant 96 : index
        %parallel_loop3A_507 = tpu.vector_load %arg10[%parallel_loop3A_505, %parallel_loop3A_506] {strides = array<i32>} : memref<1000x128xbf16, #tpu.memory_space<vmem>>, vector<32xbf16>,
        %parallel_loop3A_508 = arith.mulf %parallel_loop3A_504, %parallel_loop3A_507 : vector<32xbf16>
        %parallel_loop3A_509 = arith.constant 1 : i32
        %parallel_loop3A_510 = arith.index_cast %parallel_loop3A_509 : i32 to index
        %parallel_loop3A_511 = arith.index_cast %parallel_loop3A_443 : i32 to index
        %parallel_loop3A_512 = arith.constant 96 : index
        %parallel_loop3A_513 = tpu.vector_load %arg12[%parallel_loop3A_510, %parallel_loop3A_511, %parallel_loop3A_512] {strides = array<i32>} : memref<2x80x128xbf16, #tpu.memory_space<vmem>>, vector<32xbf16>,
        %parallel_loop3A_514 = arith.mulf %parallel_loop3A_508, %parallel_loop3A_513 : vector<32xbf16>
        %parallel_loop3A_515 = tpu.unpack_subelements %parallel_loop3A_514, 0 {pack_format = #tpu.pack_format<interleaved>} : vector<32xbf16> -> vector<16xf32>
        %parallel_loop3A_516 = tpu.unpack_subelements %parallel_loop3A_514, 1 {pack_format = #tpu.pack_format<interleaved>} : vector<32xbf16> -> vector<16xf32>
        %parallel_loop3A_517 = arith.addf %parallel_loop3A_515, %parallel_loop3A_516 : vector<16xf32>
        %parallel_loop3A_518 = arith.addf %parallel_loop3A_463, %parallel_loop3A_481 : vector<16xf32>
        %parallel_loop3A_519 = arith.addf %parallel_loop3A_499, %parallel_loop3A_517 : vector<16xf32>
        %parallel_loop3A_520 = arith.addf %parallel_loop3A_518, %parallel_loop3A_519 : vector<16xf32>
        %parallel_loop3A_521 = arith.constant true
        %parallel_loop3A_522 = vector.broadcast %parallel_loop3A_521 : i1 to vector<16xi1>
        %parallel_loop3A_523 = tpu.scan <sum>, %parallel_loop3A_520 masked %parallel_loop3A_522 : vector<16xf32>, vector<16xi1> -> vector<16xf32>
        %parallel_loop3A_524 = arith.constant 16 : i32
        %parallel_loop3A_525 = arith.muli %parallel_loop3A_443, %parallel_loop3A_524 : i32
        %parallel_loop3A_526 = arith.index_cast %parallel_loop3A_525 : i32 to index
        %parallel_loop3A_527 = tpu.vector_load %arg14[%parallel_loop3A_526] masked %eq3A_9 {strides = array<i32>} : memref<1280xf32, #tpu.memory_space<vmem>>, vector<16xf32>, vector<16xi1>
        tpu.vector_store %arg14[%parallel_loop3A_526], %parallel_loop3A_523 masked %eq3A_9 {strides = array<i32>} : memref<1280xf32, #tpu.memory_space<vmem>>, vector<16xf32>, vector<16xi1>
        %parallel_loop3A_528 = arith.constant 2 : i32
        %parallel_loop3A_529 = arith.muli %parallel_loop3A_528, %parallel_loop3A_432 : i32
        %parallel_loop3A_530 = arith.constant 1 : i32
        %parallel_loop3A_531 = arith.addi %parallel_loop3A_529, %parallel_loop3A_530 : i32
        %parallel_loop3A_532 = vector.extract_strided_slice %parallel_loop3A_439 {offsets = [1], sizes = [1], strides = [1]} : vector<16xi32> to vector<1xi32>
        %parallel_loop3A_533 = vector.extract %parallel_loop3A_532[0] : i32 from vector<1xi32>
        %parallel_loop3A_534 = arith.constant 1 : i32
        %parallel_loop3A_535 = arith.index_cast %parallel_loop3A_534 : i32 to index
        %parallel_loop3A_536 = arith.index_cast %parallel_loop3A_531 : i32 to index
        %parallel_loop3A_537 = arith.constant 0 : index
        %parallel_loop3A_538 = tpu.vector_load %arg11[%parallel_loop3A_535, %parallel_loop3A_536, %parallel_loop3A_537] {strides = array<i32>} : memref<2x80x128xbf16, #tpu.memory_space<vmem>>, vector<32xbf16>,
        %parallel_loop3A_539 = arith.index_cast %parallel_loop3A_533 : i32 to index
        %parallel_loop3A_540 = arith.constant 0 : index
        %parallel_loop3A_541 = tpu.vector_load %arg10[%parallel_loop3A_539, %parallel_loop3A_540] {strides = array<i32>} : memref<1000x128xbf16, #tpu.memory_space<vmem>>, vector<32xbf16>,
        %parallel_loop3A_542 = arith.mulf %parallel_loop3A_538, %parallel_loop3A_541 : vector<32xbf16>
        %parallel_loop3A_543 = arith.constant 1 : i32
        %parallel_loop3A_544 = arith.index_cast %parallel_loop3A_543 : i32 to index
        %parallel_loop3A_545 = arith.index_cast %parallel_loop3A_531 : i32 to index
        %parallel_loop3A_546 = arith.constant 0 : index
        %parallel_loop3A_547 = tpu.vector_load %arg12[%parallel_loop3A_544, %parallel_loop3A_545, %parallel_loop3A_546] {strides = array<i32>} : memref<2x80x128xbf16, #tpu.memory_space<vmem>>, vector<32xbf16>,
        %parallel_loop3A_548 = arith.mulf %parallel_loop3A_542, %parallel_loop3A_547 : vector<32xbf16>
        %parallel_loop3A_549 = tpu.unpack_subelements %parallel_loop3A_548, 0 {pack_format = #tpu.pack_format<interleaved>} : vector<32xbf16> -> vector<16xf32>
        %parallel_loop3A_550 = tpu.unpack_subelements %parallel_loop3A_548, 1 {pack_format = #tpu.pack_format<interleaved>} : vector<32xbf16> -> vector<16xf32>
        %parallel_loop3A_551 = arith.addf %parallel_loop3A_549, %parallel_loop3A_550 : vector<16xf32>
        %parallel_loop3A_552 = arith.constant 1 : i32
        %parallel_loop3A_553 = arith.index_cast %parallel_loop3A_552 : i32 to index
        %parallel_loop3A_554 = arith.index_cast %parallel_loop3A_531 : i32 to index
        %parallel_loop3A_555 = arith.constant 32 : index
        %parallel_loop3A_556 = tpu.vector_load %arg11[%parallel_loop3A_553, %parallel_loop3A_554, %parallel_loop3A_555] {strides = array<i32>} : memref<2x80x128xbf16, #tpu.memory_space<vmem>>, vector<32xbf16>,
        %parallel_loop3A_557 = arith.index_cast %parallel_loop3A_533 : i32 to index
        %parallel_loop3A_558 = arith.constant 32 : index
        %parallel_loop3A_559 = tpu.vector_load %arg10[%parallel_loop3A_557, %parallel_loop3A_558] {strides = array<i32>} : memref<1000x128xbf16, #tpu.memory_space<vmem>>, vector<32xbf16>,
        %parallel_loop3A_560 = arith.mulf %parallel_loop3A_556, %parallel_loop3A_559 : vector<32xbf16>
        %parallel_loop3A_561 = arith.constant 1 : i32
        %parallel_loop3A_562 = arith.index_cast %parallel_loop3A_561 : i32 to index
        %parallel_loop3A_563 = arith.index_cast %parallel_loop3A_531 : i32 to index
        %parallel_loop3A_564 = arith.constant 32 : index
        %parallel_loop3A_565 = tpu.vector_load %arg12[%parallel_loop3A_562, %parallel_loop3A_563, %parallel_loop3A_564] {strides = array<i32>} : memref<2x80x128xbf16, #tpu.memory_space<vmem>>, vector<32xbf16>,
        %parallel_loop3A_566 = arith.mulf %parallel_loop3A_560, %parallel_loop3A_565 : vector<32xbf16>
        %parallel_loop3A_567 = tpu.unpack_subelements %parallel_loop3A_566, 0 {pack_format = #tpu.pack_format<interleaved>} : vector<32xbf16> -> vector<16xf32>
        %parallel_loop3A_568 = tpu.unpack_subelements %parallel_loop3A_566, 1 {pack_format = #tpu.pack_format<interleaved>} : vector<32xbf16> -> vector<16xf32>
        %parallel_loop3A_569 = arith.addf %parallel_loop3A_567, %parallel_loop3A_568 : vector<16xf32>
        %parallel_loop3A_570 = arith.constant 1 : i32
        %parallel_loop3A_571 = arith.index_cast %parallel_loop3A_570 : i32 to index
        %parallel_loop3A_572 = arith.index_cast %parallel_loop3A_531 : i32 to index
        %parallel_loop3A_573 = arith.constant 64 : index
        %parallel_loop3A_574 = tpu.vector_load %arg11[%parallel_loop3A_571, %parallel_loop3A_572, %parallel_loop3A_573] {strides = array<i32>} : memref<2x80x128xbf16, #tpu.memory_space<vmem>>, vector<32xbf16>,
        %parallel_loop3A_575 = arith.index_cast %parallel_loop3A_533 : i32 to index
        %parallel_loop3A_576 = arith.constant 64 : index
        %parallel_loop3A_577 = tpu.vector_load %arg10[%parallel_loop3A_575, %parallel_loop3A_576] {strides = array<i32>} : memref<1000x128xbf16, #tpu.memory_space<vmem>>, vector<32xbf16>,
        %parallel_loop3A_578 = arith.mulf %parallel_loop3A_574, %parallel_loop3A_577 : vector<32xbf16>
        %parallel_loop3A_579 = arith.constant 1 : i32
        %parallel_loop3A_580 = arith.index_cast %parallel_loop3A_579 : i32 to index
        %parallel_loop3A_581 = arith.index_cast %parallel_loop3A_531 : i32 to index
        %parallel_loop3A_582 = arith.constant 64 : index
        %parallel_loop3A_583 = tpu.vector_load %arg12[%parallel_loop3A_580, %parallel_loop3A_581, %parallel_loop3A_582] {strides = array<i32>} : memref<2x80x128xbf16, #tpu.memory_space<vmem>>, vector<32xbf16>,
        %parallel_loop3A_584 = arith.mulf %parallel_loop3A_578, %parallel_loop3A_583 : vector<32xbf16>
        %parallel_loop3A_585 = tpu.unpack_subelements %parallel_loop3A_584, 0 {pack_format = #tpu.pack_format<interleaved>} : vector<32xbf16> -> vector<16xf32>
        %parallel_loop3A_586 = tpu.unpack_subelements %parallel_loop3A_584, 1 {pack_format = #tpu.pack_format<interleaved>} : vector<32xbf16> -> vector<16xf32>
        %parallel_loop3A_587 = arith.addf %parallel_loop3A_585, %parallel_loop3A_586 : vector<16xf32>
        %parallel_loop3A_588 = arith.constant 1 : i32
        %parallel_loop3A_589 = arith.index_cast %parallel_loop3A_588 : i32 to index
        %parallel_loop3A_590 = arith.index_cast %parallel_loop3A_531 : i32 to index
        %parallel_loop3A_591 = arith.constant 96 : index
        %parallel_loop3A_592 = tpu.vector_load %arg11[%parallel_loop3A_589, %parallel_loop3A_590, %parallel_loop3A_591] {strides = array<i32>} : memref<2x80x128xbf16, #tpu.memory_space<vmem>>, vector<32xbf16>,
        %parallel_loop3A_593 = arith.index_cast %parallel_loop3A_533 : i32 to index
        %parallel_loop3A_594 = arith.constant 96 : index
        %parallel_loop3A_595 = tpu.vector_load %arg10[%parallel_loop3A_593, %parallel_loop3A_594] {strides = array<i32>} : memref<1000x128xbf16, #tpu.memory_space<vmem>>, vector<32xbf16>,
        %parallel_loop3A_596 = arith.mulf %parallel_loop3A_592, %parallel_loop3A_595 : vector<32xbf16>
        %parallel_loop3A_597 = arith.constant 1 : i32
        %parallel_loop3A_598 = arith.index_cast %parallel_loop3A_597 : i32 to index
        %parallel_loop3A_599 = arith.index_cast %parallel_loop3A_531 : i32 to index
        %parallel_loop3A_600 = arith.constant 96 : index
        %parallel_loop3A_601 = tpu.vector_load %arg12[%parallel_loop3A_598, %parallel_loop3A_599, %parallel_loop3A_600] {strides = array<i32>} : memref<2x80x128xbf16, #tpu.memory_space<vmem>>, vector<32xbf16>,
        %parallel_loop3A_602 = arith.mulf %parallel_loop3A_596, %parallel_loop3A_601 : vector<32xbf16>
        %parallel_loop3A_603 = tpu.unpack_subelements %parallel_loop3A_602, 0 {pack_format = #tpu.pack_format<interleaved>} : vector<32xbf16> -> vector<16xf32>
        %parallel_loop3A_604 = tpu.unpack_subelements %parallel_loop3A_602, 1 {pack_format = #tpu.pack_format<interleaved>} : vector<32xbf16> -> vector<16xf32>
        %parallel_loop3A_605 = arith.addf %parallel_loop3A_603, %parallel_loop3A_604 : vector<16xf32>
        %parallel_loop3A_606 = arith.addf %parallel_loop3A_551, %parallel_loop3A_569 : vector<16xf32>
        %parallel_loop3A_607 = arith.addf %parallel_loop3A_587, %parallel_loop3A_605 : vector<16xf32>
        %parallel_loop3A_608 = arith.addf %parallel_loop3A_606, %parallel_loop3A_607 : vector<16xf32>
        %parallel_loop3A_609 = arith.constant true
        %parallel_loop3A_610 = vector.broadcast %parallel_loop3A_609 : i1 to vector<16xi1>
        %parallel_loop3A_611 = tpu.scan <sum>, %parallel_loop3A_608 masked %parallel_loop3A_610 : vector<16xf32>, vector<16xi1> -> vector<16xf32>
        %parallel_loop3A_612 = arith.constant 16 : i32
        %parallel_loop3A_613 = arith.muli %parallel_loop3A_531, %parallel_loop3A_612 : i32
        %parallel_loop3A_614 = arith.index_cast %parallel_loop3A_613 : i32 to index
        %parallel_loop3A_615 = tpu.vector_load %arg14[%parallel_loop3A_614] masked %eq3A_9 {strides = array<i32>} : memref<1280xf32, #tpu.memory_space<vmem>>, vector<16xf32>, vector<16xi1>
        tpu.vector_store %arg14[%parallel_loop3A_614], %parallel_loop3A_611 masked %eq3A_9 {strides = array<i32>} : memref<1280xf32, #tpu.memory_space<vmem>>, vector<16xf32>, vector<16xi1>
      } {sc.loop_unroll_factor = 4 : i64, sc.parallel_access}
      %add3A_332 = arith.constant 0 : i32
      %add3A_333 = vector.broadcast %add3A_332 : i32 to vector<16xi32>
      %add3A_334 = arith.addi %mul3A_6, %add3A_333 : vector<16xi32>
      %gather3A_335 = tpu.vector_load_idx %arg14[%add3A_334] : memref<1280xf32, #tpu.memory_space<vmem>>[vector<16xi32>], vector<16xf32>,
      %neg3A_336 = arith.constant 0.000000e+00 : f32
      %neg3A_337 = vector.broadcast %neg3A_336 : f32 to vector<16xf32>
      %neg3A_338 = arith.subf %neg3A_337, %gather3A_335 : vector<16xf32>
      %exp3A_339 = math.exp %neg3A_338 : vector<16xf32>
      %add3A_340 = arith.constant 1.000000e+00 : f32
      %add3A_341 = vector.broadcast %add3A_340 : f32 to vector<16xf32>
      %add3A_342 = arith.addf %add3A_341, %exp3A_339 : vector<16xf32>
      %div3A_343 = arith.constant 1.000000e+00 : f32
      %div3A_344 = vector.broadcast %div3A_343 : f32 to vector<16xf32>
      %div3A_345 = arith.divf %div3A_344, %add3A_342 : vector<16xf32>
      %mul3A_346 = arith.constant 80 : i32
      %mul3A_347 = arith.muli %add3A_286, %mul3A_346 : i32
      %add3A_348 = arith.constant 0 : i32
      %add3A_349 = arith.addi %mul3A_347, %add3A_348 : i32
      %swap3A_350 = arith.index_cast %add3A_349 : i32 to index
      %swap3A_351 = tpu.vector_load %arg15[%swap3A_350] {strides = array<i32>} : memref<10000xf32, #tpu.memory_space<vmem>>, vector<16xf32>,
      tpu.vector_store %arg15[%swap3A_350], %div3A_345 {strides = array<i32>} : memref<10000xf32, #tpu.memory_space<vmem>>, vector<16xf32>,
      %add3A_352 = arith.constant 256 : i32
      %add3A_353 = vector.broadcast %add3A_352 : i32 to vector<16xi32>
      %add3A_354 = arith.addi %mul3A_6, %add3A_353 : vector<16xi32>
      %gather3A_355 = tpu.vector_load_idx %arg14[%add3A_354] : memref<1280xf32, #tpu.memory_space<vmem>>[vector<16xi32>], vector<16xf32>,
      %neg3A_356 = arith.constant 0.000000e+00 : f32
      %neg3A_357 = vector.broadcast %neg3A_356 : f32 to vector<16xf32>
      %neg3A_358 = arith.subf %neg3A_357, %gather3A_355 : vector<16xf32>
      %exp3A_359 = math.exp %neg3A_358 : vector<16xf32>
      %add3A_360 = arith.constant 1.000000e+00 : f32
      %add3A_361 = vector.broadcast %add3A_360 : f32 to vector<16xf32>
      %add3A_362 = arith.addf %add3A_361, %exp3A_359 : vector<16xf32>
      %div3A_363 = arith.constant 1.000000e+00 : f32
      %div3A_364 = vector.broadcast %div3A_363 : f32 to vector<16xf32>
      %div3A_365 = arith.divf %div3A_364, %add3A_362 : vector<16xf32>
      %mul3A_366 = arith.constant 80 : i32
      %mul3A_367 = arith.muli %add3A_286, %mul3A_366 : i32
      %add3A_368 = arith.constant 16 : i32
      %add3A_369 = arith.addi %mul3A_367, %add3A_368 : i32
      %swap3A_370 = arith.index_cast %add3A_369 : i32 to index
      %swap3A_371 = tpu.vector_load %arg15[%swap3A_370] {strides = array<i32>} : memref<10000xf32, #tpu.memory_space<vmem>>, vector<16xf32>,
      tpu.vector_store %arg15[%swap3A_370], %div3A_365 {strides = array<i32>} : memref<10000xf32, #tpu.memory_space<vmem>>, vector<16xf32>,
      %add3A_372 = arith.constant 512 : i32
      %add3A_373 = vector.broadcast %add3A_372 : i32 to vector<16xi32>
      %add3A_374 = arith.addi %mul3A_6, %add3A_373 : vector<16xi32>
      %gather3A_375 = tpu.vector_load_idx %arg14[%add3A_374] : memref<1280xf32, #tpu.memory_space<vmem>>[vector<16xi32>], vector<16xf32>,
      %neg3A_376 = arith.constant 0.000000e+00 : f32
      %neg3A_377 = vector.broadcast %neg3A_376 : f32 to vector<16xf32>
      %neg3A_378 = arith.subf %neg3A_377, %gather3A_375 : vector<16xf32>
      %exp3A_379 = math.exp %neg3A_378 : vector<16xf32>
      %add3A_380 = arith.constant 1.000000e+00 : f32
      %add3A_381 = vector.broadcast %add3A_380 : f32 to vector<16xf32>
      %add3A_382 = arith.addf %add3A_381, %exp3A_379 : vector<16xf32>
      %div3A_383 = arith.constant 1.000000e+00 : f32
      %div3A_384 = vector.broadcast %div3A_383 : f32 to vector<16xf32>
      %div3A_385 = arith.divf %div3A_384, %add3A_382 : vector<16xf32>
      %mul3A_386 = arith.constant 80 : i32
      %mul3A_387 = arith.muli %add3A_286, %mul3A_386 : i32
      %add3A_388 = arith.constant 32 : i32
      %add3A_389 = arith.addi %mul3A_387, %add3A_388 : i32
      %swap3A_390 = arith.index_cast %add3A_389 : i32 to index
      %swap3A_391 = tpu.vector_load %arg15[%swap3A_390] {strides = array<i32>} : memref<10000xf32, #tpu.memory_space<vmem>>, vector<16xf32>,
      tpu.vector_store %arg15[%swap3A_390], %div3A_385 {strides = array<i32>} : memref<10000xf32, #tpu.memory_space<vmem>>, vector<16xf32>,
      %add3A_392 = arith.constant 768 : i32
      %add3A_393 = vector.broadcast %add3A_392 : i32 to vector<16xi32>
      %add3A_394 = arith.addi %mul3A_6, %add3A_393 : vector<16xi32>
      %gather3A_395 = tpu.vector_load_idx %arg14[%add3A_394] : memref<1280xf32, #tpu.memory_space<vmem>>[vector<16xi32>], vector<16xf32>,
      %neg3A_396 = arith.constant 0.000000e+00 : f32
      %neg3A_397 = vector.broadcast %neg3A_396 : f32 to vector<16xf32>
      %neg3A_398 = arith.subf %neg3A_397, %gather3A_395 : vector<16xf32>
      %exp3A_399 = math.exp %neg3A_398 : vector<16xf32>
      %add3A_400 = arith.constant 1.000000e+00 : f32
      %add3A_401 = vector.broadcast %add3A_400 : f32 to vector<16xf32>
      %add3A_402 = arith.addf %add3A_401, %exp3A_399 : vector<16xf32>
      %div3A_403 = arith.constant 1.000000e+00 : f32
      %div3A_404 = vector.broadcast %div3A_403 : f32 to vector<16xf32>
      %div3A_405 = arith.divf %div3A_404, %add3A_402 : vector<16xf32>
      %mul3A_406 = arith.constant 80 : i32
      %mul3A_407 = arith.muli %add3A_286, %mul3A_406 : i32
      %add3A_408 = arith.constant 48 : i32
      %add3A_409 = arith.addi %mul3A_407, %add3A_408 : i32
      %swap3A_410 = arith.index_cast %add3A_409 : i32 to index
      %swap3A_411 = tpu.vector_load %arg15[%swap3A_410] {strides = array<i32>} : memref<10000xf32, #tpu.memory_space<vmem>>, vector<16xf32>,
      tpu.vector_store %arg15[%swap3A_410], %div3A_405 {strides = array<i32>} : memref<10000xf32, #tpu.memory_space<vmem>>, vector<16xf32>,
      %add3A_412 = arith.constant 1024 : i32
      %add3A_413 = vector.broadcast %add3A_412 : i32 to vector<16xi32>
      %add3A_414 = arith.addi %mul3A_6, %add3A_413 : vector<16xi32>
      %gather3A_415 = tpu.vector_load_idx %arg14[%add3A_414] : memref<1280xf32, #tpu.memory_space<vmem>>[vector<16xi32>], vector<16xf32>,
      %neg3A_416 = arith.constant 0.000000e+00 : f32
      %neg3A_417 = vector.broadcast %neg3A_416 : f32 to vector<16xf32>
      %neg3A_418 = arith.subf %neg3A_417, %gather3A_415 : vector<16xf32>
      %exp3A_419 = math.exp %neg3A_418 : vector<16xf32>
      %add3A_420 = arith.constant 1.000000e+00 : f32
      %add3A_421 = vector.broadcast %add3A_420 : f32 to vector<16xf32>
      %add3A_422 = arith.addf %add3A_421, %exp3A_419 : vector<16xf32>
      %div3A_423 = arith.constant 1.000000e+00 : f32
      %div3A_424 = vector.broadcast %div3A_423 : f32 to vector<16xf32>
      %div3A_425 = arith.divf %div3A_424, %add3A_422 : vector<16xf32>
      %mul3A_426 = arith.constant 80 : i32
      %mul3A_427 = arith.muli %add3A_286, %mul3A_426 : i32
      %add3A_428 = arith.constant 64 : i32
      %add3A_429 = arith.addi %mul3A_427, %add3A_428 : i32
      %swap3A_430 = arith.index_cast %add3A_429 : i32 to index
      %swap3A_431 = tpu.vector_load %arg15[%swap3A_430] {strides = array<i32>} : memref<10000xf32, #tpu.memory_space<vmem>>, vector<16xf32>,
      tpu.vector_store %arg15[%swap3A_430], %div3A_425 {strides = array<i32>} : memref<10000xf32, #tpu.memory_space<vmem>>, vector<16xf32>,
    }
    %scan3A_32 = arith.constant 62 : i32
    %dma_wait3A = arith.constant 0 : i32
    %dma_wait3A_33 = arith.constant 0 : i32
    %dma_wait3A_34 = arith.constant 0 : i32
    %dma_wait3A_35 = tpu.memref_slice %arg11[%dma_wait3A, %dma_wait3A_33, %dma_wait3A_34] : memref<2x80x128xbf16, #tpu.memory_space<vmem>> -> memref<1x80x128xbf16, #tpu.memory_space<vmem>>
    %dma_wait3A_36 = tpu.memref_squeeze %dma_wait3A_35 : memref<1x80x128xbf16, #tpu.memory_space<vmem>> -> memref<80x128xbf16, #tpu.memory_space<vmem>>
    %dma_wait3A_37 = arith.constant 0 : i32
    %dma_wait3A_38 = tpu.memref_slice %arg7[%dma_wait3A_37] : memref<10000xi32, #tpu.memory_space<vmem>> -> memref<80xi32, #tpu.memory_space<vmem>>
    %dma_wait3A_39 = arith.constant 0 : i32
    %dma_wait3A_40 = arith.constant 0 : i32
    %dma_wait3A_41 = tpu.memref_slice %arg2[%dma_wait3A_39, %dma_wait3A_40] : memref<10000x128xbf16, #tpu.memory_space<hbm>> -> memref<10000x128xbf16, #tpu.memory_space<hbm>>
    tpu.wait_indirect_dma semaphore(%arg16 : memref<!tpu.dma_semaphore, #tpu.memory_space<semaphore_mem>>) src(%dma_wait3A_41 : memref<10000x128xbf16, #tpu.memory_space<hbm>>) dst(%dma_wait3A_36 : memref<80x128xbf16, #tpu.memory_space<vmem>>)
    %dma_wait3A_42 = arith.constant 0 : i32
    %dma_wait3A_43 = arith.constant 0 : i32
    %dma_wait3A_44 = arith.constant 0 : i32
    %dma_wait3A_45 = tpu.memref_slice %arg12[%dma_wait3A_42, %dma_wait3A_43, %dma_wait3A_44] : memref<2x80x128xbf16, #tpu.memory_space<vmem>> -> memref<1x80x128xbf16, #tpu.memory_space<vmem>>
    %dma_wait3A_46 = tpu.memref_squeeze %dma_wait3A_45 : memref<1x80x128xbf16, #tpu.memory_space<vmem>> -> memref<80x128xbf16, #tpu.memory_space<vmem>>
    %dma_wait3A_47 = arith.constant 0 : i32
    %dma_wait3A_48 = tpu.memref_slice %arg8[%dma_wait3A_47] : memref<10000xi32, #tpu.memory_space<vmem>> -> memref<80xi32, #tpu.memory_space<vmem>>
    %dma_wait3A_49 = arith.constant 0 : i32
    %dma_wait3A_50 = arith.constant 0 : i32
    %dma_wait3A_51 = tpu.memref_slice %arg2[%dma_wait3A_49, %dma_wait3A_50] : memref<10000x128xbf16, #tpu.memory_space<hbm>> -> memref<10000x128xbf16, #tpu.memory_space<hbm>>
    tpu.wait_indirect_dma semaphore(%arg16 : memref<!tpu.dma_semaphore, #tpu.memory_space<semaphore_mem>>) src(%dma_wait3A_51 : memref<10000x128xbf16, #tpu.memory_space<hbm>>) dst(%dma_wait3A_46 : memref<80x128xbf16, #tpu.memory_space<vmem>>)
    %parallel_loop3A = arith.constant 0 : i32
    %parallel_loop3A_52 = arith.constant 40 : i32
    %parallel_loop3A_53 = arith.constant 1 : i32
    scf.for %parallel_loop3A_133 = %parallel_loop3A to %parallel_loop3A_52 step %parallel_loop3A_53  : i32 {
      %parallel_loop3A_134 = arith.constant 2 : i32
      %parallel_loop3A_135 = arith.muli %parallel_loop3A_134, %parallel_loop3A_133 : i32
      %parallel_loop3A_136 = arith.constant 9920 : i32
      %parallel_loop3A_137 = arith.addi %parallel_loop3A_136, %parallel_loop3A_135 : i32
      %parallel_loop3A_138 = arith.index_cast %parallel_loop3A_137 : i32 to index
      %parallel_loop3A_139 = tpu.vector_load %arg9[%parallel_loop3A_138] {strides = array<i32>} : memref<10016xi32, #tpu.memory_space<vmem>>, vector<16xi32>,
      %parallel_loop3A_140 = arith.constant 2 : i32
      %parallel_loop3A_141 = arith.muli %parallel_loop3A_140, %parallel_loop3A_133 : i32
      %parallel_loop3A_142 = arith.constant 0 : i32
      %parallel_loop3A_143 = arith.addi %parallel_loop3A_141, %parallel_loop3A_142 : i32
      %parallel_loop3A_144 = vector.extract_strided_slice %parallel_loop3A_139 {offsets = [0], sizes = [1], strides = [1]} : vector<16xi32> to vector<1xi32>
      %parallel_loop3A_145 = vector.extract %parallel_loop3A_144[0] : i32 from vector<1xi32>
      %parallel_loop3A_146 = arith.constant 0 : i32
      %parallel_loop3A_147 = arith.index_cast %parallel_loop3A_146 : i32 to index
      %parallel_loop3A_148 = arith.index_cast %parallel_loop3A_143 : i32 to index
      %parallel_loop3A_149 = arith.constant 0 : index
      %parallel_loop3A_150 = tpu.vector_load %arg11[%parallel_loop3A_147, %parallel_loop3A_148, %parallel_loop3A_149] {strides = array<i32>} : memref<2x80x128xbf16, #tpu.memory_space<vmem>>, vector<32xbf16>,
      %parallel_loop3A_151 = arith.index_cast %parallel_loop3A_145 : i32 to index
      %parallel_loop3A_152 = arith.constant 0 : index
      %parallel_loop3A_153 = tpu.vector_load %arg10[%parallel_loop3A_151, %parallel_loop3A_152] {strides = array<i32>} : memref<1000x128xbf16, #tpu.memory_space<vmem>>, vector<32xbf16>,
      %parallel_loop3A_154 = arith.mulf %parallel_loop3A_150, %parallel_loop3A_153 : vector<32xbf16>
      %parallel_loop3A_155 = arith.constant 0 : i32
      %parallel_loop3A_156 = arith.index_cast %parallel_loop3A_155 : i32 to index
      %parallel_loop3A_157 = arith.index_cast %parallel_loop3A_143 : i32 to index
      %parallel_loop3A_158 = arith.constant 0 : index
      %parallel_loop3A_159 = tpu.vector_load %arg12[%parallel_loop3A_156, %parallel_loop3A_157, %parallel_loop3A_158] {strides = array<i32>} : memref<2x80x128xbf16, #tpu.memory_space<vmem>>, vector<32xbf16>,
      %parallel_loop3A_160 = arith.mulf %parallel_loop3A_154, %parallel_loop3A_159 : vector<32xbf16>
      %parallel_loop3A_161 = tpu.unpack_subelements %parallel_loop3A_160, 0 {pack_format = #tpu.pack_format<interleaved>} : vector<32xbf16> -> vector<16xf32>
      %parallel_loop3A_162 = tpu.unpack_subelements %parallel_loop3A_160, 1 {pack_format = #tpu.pack_format<interleaved>} : vector<32xbf16> -> vector<16xf32>
      %parallel_loop3A_163 = arith.addf %parallel_loop3A_161, %parallel_loop3A_162 : vector<16xf32>
      %parallel_loop3A_164 = arith.constant 0 : i32
      %parallel_loop3A_165 = arith.index_cast %parallel_loop3A_164 : i32 to index
      %parallel_loop3A_166 = arith.index_cast %parallel_loop3A_143 : i32 to index
      %parallel_loop3A_167 = arith.constant 32 : index
      %parallel_loop3A_168 = tpu.vector_load %arg11[%parallel_loop3A_165, %parallel_loop3A_166, %parallel_loop3A_167] {strides = array<i32>} : memref<2x80x128xbf16, #tpu.memory_space<vmem>>, vector<32xbf16>,
      %parallel_loop3A_169 = arith.index_cast %parallel_loop3A_145 : i32 to index
      %parallel_loop3A_170 = arith.constant 32 : index
      %parallel_loop3A_171 = tpu.vector_load %arg10[%parallel_loop3A_169, %parallel_loop3A_170] {strides = array<i32>} : memref<1000x128xbf16, #tpu.memory_space<vmem>>, vector<32xbf16>,
      %parallel_loop3A_172 = arith.mulf %parallel_loop3A_168, %parallel_loop3A_171 : vector<32xbf16>
      %parallel_loop3A_173 = arith.constant 0 : i32
      %parallel_loop3A_174 = arith.index_cast %parallel_loop3A_173 : i32 to index
      %parallel_loop3A_175 = arith.index_cast %parallel_loop3A_143 : i32 to index
      %parallel_loop3A_176 = arith.constant 32 : index
      %parallel_loop3A_177 = tpu.vector_load %arg12[%parallel_loop3A_174, %parallel_loop3A_175, %parallel_loop3A_176] {strides = array<i32>} : memref<2x80x128xbf16, #tpu.memory_space<vmem>>, vector<32xbf16>,
      %parallel_loop3A_178 = arith.mulf %parallel_loop3A_172, %parallel_loop3A_177 : vector<32xbf16>
      %parallel_loop3A_179 = tpu.unpack_subelements %parallel_loop3A_178, 0 {pack_format = #tpu.pack_format<interleaved>} : vector<32xbf16> -> vector<16xf32>
      %parallel_loop3A_180 = tpu.unpack_subelements %parallel_loop3A_178, 1 {pack_format = #tpu.pack_format<interleaved>} : vector<32xbf16> -> vector<16xf32>
      %parallel_loop3A_181 = arith.addf %parallel_loop3A_179, %parallel_loop3A_180 : vector<16xf32>
      %parallel_loop3A_182 = arith.constant 0 : i32
      %parallel_loop3A_183 = arith.index_cast %parallel_loop3A_182 : i32 to index
      %parallel_loop3A_184 = arith.index_cast %parallel_loop3A_143 : i32 to index
      %parallel_loop3A_185 = arith.constant 64 : index
      %parallel_loop3A_186 = tpu.vector_load %arg11[%parallel_loop3A_183, %parallel_loop3A_184, %parallel_loop3A_185] {strides = array<i32>} : memref<2x80x128xbf16, #tpu.memory_space<vmem>>, vector<32xbf16>,
      %parallel_loop3A_187 = arith.index_cast %parallel_loop3A_145 : i32 to index
      %parallel_loop3A_188 = arith.constant 64 : index
      %parallel_loop3A_189 = tpu.vector_load %arg10[%parallel_loop3A_187, %parallel_loop3A_188] {strides = array<i32>} : memref<1000x128xbf16, #tpu.memory_space<vmem>>, vector<32xbf16>,
      %parallel_loop3A_190 = arith.mulf %parallel_loop3A_186, %parallel_loop3A_189 : vector<32xbf16>
      %parallel_loop3A_191 = arith.constant 0 : i32
      %parallel_loop3A_192 = arith.index_cast %parallel_loop3A_191 : i32 to index
      %parallel_loop3A_193 = arith.index_cast %parallel_loop3A_143 : i32 to index
      %parallel_loop3A_194 = arith.constant 64 : index
      %parallel_loop3A_195 = tpu.vector_load %arg12[%parallel_loop3A_192, %parallel_loop3A_193, %parallel_loop3A_194] {strides = array<i32>} : memref<2x80x128xbf16, #tpu.memory_space<vmem>>, vector<32xbf16>,
      %parallel_loop3A_196 = arith.mulf %parallel_loop3A_190, %parallel_loop3A_195 : vector<32xbf16>
      %parallel_loop3A_197 = tpu.unpack_subelements %parallel_loop3A_196, 0 {pack_format = #tpu.pack_format<interleaved>} : vector<32xbf16> -> vector<16xf32>
      %parallel_loop3A_198 = tpu.unpack_subelements %parallel_loop3A_196, 1 {pack_format = #tpu.pack_format<interleaved>} : vector<32xbf16> -> vector<16xf32>
      %parallel_loop3A_199 = arith.addf %parallel_loop3A_197, %parallel_loop3A_198 : vector<16xf32>
      %parallel_loop3A_200 = arith.constant 0 : i32
      %parallel_loop3A_201 = arith.index_cast %parallel_loop3A_200 : i32 to index
      %parallel_loop3A_202 = arith.index_cast %parallel_loop3A_143 : i32 to index
      %parallel_loop3A_203 = arith.constant 96 : index
      %parallel_loop3A_204 = tpu.vector_load %arg11[%parallel_loop3A_201, %parallel_loop3A_202, %parallel_loop3A_203] {strides = array<i32>} : memref<2x80x128xbf16, #tpu.memory_space<vmem>>, vector<32xbf16>,
      %parallel_loop3A_205 = arith.index_cast %parallel_loop3A_145 : i32 to index
      %parallel_loop3A_206 = arith.constant 96 : index
      %parallel_loop3A_207 = tpu.vector_load %arg10[%parallel_loop3A_205, %parallel_loop3A_206] {strides = array<i32>} : memref<1000x128xbf16, #tpu.memory_space<vmem>>, vector<32xbf16>,
      %parallel_loop3A_208 = arith.mulf %parallel_loop3A_204, %parallel_loop3A_207 : vector<32xbf16>
      %parallel_loop3A_209 = arith.constant 0 : i32
      %parallel_loop3A_210 = arith.index_cast %parallel_loop3A_209 : i32 to index
      %parallel_loop3A_211 = arith.index_cast %parallel_loop3A_143 : i32 to index
      %parallel_loop3A_212 = arith.constant 96 : index
      %parallel_loop3A_213 = tpu.vector_load %arg12[%parallel_loop3A_210, %parallel_loop3A_211, %parallel_loop3A_212] {strides = array<i32>} : memref<2x80x128xbf16, #tpu.memory_space<vmem>>, vector<32xbf16>,
      %parallel_loop3A_214 = arith.mulf %parallel_loop3A_208, %parallel_loop3A_213 : vector<32xbf16>
      %parallel_loop3A_215 = tpu.unpack_subelements %parallel_loop3A_214, 0 {pack_format = #tpu.pack_format<interleaved>} : vector<32xbf16> -> vector<16xf32>
      %parallel_loop3A_216 = tpu.unpack_subelements %parallel_loop3A_214, 1 {pack_format = #tpu.pack_format<interleaved>} : vector<32xbf16> -> vector<16xf32>
      %parallel_loop3A_217 = arith.addf %parallel_loop3A_215, %parallel_loop3A_216 : vector<16xf32>
      %parallel_loop3A_218 = arith.addf %parallel_loop3A_163, %parallel_loop3A_181 : vector<16xf32>
      %parallel_loop3A_219 = arith.addf %parallel_loop3A_199, %parallel_loop3A_217 : vector<16xf32>
      %parallel_loop3A_220 = arith.addf %parallel_loop3A_218, %parallel_loop3A_219 : vector<16xf32>
      %parallel_loop3A_221 = arith.constant true
      %parallel_loop3A_222 = vector.broadcast %parallel_loop3A_221 : i1 to vector<16xi1>
      %parallel_loop3A_223 = tpu.scan <sum>, %parallel_loop3A_220 masked %parallel_loop3A_222 : vector<16xf32>, vector<16xi1> -> vector<16xf32>
      %parallel_loop3A_224 = arith.constant 16 : i32
      %parallel_loop3A_225 = arith.muli %parallel_loop3A_143, %parallel_loop3A_224 : i32
      %parallel_loop3A_226 = arith.index_cast %parallel_loop3A_225 : i32 to index
      %parallel_loop3A_227 = tpu.vector_load %arg13[%parallel_loop3A_226] masked %eq3A_9 {strides = array<i32>} : memref<1280xf32, #tpu.memory_space<vmem>>, vector<16xf32>, vector<16xi1>
      tpu.vector_store %arg13[%parallel_loop3A_226], %parallel_loop3A_223 masked %eq3A_9 {strides = array<i32>} : memref<1280xf32, #tpu.memory_space<vmem>>, vector<16xf32>, vector<16xi1>
      %parallel_loop3A_228 = arith.constant 2 : i32
      %parallel_loop3A_229 = arith.muli %parallel_loop3A_228, %parallel_loop3A_133 : i32
      %parallel_loop3A_230 = arith.constant 1 : i32
      %parallel_loop3A_231 = arith.addi %parallel_loop3A_229, %parallel_loop3A_230 : i32
      %parallel_loop3A_232 = vector.extract_strided_slice %parallel_loop3A_139 {offsets = [1], sizes = [1], strides = [1]} : vector<16xi32> to vector<1xi32>
      %parallel_loop3A_233 = vector.extract %parallel_loop3A_232[0] : i32 from vector<1xi32>
      %parallel_loop3A_234 = arith.constant 0 : i32
      %parallel_loop3A_235 = arith.index_cast %parallel_loop3A_234 : i32 to index
      %parallel_loop3A_236 = arith.index_cast %parallel_loop3A_231 : i32 to index
      %parallel_loop3A_237 = arith.constant 0 : index
      %parallel_loop3A_238 = tpu.vector_load %arg11[%parallel_loop3A_235, %parallel_loop3A_236, %parallel_loop3A_237] {strides = array<i32>} : memref<2x80x128xbf16, #tpu.memory_space<vmem>>, vector<32xbf16>,
      %parallel_loop3A_239 = arith.index_cast %parallel_loop3A_233 : i32 to index
      %parallel_loop3A_240 = arith.constant 0 : index
      %parallel_loop3A_241 = tpu.vector_load %arg10[%parallel_loop3A_239, %parallel_loop3A_240] {strides = array<i32>} : memref<1000x128xbf16, #tpu.memory_space<vmem>>, vector<32xbf16>,
      %parallel_loop3A_242 = arith.mulf %parallel_loop3A_238, %parallel_loop3A_241 : vector<32xbf16>
      %parallel_loop3A_243 = arith.constant 0 : i32
      %parallel_loop3A_244 = arith.index_cast %parallel_loop3A_243 : i32 to index
      %parallel_loop3A_245 = arith.index_cast %parallel_loop3A_231 : i32 to index
      %parallel_loop3A_246 = arith.constant 0 : index
      %parallel_loop3A_247 = tpu.vector_load %arg12[%parallel_loop3A_244, %parallel_loop3A_245, %parallel_loop3A_246] {strides = array<i32>} : memref<2x80x128xbf16, #tpu.memory_space<vmem>>, vector<32xbf16>,
      %parallel_loop3A_248 = arith.mulf %parallel_loop3A_242, %parallel_loop3A_247 : vector<32xbf16>
      %parallel_loop3A_249 = tpu.unpack_subelements %parallel_loop3A_248, 0 {pack_format = #tpu.pack_format<interleaved>} : vector<32xbf16> -> vector<16xf32>
      %parallel_loop3A_250 = tpu.unpack_subelements %parallel_loop3A_248, 1 {pack_format = #tpu.pack_format<interleaved>} : vector<32xbf16> -> vector<16xf32>
      %parallel_loop3A_251 = arith.addf %parallel_loop3A_249, %parallel_loop3A_250 : vector<16xf32>
      %parallel_loop3A_252 = arith.constant 0 : i32
      %parallel_loop3A_253 = arith.index_cast %parallel_loop3A_252 : i32 to index
      %parallel_loop3A_254 = arith.index_cast %parallel_loop3A_231 : i32 to index
      %parallel_loop3A_255 = arith.constant 32 : index
      %parallel_loop3A_256 = tpu.vector_load %arg11[%parallel_loop3A_253, %parallel_loop3A_254, %parallel_loop3A_255] {strides = array<i32>} : memref<2x80x128xbf16, #tpu.memory_space<vmem>>, vector<32xbf16>,
      %parallel_loop3A_257 = arith.index_cast %parallel_loop3A_233 : i32 to index
      %parallel_loop3A_258 = arith.constant 32 : index
      %parallel_loop3A_259 = tpu.vector_load %arg10[%parallel_loop3A_257, %parallel_loop3A_258] {strides = array<i32>} : memref<1000x128xbf16, #tpu.memory_space<vmem>>, vector<32xbf16>,
      %parallel_loop3A_260 = arith.mulf %parallel_loop3A_256, %parallel_loop3A_259 : vector<32xbf16>
      %parallel_loop3A_261 = arith.constant 0 : i32
      %parallel_loop3A_262 = arith.index_cast %parallel_loop3A_261 : i32 to index
      %parallel_loop3A_263 = arith.index_cast %parallel_loop3A_231 : i32 to index
      %parallel_loop3A_264 = arith.constant 32 : index
      %parallel_loop3A_265 = tpu.vector_load %arg12[%parallel_loop3A_262, %parallel_loop3A_263, %parallel_loop3A_264] {strides = array<i32>} : memref<2x80x128xbf16, #tpu.memory_space<vmem>>, vector<32xbf16>,
      %parallel_loop3A_266 = arith.mulf %parallel_loop3A_260, %parallel_loop3A_265 : vector<32xbf16>
      %parallel_loop3A_267 = tpu.unpack_subelements %parallel_loop3A_266, 0 {pack_format = #tpu.pack_format<interleaved>} : vector<32xbf16> -> vector<16xf32>
      %parallel_loop3A_268 = tpu.unpack_subelements %parallel_loop3A_266, 1 {pack_format = #tpu.pack_format<interleaved>} : vector<32xbf16> -> vector<16xf32>
      %parallel_loop3A_269 = arith.addf %parallel_loop3A_267, %parallel_loop3A_268 : vector<16xf32>
      %parallel_loop3A_270 = arith.constant 0 : i32
      %parallel_loop3A_271 = arith.index_cast %parallel_loop3A_270 : i32 to index
      %parallel_loop3A_272 = arith.index_cast %parallel_loop3A_231 : i32 to index
      %parallel_loop3A_273 = arith.constant 64 : index
      %parallel_loop3A_274 = tpu.vector_load %arg11[%parallel_loop3A_271, %parallel_loop3A_272, %parallel_loop3A_273] {strides = array<i32>} : memref<2x80x128xbf16, #tpu.memory_space<vmem>>, vector<32xbf16>,
      %parallel_loop3A_275 = arith.index_cast %parallel_loop3A_233 : i32 to index
      %parallel_loop3A_276 = arith.constant 64 : index
      %parallel_loop3A_277 = tpu.vector_load %arg10[%parallel_loop3A_275, %parallel_loop3A_276] {strides = array<i32>} : memref<1000x128xbf16, #tpu.memory_space<vmem>>, vector<32xbf16>,
      %parallel_loop3A_278 = arith.mulf %parallel_loop3A_274, %parallel_loop3A_277 : vector<32xbf16>
      %parallel_loop3A_279 = arith.constant 0 : i32
      %parallel_loop3A_280 = arith.index_cast %parallel_loop3A_279 : i32 to index
      %parallel_loop3A_281 = arith.index_cast %parallel_loop3A_231 : i32 to index
      %parallel_loop3A_282 = arith.constant 64 : index
      %parallel_loop3A_283 = tpu.vector_load %arg12[%parallel_loop3A_280, %parallel_loop3A_281, %parallel_loop3A_282] {strides = array<i32>} : memref<2x80x128xbf16, #tpu.memory_space<vmem>>, vector<32xbf16>,
      %parallel_loop3A_284 = arith.mulf %parallel_loop3A_278, %parallel_loop3A_283 : vector<32xbf16>
      %parallel_loop3A_285 = tpu.unpack_subelements %parallel_loop3A_284, 0 {pack_format = #tpu.pack_format<interleaved>} : vector<32xbf16> -> vector<16xf32>
      %parallel_loop3A_286 = tpu.unpack_subelements %parallel_loop3A_284, 1 {pack_format = #tpu.pack_format<interleaved>} : vector<32xbf16> -> vector<16xf32>
      %parallel_loop3A_287 = arith.addf %parallel_loop3A_285, %parallel_loop3A_286 : vector<16xf32>
      %parallel_loop3A_288 = arith.constant 0 : i32
      %parallel_loop3A_289 = arith.index_cast %parallel_loop3A_288 : i32 to index
      %parallel_loop3A_290 = arith.index_cast %parallel_loop3A_231 : i32 to index
      %parallel_loop3A_291 = arith.constant 96 : index
      %parallel_loop3A_292 = tpu.vector_load %arg11[%parallel_loop3A_289, %parallel_loop3A_290, %parallel_loop3A_291] {strides = array<i32>} : memref<2x80x128xbf16, #tpu.memory_space<vmem>>, vector<32xbf16>,
      %parallel_loop3A_293 = arith.index_cast %parallel_loop3A_233 : i32 to index
      %parallel_loop3A_294 = arith.constant 96 : index
      %parallel_loop3A_295 = tpu.vector_load %arg10[%parallel_loop3A_293, %parallel_loop3A_294] {strides = array<i32>} : memref<1000x128xbf16, #tpu.memory_space<vmem>>, vector<32xbf16>,
      %parallel_loop3A_296 = arith.mulf %parallel_loop3A_292, %parallel_loop3A_295 : vector<32xbf16>
      %parallel_loop3A_297 = arith.constant 0 : i32
      %parallel_loop3A_298 = arith.index_cast %parallel_loop3A_297 : i32 to index
      %parallel_loop3A_299 = arith.index_cast %parallel_loop3A_231 : i32 to index
      %parallel_loop3A_300 = arith.constant 96 : index
      %parallel_loop3A_301 = tpu.vector_load %arg12[%parallel_loop3A_298, %parallel_loop3A_299, %parallel_loop3A_300] {strides = array<i32>} : memref<2x80x128xbf16, #tpu.memory_space<vmem>>, vector<32xbf16>,
      %parallel_loop3A_302 = arith.mulf %parallel_loop3A_296, %parallel_loop3A_301 : vector<32xbf16>
      %parallel_loop3A_303 = tpu.unpack_subelements %parallel_loop3A_302, 0 {pack_format = #tpu.pack_format<interleaved>} : vector<32xbf16> -> vector<16xf32>
      %parallel_loop3A_304 = tpu.unpack_subelements %parallel_loop3A_302, 1 {pack_format = #tpu.pack_format<interleaved>} : vector<32xbf16> -> vector<16xf32>
      %parallel_loop3A_305 = arith.addf %parallel_loop3A_303, %parallel_loop3A_304 : vector<16xf32>
      %parallel_loop3A_306 = arith.addf %parallel_loop3A_251, %parallel_loop3A_269 : vector<16xf32>
      %parallel_loop3A_307 = arith.addf %parallel_loop3A_287, %parallel_loop3A_305 : vector<16xf32>
      %parallel_loop3A_308 = arith.addf %parallel_loop3A_306, %parallel_loop3A_307 : vector<16xf32>
      %parallel_loop3A_309 = arith.constant true
      %parallel_loop3A_310 = vector.broadcast %parallel_loop3A_309 : i1 to vector<16xi1>
      %parallel_loop3A_311 = tpu.scan <sum>, %parallel_loop3A_308 masked %parallel_loop3A_310 : vector<16xf32>, vector<16xi1> -> vector<16xf32>
      %parallel_loop3A_312 = arith.constant 16 : i32
      %parallel_loop3A_313 = arith.muli %parallel_loop3A_231, %parallel_loop3A_312 : i32
      %parallel_loop3A_314 = arith.index_cast %parallel_loop3A_313 : i32 to index
      %parallel_loop3A_315 = tpu.vector_load %arg13[%parallel_loop3A_314] masked %eq3A_9 {strides = array<i32>} : memref<1280xf32, #tpu.memory_space<vmem>>, vector<16xf32>, vector<16xi1>
      tpu.vector_store %arg13[%parallel_loop3A_314], %parallel_loop3A_311 masked %eq3A_9 {strides = array<i32>} : memref<1280xf32, #tpu.memory_space<vmem>>, vector<16xf32>, vector<16xi1>
    } {sc.loop_unroll_factor = 4 : i64, sc.parallel_access}
    %add3A_54 = arith.constant 0 : i32
    %add3A_55 = vector.broadcast %add3A_54 : i32 to vector<16xi32>
    %add3A_56 = arith.addi %mul3A_6, %add3A_55 : vector<16xi32>
    %gather3A = tpu.vector_load_idx %arg13[%add3A_56] : memref<1280xf32, #tpu.memory_space<vmem>>[vector<16xi32>], vector<16xf32>,
    %neg3A = arith.constant 0.000000e+00 : f32
    %neg3A_57 = vector.broadcast %neg3A : f32 to vector<16xf32>
    %neg3A_58 = arith.subf %neg3A_57, %gather3A : vector<16xf32>
    %exp3A = math.exp %neg3A_58 : vector<16xf32>
    %add3A_59 = arith.constant 1.000000e+00 : f32
    %add3A_60 = vector.broadcast %add3A_59 : f32 to vector<16xf32>
    %add3A_61 = arith.addf %add3A_60, %exp3A : vector<16xf32>
    %div3A = arith.constant 1.000000e+00 : f32
    %div3A_62 = vector.broadcast %div3A : f32 to vector<16xf32>
    %div3A_63 = arith.divf %div3A_62, %add3A_61 : vector<16xf32>
    %swap3A = arith.constant 9920 : index
    %swap3A_64 = tpu.vector_load %arg15[%swap3A] {strides = array<i32>} : memref<10000xf32, #tpu.memory_space<vmem>>, vector<16xf32>,
    tpu.vector_store %arg15[%swap3A], %div3A_63 {strides = array<i32>} : memref<10000xf32, #tpu.memory_space<vmem>>, vector<16xf32>,
    %add3A_65 = arith.constant 256 : i32
    %add3A_66 = vector.broadcast %add3A_65 : i32 to vector<16xi32>
    %add3A_67 = arith.addi %mul3A_6, %add3A_66 : vector<16xi32>
    %gather3A_68 = tpu.vector_load_idx %arg13[%add3A_67] : memref<1280xf32, #tpu.memory_space<vmem>>[vector<16xi32>], vector<16xf32>,
    %neg3A_69 = arith.constant 0.000000e+00 : f32
    %neg3A_70 = vector.broadcast %neg3A_69 : f32 to vector<16xf32>
    %neg3A_71 = arith.subf %neg3A_70, %gather3A_68 : vector<16xf32>
    %exp3A_72 = math.exp %neg3A_71 : vector<16xf32>
    %add3A_73 = arith.constant 1.000000e+00 : f32
    %add3A_74 = vector.broadcast %add3A_73 : f32 to vector<16xf32>
    %add3A_75 = arith.addf %add3A_74, %exp3A_72 : vector<16xf32>
    %div3A_76 = arith.constant 1.000000e+00 : f32
    %div3A_77 = vector.broadcast %div3A_76 : f32 to vector<16xf32>
    %div3A_78 = arith.divf %div3A_77, %add3A_75 : vector<16xf32>
    %swap3A_79 = arith.constant 9936 : index
    %swap3A_80 = tpu.vector_load %arg15[%swap3A_79] {strides = array<i32>} : memref<10000xf32, #tpu.memory_space<vmem>>, vector<16xf32>,
    tpu.vector_store %arg15[%swap3A_79], %div3A_78 {strides = array<i32>} : memref<10000xf32, #tpu.memory_space<vmem>>, vector<16xf32>,
    %add3A_81 = arith.constant 512 : i32
    %add3A_82 = vector.broadcast %add3A_81 : i32 to vector<16xi32>
    %add3A_83 = arith.addi %mul3A_6, %add3A_82 : vector<16xi32>
    %gather3A_84 = tpu.vector_load_idx %arg13[%add3A_83] : memref<1280xf32, #tpu.memory_space<vmem>>[vector<16xi32>], vector<16xf32>,
    %neg3A_85 = arith.constant 0.000000e+00 : f32
    %neg3A_86 = vector.broadcast %neg3A_85 : f32 to vector<16xf32>
    %neg3A_87 = arith.subf %neg3A_86, %gather3A_84 : vector<16xf32>
    %exp3A_88 = math.exp %neg3A_87 : vector<16xf32>
    %add3A_89 = arith.constant 1.000000e+00 : f32
    %add3A_90 = vector.broadcast %add3A_89 : f32 to vector<16xf32>
    %add3A_91 = arith.addf %add3A_90, %exp3A_88 : vector<16xf32>
    %div3A_92 = arith.constant 1.000000e+00 : f32
    %div3A_93 = vector.broadcast %div3A_92 : f32 to vector<16xf32>
    %div3A_94 = arith.divf %div3A_93, %add3A_91 : vector<16xf32>
    %swap3A_95 = arith.constant 9952 : index
    %swap3A_96 = tpu.vector_load %arg15[%swap3A_95] {strides = array<i32>} : memref<10000xf32, #tpu.memory_space<vmem>>, vector<16xf32>,
    tpu.vector_store %arg15[%swap3A_95], %div3A_94 {strides = array<i32>} : memref<10000xf32, #tpu.memory_space<vmem>>, vector<16xf32>,
    %add3A_97 = arith.constant 768 : i32
    %add3A_98 = vector.broadcast %add3A_97 : i32 to vector<16xi32>
    %add3A_99 = arith.addi %mul3A_6, %add3A_98 : vector<16xi32>
    %gather3A_100 = tpu.vector_load_idx %arg13[%add3A_99] : memref<1280xf32, #tpu.memory_space<vmem>>[vector<16xi32>], vector<16xf32>,
    %neg3A_101 = arith.constant 0.000000e+00 : f32
    %neg3A_102 = vector.broadcast %neg3A_101 : f32 to vector<16xf32>
    %neg3A_103 = arith.subf %neg3A_102, %gather3A_100 : vector<16xf32>
    %exp3A_104 = math.exp %neg3A_103 : vector<16xf32>
    %add3A_105 = arith.constant 1.000000e+00 : f32
    %add3A_106 = vector.broadcast %add3A_105 : f32 to vector<16xf32>
    %add3A_107 = arith.addf %add3A_106, %exp3A_104 : vector<16xf32>
    %div3A_108 = arith.constant 1.000000e+00 : f32
    %div3A_109 = vector.broadcast %div3A_108 : f32 to vector<16xf32>
    %div3A_110 = arith.divf %div3A_109, %add3A_107 : vector<16xf32>
    %swap3A_111 = arith.constant 9968 : index
    %swap3A_112 = tpu.vector_load %arg15[%swap3A_111] {strides = array<i32>} : memref<10000xf32, #tpu.memory_space<vmem>>, vector<16xf32>,
    tpu.vector_store %arg15[%swap3A_111], %div3A_110 {strides = array<i32>} : memref<10000xf32, #tpu.memory_space<vmem>>, vector<16xf32>,
    %add3A_113 = arith.constant 1024 : i32
    %add3A_114 = vector.broadcast %add3A_113 : i32 to vector<16xi32>
    %add3A_115 = arith.addi %mul3A_6, %add3A_114 : vector<16xi32>
    %gather3A_116 = tpu.vector_load_idx %arg13[%add3A_115] : memref<1280xf32, #tpu.memory_space<vmem>>[vector<16xi32>], vector<16xf32>,
    %neg3A_117 = arith.constant 0.000000e+00 : f32
    %neg3A_118 = vector.broadcast %neg3A_117 : f32 to vector<16xf32>
    %neg3A_119 = arith.subf %neg3A_118, %gather3A_116 : vector<16xf32>
    %exp3A_120 = math.exp %neg3A_119 : vector<16xf32>
    %add3A_121 = arith.constant 1.000000e+00 : f32
    %add3A_122 = vector.broadcast %add3A_121 : f32 to vector<16xf32>
    %add3A_123 = arith.addf %add3A_122, %exp3A_120 : vector<16xf32>
    %div3A_124 = arith.constant 1.000000e+00 : f32
    %div3A_125 = vector.broadcast %div3A_124 : f32 to vector<16xf32>
    %div3A_126 = arith.divf %div3A_125, %add3A_123 : vector<16xf32>
    %swap3A_127 = arith.constant 9984 : index
    %swap3A_128 = tpu.vector_load %arg15[%swap3A_127] {strides = array<i32>} : memref<10000xf32, #tpu.memory_space<vmem>>, vector<16xf32>,
    tpu.vector_store %arg15[%swap3A_127], %div3A_126 {strides = array<i32>} : memref<10000xf32, #tpu.memory_space<vmem>>, vector<16xf32>,
    %dma_start3A_129 = tpu.memref_slice %arg6[%mul3A_2] : memref<320000xf32, #tpu.memory_space<hbm>> -> memref<10000xf32, #tpu.memory_space<hbm>>
    %dma_start3A_130 = tpu.memref_slice %arg6[%mul3A_2] : memref<320000xf32, #tpu.memory_space<hbm>> -> memref<10000xf32, #tpu.memory_space<hbm>>
    tpu.enqueue_dma source(%arg15 : memref<10000xf32, #tpu.memory_space<vmem>>) target(%dma_start3A_130 : memref<10000xf32, #tpu.memory_space<hbm>>) target_semaphore(%arg18 : memref<!tpu.dma_semaphore, #tpu.memory_space<semaphore_mem>>)
    %dma_wait3A_131 = tpu.memref_slice %arg6[%mul3A_2] : memref<320000xf32, #tpu.memory_space<hbm>> -> memref<10000xf32, #tpu.memory_space<hbm>>
    %dma_wait3A_132 = tpu.memref_slice %arg6[%mul3A_2] : memref<320000xf32, #tpu.memory_space<hbm>> -> memref<10000xf32, #tpu.memory_space<hbm>>
    tpu.wait_dma2 semaphore(%arg18 : memref<!tpu.dma_semaphore, #tpu.memory_space<semaphore_mem>>) src(%arg15 : memref<10000xf32, #tpu.memory_space<vmem>>) dst(%dma_wait3A_132 : memref<10000xf32, #tpu.memory_space<hbm>>)
    return
  }
}

</mosaic_0001>

<sc_bundles>
// kernel: _distmult_sc.3.cloned.1.call-start
scs
__scs_entry_jumppad:
0x0: {  	(pc) =	sbr.rel $0x88, $3  }
0x1: {  	(tag) =	ssettag $0x0;
	lr =	simm.s32 $0x1  }
0x2: {  	[smem:$0x3F9D] =	sst lr;
	_ =	strace $0xD0000000  }
0x3: {  	_ = 	snop  }
0x4: {  	_ = 	snop  }
0x5: {  	_ = 	snop  }
0x6: {  	_ = 	snop  }
0x7: {  	_ = 	snop  }
__scs_overlays_trampoline_lowered:
0x8: {  	[smem:$0x3FAC] =	sst s0  }
0x9: {  	[smem:$0x3FAD] =	sst s1  }
0xa: {  	[smem:$0x3FAE] =	sst s2  }
0xb: {  	[smem:$0x3FAF] =	sst s3  }
0xc: {  	[smem:$0x3FB0] =	sst s4  }
0xd: {  	[smem:$0x3FB1] =	sst s5  }
0xe: {  	[smem:$0x3FB2] =	sst s6  }
0xf: {  	[smem:$0x3FB3] =	sst s7  }
0x10: {  	[smem:$0x3FB4] =	sst s8  }
0x11: {  	[smem:$0x3FB5] =	sst s9;
	s0 =	simm.s32 @!p0 $0x0  }
0x12: {  	s1 =	sld [smem:$0x3F9B];
	s0 =	simm.s32 @p0 $0x1  }
0x13: {  	[smem:$0x3FB6] =	sst s0;
	s0 =	simm.s32 @!p1 $0x0  }
0x14: {  	s2 =	sld [smem:$0x3F9A];
	s0 =	simm.s32 @p1 $0x1  }
0x15: {  	[smem:$0x3FB7] =	sst s0;
	s0 =	simm.s32 @!p2 $0x0  }
0x16: {  	s3 =	sld [smem:$0x3FDB];
	s0 =	simm.s32 @p2 $0x1  }
0x17: {  	s4 =	simm.s32 $0x1BF5;
	[smem:$0x3FB9] =	sst s0  }
0x18: {  	s0 =	sld [smem:$0x3F9C];
	_ =	swait.ge [sflag:s4], $0x0  }
0x19: {  	s7 =	sld [smem:$0x3F9D]  }
0x1a: {  	s8 =	sadd.s32 $0xFFFFE003, lr  }
0x1b: {  	s9 =	sadd.s32 $0xFFFFFEF7, lr;
	s5 =	simm.s32 $0xFFFFFFFF;
	p2 =	slt.u32 s8, $0xFFFFF086  }
0x1c: {  	p1 =	slt.u32 s9, $0xF7A;
	s5 =	simm.s32 @!p2 $0x0  }
0x1d: {  	s5 =	simm.s32 @p1 $0x1;
	p0 =	seq.s32 s7, s2  }
0x1e: {  	s7 =	smul.u32 @!p0 $0xF7A, s2;
	p2 =	seq.s32 @!p0 s5, $0x0  }
0x1f: {  	s9 =	smul.u32 $0xF7A, s1;
	s8 =	simm.s32 @!p0 $0x1BF5;
	p2 =	por !p2, p0  }
0x20: {  	[sflag:s8] =	ssyncset.s32 @!p0 $0xFFFFF086;
	s6 =	sadd.s32 @!p0 s3, s7;
	s7 =	simm.s32 @!p0 $0x108  }
0x21: {  	s3 =	sadd.s32 s3, s9;
	s6 =	sadd.s32 @!p0 $0x88, s6;
	s7 =	simm.s32 @p2 $0x1082  }
0x22: {  	[simem:s7], [sflag:s8] =	dma.local @!p0 [hbm:s6], $0xF7A  }
0x23: {  	s9 =	sor.u32 $0xD0000000, s2;
	s6 =	simm.s32 $0x108;
	_ =	swait.ge @!p0 [sflag:s8], $0x0  }
0x24: {  	s3 =	sadd.s32 $0x88, s3;
	s6 =	simm.s32 @!p1 $0x1082;
	[sflag:s4] =	ssyncset.s32 $0xFFFFF086  }
0x25: {  	[simem:s6], [sflag:s4] =	dma.local [hbm:s3], $0xF7A  }
0x26: {  	[smem:$0x3F9D] =	sst s1;
	(tag) =	ssettag s2;
	_ =	strace s9  }
0x27: {  	s1 =	sld [smem:$0x3FAD]  }
0x28: {  	s2 =	sld [smem:$0x3FAE]  }
0x29: {  	s4 =	sld [smem:$0x3FB0]  }
0x2a: {  	p0 =	seq.s32 s5, $0x0;
	s5 =	sld [smem:$0x3FB1]  }
0x2b: {  	s6 =	sld [smem:$0x3FB2]  }
0x2c: {  	s7 =	sld [smem:$0x3FB3]  }
0x2d: {  	s3 =	simm.s32 $0x108;
	s8 =	sld [smem:$0x3FB4]  }
0x2e: {  	s3 =	simm.s32 @!p0 $0x1082;
	s9 =	sld [smem:$0x3FB5]  }
0x2f: {  	lr =	sadd.s32 s0, s3;
	s0 =	sld [smem:$0x3FAC]  }
0x30: {  	s3 =	sld [smem:$0x3FAF]  }
0x31: {  	[smem:$0x3FB8] =	sst s10  }
0x32: {  	s10 =	sld [smem:$0x3FB6];
	_ =	sdelay $0x3  }
0x33: {  	p0 =	seq.s32 s10, $0x1;
	s10 =	sld [smem:$0x3FB8];
	_ =	sdelay $0x3  }
0x34: {  	[smem:$0x3FB8] =	sst s10  }
0x35: {  	s10 =	sld [smem:$0x3FB7];
	_ =	sdelay $0x3  }
0x36: {  	p1 =	seq.s32 s10, $0x1;
	s10 =	sld [smem:$0x3FB8];
	_ =	sdelay $0x3  }
0x37: {  	[smem:$0x3FB8] =	sst s10  }
0x38: {  	s10 =	sld [smem:$0x3FB9]  }
0x39: {  	_ = 	snop;
	(pc) =	sbr.ind lr, $3  }
0x3a: {  	_ = 	snop  }
0x3b: {  	_ = 	snop  }
0x3c: {  	p2 =	seq.s32 s10, $0x1;
	s10 =	sld [smem:$0x3FB8]  }
0x3d: {  	_ =	shalt  }
0x3e: {  	_ =	shalt  }
0x3f: {  	_ =	shalt  }
0x40: {  	_ =	shalt  }
0x41: {  	_ =	shalt  }
0x42: {  	_ =	shalt  }
0x43: {  	_ =	shalt  }
0x44: {  	_ =	shalt  }
0x45: {  	_ =	shalt  }
0x46: {  	_ =	shalt  }
0x47: {  	_ =	shalt  }
0x48: {  	_ =	shalt  }
0x49: {  	_ =	shalt  }
0x4a: {  	_ =	shalt  }
0x4b: {  	_ =	shalt  }
0x4c: {  	_ =	shalt  }
0x4d: {  	_ =	shalt  }
0x4e: {  	_ =	shalt  }
0x4f: {  	_ =	shalt  }
0x50: {  	_ =	shalt  }
0x51: {  	_ =	shalt  }
0x52: {  	_ =	shalt  }
0x53: {  	_ =	shalt  }
0x54: {  	_ =	shalt  }
0x55: {  	_ =	shalt  }
0x56: {  	_ =	shalt  }
0x57: {  	_ =	shalt  }
0x58: {  	_ =	shalt  }
0x59: {  	_ =	shalt  }
0x5a: {  	_ =	shalt  }
0x5b: {  	_ =	shalt  }
0x5c: {  	_ =	shalt  }
0x5d: {  	_ =	shalt  }
0x5e: {  	_ =	shalt  }
0x5f: {  	_ =	shalt  }
0x60: {  	_ =	shalt  }
0x61: {  	_ =	shalt  }
0x62: {  	_ =	shalt  }
0x63: {  	_ =	shalt  }
0x64: {  	_ =	shalt  }
0x65: {  	_ =	shalt  }
0x66: {  	_ =	shalt  }
0x67: {  	_ =	shalt  }
0x68: {  	_ =	shalt  }
0x69: {  	_ =	shalt  }
0x6a: {  	_ =	shalt  }
0x6b: {  	_ =	shalt  }
0x6c: {  	_ =	shalt  }
0x6d: {  	_ =	shalt  }
0x6e: {  	_ =	shalt  }
0x6f: {  	_ =	shalt  }
0x70: {  	_ =	shalt  }
0x71: {  	_ =	shalt  }
0x72: {  	_ =	shalt  }
0x73: {  	_ =	shalt  }
0x74: {  	_ =	shalt  }
0x75: {  	_ =	shalt  }
0x76: {  	_ =	shalt  }
0x77: {  	_ =	shalt  }
0x78: {  	_ =	shalt  }
0x79: {  	_ =	shalt  }
0x7a: {  	_ =	shalt  }
0x7b: {  	_ =	shalt  }
0x7c: {  	_ =	shalt  }
0x7d: {  	_ =	shalt  }
0x7e: {  	_ =	shalt  }
0x7f: {  	_ =	shalt  }
0x80: {  	_ =	shalt  }
0x81: {  	_ =	shalt  }
0x82: {  	_ =	shalt  }
0x83: {  	_ =	shalt  }
0x84: {  	_ =	shalt  }
0x85: {  	_ =	shalt  }
0x86: {  	_ =	shalt  }
0x87: {  	_ =	shalt  }
.Lfunc_end0:
.L_simem_size_0:
called_computation_lowered:
.L_overlay_start_0:
0x88: {  	s2 =	sld [smem:$0x3FD9]  }
0x89: {  	s3 =	sld [smem:$0x3FFE];
	_ =	sdelay $0x1  }
0x8a: {  	s1 =	srdreg.scid  }
0x8b: {  	s0 =	sand.u32 $0x1, s1  }
0x8c: {  	s17 =	sshll.u32 s0, $0xA;
	s2 =	sadd.s32 s3, s2  }
0x8d: {  	s2 =	sadd.s32 s2, s17  }
0x8e: {  	[smem:$0x3FC4] =	sst s2  }
0x8f: {  	_ = 	snop  }
0x90: {  	s2 =	sld [smem:$0x3FC7]  }
0x91: {  	s18 =	sld [smem:$0x3FD0];
	(tm) =	ssettm $0x1  }
0x92: {  	s4 =	sld [smem:$0x3FFB];
	_ =	sdelay $0x3  }
0x93: {  	_ =	strace s4  }
0x94: {  	s4 =	sld [smem:$0x3FFC];
	_ =	sdelay $0x3  }
0x95: {  	_ =	strace s4  }
0x96: {  	s4 =	sld [smem:$0x3FFD];
	_ =	sdelay $0x3  }
0x97: {  	_ =	strace s4  }
0x98: {  	_ =	strace $0x8FFFFFFF  }
0x99: {  	s19 =	sld [smem:$0x3FDB];
	_ =	sdelay $0x1  }
0x9a: {  	s5 =	simm.s32 $_scs_section_size  }
0x9b: {  	s6 =	simm.s32 $_size__tile_overlayer_lowered;
	s7 =	simm.s32 $_tile_overlayer_lowered  }
0x9c: {  	s22 =	simm.s32 $0x1BFF;
	s21 =	sshll.u32 s7, $0x1;
	s4 =	sadd.s32 s5, s19  }
0x9d: {  	s8 =	simm.s32 $0x0;
	s20 =	sshll.u32 s6, $0x1;
	s6 =	sadd.s32 s21, s4  }
0x9e: {  	[timem:s8], [sflag:s22] =	dma.local [hbm:s6], s20  }
0x9f: {  	_ =	swait.ge [sflag:s22], s20  }
0xa0: {  	s5 =	ssub.s32 $0x0, s20;
	[sflag:s22] =	ssyncset.done $0x0  }
0xa1: {  	[sflag:s22] =	ssyncadd.s32 s5;
	_ =	sdelay $0x1  }
0xa2: {  	s23 =	simm.s32 $0x1B8B  }
0xa3: {  	_ =	swait.ge [sflag:s23], $0x1  }
0xa4: {  	[sflag:s23] =	ssyncset.done $0x0  }
0xa5: {  	s25 =	simm.s32 $0x1B8E;
	s24 =	sld [smem:$0x3FFE];
	[sflag:s23] =	ssyncadd.s32 $0xFFFFFFFF  }
0xa6: {  	s26 =	simm.s32 $execute0_lowered;
	[smem:$0x3FD2] =	sst s25  }
0xa7: {  	s6 =	sshll.u32 s26, $0x1;
	_ =	strace $0x80000046;
	[dreg:$0x1] =	wrdreg $0xFFFFFFFF  }
0xa8: {  	s28 =	simm.s32 $_size_execute0_lowered;
	s4 =	sadd.s32 s4, s6;
	[dreg:$0x0] =	wrdreg $0x0  }
0xa9: {  	s6 =	sshll.u32 s28, $0x1;
	[dreg:$0x2] =	wrdreg s4  }
0xaa: {  	[dreg:$0x3] =	wrdreg s6  }
0xab: {  	[dreg:$0x4] =	wrdreg $0xC0  }
0xac: {  	_ =	task [dreg:s8], $0x5FFFF  }
0xad: {  	[dreg:$0x1] =	wrdreg $0xFFFFFFFF  }
0xae: {  	[dreg:$0x0] =	wrdreg $0x60  }
0xaf: {  	[dreg:$0x2] =	wrdreg s24  }
0xb0: {  	[dreg:$0x3] =	wrdreg s2  }
0xb1: {  	[dreg:$0x4] =	wrdreg s18  }
0xb2: {  	[dreg:$0x5] =	wrdreg $0x9  }
0xb3: {  	_ =	task.clear_ibuf [dreg:s8], $0x6FFFF;
	_ =	strace $0x90000046  }
0xb4: {  	s29 =	simm.s32 $0x9;
	_ =	strace $0x80000048  }
0xb5: {  	_ =	swait.ge [sflag:s29], $0x1  }
0xb6: {  	[sflag:s29] =	ssyncadd.s32 $0xFFFFFFFF  }
0xb7: {  	_ =	strace $0x90000048  }
0xb8: {  	_ =	sfence  }
0xb9: {  	s30 =	sld [smem:$0x0];
	_ =	sdelay $0x2  }
0xba: {  	s31 =	sshll.u32 s1, $0xD;
	s1 =	sshrl.u32 s1, $0x2  }
0xbb: {  	s3 =	sand.u32 $0x4000, s31;
	s1 =	sadd.s32 s1, s30  }
0xbc: {  	s0 =	sor.u32 s3, s0;
	s1 =	sshll.u32 s1, $0x11  }
0xbd: {  	s0 =	sor.u32 s1, s0  }
0xbe: {  	s0 =	sadd.s32 $0x8F2B, s0  }
0xbf: {  	[sflag:s0] =	ssyncadd.remote.s32 $0x1  }
0xc0: {  	_ =	sfence.sel $0xFFFF  }
0xc1: {  	[dreg:$0x0] =	wrdreg $0xFFFFFFFF;
	(pc) =	sbr.abs _section_cstart, $3  }
0xc2: {  	[dreg:$0x1] =	wrdreg $0xFFFFFFFF  }
0xc3: {  	_ =	task.clear_ibuf [dreg:s8], $0x2FFFF;
	_ =	strace $0x9FFFFFFF  }
0xc4: {  	(tm) =	ssettm $0x7FFFFFFF  }
0xc5: {  	_ =	shalt  }
tec
execute0_lowered:
.L_overlay_start_1:
0x0: {  	(tag) =	ssettag $0x1  }
0x1: {  	s0 =	rddreg [dreg:$0x0]  }
0x2: {  	s1 =	rddreg [dreg:$0x1]  }
0x3: {  	s2 =	srdreg.scid;
	s3 =	stileid.u32  }
0x4: {  	s4 =	rddreg [dreg:$0x2];
	s2 =	sand.u32 $0x1, s2;
	s3 =	sshll.u32 s3, $0x1  }
0x5: {  	s8 =	simm.s32 $0x0;
	s14 =	simm.s32 $0x50;
	s3 =	sor.u32 s2, s3  }
0x6: {  	s15 =	simm.s32 $0x16F40;
	s16 =	simm.s32 $0x19740;
	s5 =	smul.u32 $0x2710, s3  }
0x7: {  	s17 =	simm.s32 $0x1;
	s18 =	simm.s32 $0x18340;
	s19 =	simm.s32 $0x1AB40  }
0x8: {  	s20 =	simm.s32 $0x1BF40;
	[smem:$0x7FF] =	sst s8;
	s5 =	sshrl.u32 s5, $0x3  }
0x9: {  	s3 =	sadd.s32 $0x2600, s0;
	s7 =	sadd.s32 s5, s0;
	s0 =	sadd.s32 $0x600, s0  }
0xa: {  	_ =	strace $0x80000047;
	s1 =	sadd.s32 s1, s5;
	[dreg:$0x4] =	wrdreg s0  }
0xb: {  	v0 =	vlaneseq.u32;
	s2 =	ssub.s32 $0x2, s2;
	s31 =	sadd.s32 s4, s5;
	[dreg:$0x7] =	wrdreg s1  }
0xc: {  	v0 =	vmul.u32 $0x10, v0;
	s6 =	sshrl.u32 s2, $0x1;
	s29 =	sadd.s32 $0x16000, s7;
	[dreg:$0x8] =	wrdreg s31  }
0xd: {  	s28 =	ssub.s32 s2, s6;
	s30 =	sadd.s32 $0x1FC40, s7;
	[dreg:$0x5] =	wrdreg s29  }
0xe: {  	vm0 =	vcmask $0x3F3C;
	s21 =	simm.s32 $0x2;
	v1 =	vor.u32 $0x100, v0;
	s0 =	smax.u32 s28, $0x1;
	[dreg:$0x6] =	wrdreg s30  }
0xf: {  	s22 =	simm.s32 $0x1C440;
	v2 =	vor.u32 $0x200, v0;
	v3 =	vor.u32 $0x300, v0;
	v4 =	vor.u32 $0x400, v0;
	s2 =	simm.s32 $0x0;
	[dreg:$0x9] =	wrdreg s0  }
.LBB2_1:
0x10: {  	[dreg:$0xa] =	wrdreg s2  }
0x11: {  	s0 =	rddreg [dreg:$0x4];
	s1 =	simm.s32 $0x7540;
	s24 =	simm.s32 $0x4  }
0x12: {  	[tilespmem:s1], [sflag:$0x4] =	stream.linear.gather [hbm4b:s0+s8], $0xFA00, $0x38;
	[tilespmem:$0x1F050] =	vst v63  }
0x13: {  	_ =	swait.ge [sflag:s24], $0xFA00  }
0x14: {  	[sflag:s24] =	ssyncset.done $0x0  }
0x15: {  	s25 =	rddreg [dreg:$0x5];
	[sflag:s24] =	ssyncadd.s32 $0xFFFF0600  }
0x16: {  	[tilespmem:s8], [sflag:$0x4] =	stream.linear.gather [hbm4b:s25+s8], $0x2710, $0x38;
	[tilespmem:$0x1F050] =	vst v63  }
0x17: {  	_ =	swait.ge [sflag:s24], $0x2710  }
0x18: {  	[sflag:s24] =	ssyncset.done $0x0  }
0x19: {  	s30 =	simm.s32 $0x2710;
	s26 =	rddreg [dreg:$0x6];
	[sflag:s24] =	ssyncadd.s32 $0xFFFFD8F0  }
0x1a: {  	[tilespmem:s30], [sflag:$0x4] =	stream.linear.gather [hbm4b:s26+s8], $0x2710, $0x38;
	[tilespmem:$0x1F050] =	vst v63  }
0x1b: {  	_ =	swait.ge [sflag:s24], $0x2710  }
0x1c: {  	[sflag:s24] =	ssyncset.done $0x0  }
0x1d: {  	s4 =	simm.s32 $0x4E20;
	s31 =	rddreg [dreg:$0x7];
	[sflag:s24] =	ssyncadd.s32 $0xFFFFD8F0  }
0x1e: {  	[tilespmem:s4], [sflag:$0x4] =	stream.linear.gather [hbm4b:s31+s8], $0x2710, $0x38;
	[tilespmem:$0x1F050] =	vst v63  }
0x1f: {  	_ =	swait.ge [sflag:s24], $0x2710  }
0x20: {  	[sflag:s24] =	ssyncset.done $0x0  }
0x21: {  	[sflag:s24] =	ssyncadd.s32 $0xFFFFD8F0  }
0x22: {  	[tilespmem:s15], [sflag:$0x1] =	stream.indirect.gather [hbm4b:s3+s14], $0x40, s8, s14, $0xb8;
	[tilespmem:$0x1F050] =	vst v63  }
0x23: {  	s28 =	simm.s32 $0x4E76;
	s29 =	simm.s32 $0x0;
	s26 =	simm.s32 $0x4E24  }
0x24: {  	[tilespmem:s16], [sflag:$0x1] =	stream.indirect.gather [hbm4b:s3+s14], $0x40, s30, s14, $0xb8;
	[tilespmem:$0x1F050] =	vst v63  }
.LBB2_2:
0x25: {  	_ =	swait.ge [sflag:s17], $0x1400  }
0x26: {  	[sflag:s17] =	ssyncset.done $0x0  }
0x27: {  	[sflag:s17] =	ssyncadd.s32 $0xFFFFEC00  }
0x28: {  	s30 =	smul.u32 $0xA0, s29;
	_ =	swait.ge [sflag:s17], $0x1400  }
0x29: {  	[sflag:s17] =	ssyncset.done $0x0  }
0x2a: {  	s31 =	sadd.s32 $0x50, s30;
	[sflag:s17] =	ssyncadd.s32 $0xFFFFEC00  }
0x2b: {  	[tilespmem:s18], [sflag:$0x2] =	stream.indirect.gather [hbm4b:s3+s14], $0x40, s31, s14, $0xb8;
	[tilespmem:$0x1F050] =	vst v63  }
0x2c: {  	s0 =	sadd.s32 $0x2760, s30  }
0x2d: {  	[tilespmem:s19], [sflag:$0x2] =	stream.indirect.gather [hbm4b:s3+s14], $0x40, s0, s14, $0xb8;
	[tilespmem:$0x1F050] =	vst v63  }
0x2e: {  	v5 =	vld [tilespmem:s26+$0x2];
	_ =	sdelay $0x4  }
0x2f: {  	v5 =	vshll.u32 v5, $0x8  }
0x30: {  	v5 =	vshra.s32 v5, $0x2  }
0x31: {  	(v2sf) =	vpush v5, $0x0;
	_ =	sdelay $0x6  }
0x32: {  	v6 =	vld [tilespmem:s26+$0xFFFFFFFE]  }
0x33: {  	v7 =	vld [tilespmem:s26+$0x0]  }
0x34: {  	s0 =	simm.s32 $0x19840;
	v8 =	vld [tilespmem:s26+$0xFFFFFFFC]  }
0x35: {  	v9 =	vld [tilespmem:s0+$0x80]  }
0x36: {  	s6 =	simm.s32 $0x17040;
	v10 =	vld [tilespmem:s0+$0x90]  }
0x37: {  	v11 =	vld [tilespmem:s6+$0x80]  }
0x38: {  	v12 =	vld [tilespmem:s6+$0x90]  }
0x39: {  	v13 =	vld [tilespmem:s6+$0xA0]  }
0x3a: {  	v14 =	vld [tilespmem:s6+$0xB0];
	s1 =	spop (v2sf)  }
0x3b: {  	v6 =	vshll.u32 v6, $0x8;
	v15 =	vld [tilespmem:s1+$0x7540]  }
0x3c: {  	v7 =	vshll.u32 v7, $0x8;
	v6 =	vshra.s32 v6, $0x2;
	v16 =	vld [tilespmem:s1+$0x7550]  }
0x3d: {  	v7 =	vshra.s32 v7, $0x2;
	(v2sf) =	vpush v6, $0x0;
	v17 =	vld [tilespmem:s1+$0x7560]  }
0x3e: {  	(v2sf) =	vpush v7, $0x0;
	v18 =	vld [tilespmem:s1+$0x7570]  }
0x3f: {  	v19 =	vld [tilespmem:s0+$0xA0]  }
0x40: {  	v20 =	vld [tilespmem:s0+$0xB0];
	v8 =	vshll.u32 v8, $0x8  }
0x41: {  	v8 =	vshra.s32 v8, $0x2;
	v11 =	vmul.bf16 v15, v11  }
0x42: {  	(v2sf) =	vpush v8, $0x0;
	v12 =	vmul.bf16 v16, v12;
	v13 =	vmul.bf16 v17, v13  }
0x43: {  	v9 =	vmul.bf16 v9, v11;
	v11 =	vmul.bf16 v18, v14  }
0x44: {  	v10 =	vmul.bf16 v10, v12  }
0x45: {  	v13 =	vmul.bf16 v19, v13;
	v12 =	vunpack.i.u.bf16.f32 v9;
	v11 =	vmul.bf16 v20, v11  }
0x46: {  	v9 =	vunpack.i.l.bf16.f32 v9;
	v14 =	vunpack.i.u.bf16.f32 v10;
	v10 =	vunpack.i.l.bf16.f32 v10  }
0x47: {  	v15 =	vunpack.i.u.bf16.f32 v13;
	v13 =	vunpack.i.l.bf16.f32 v13;
	v9 =	vadd.f32 v9, v12  }
0x48: {  	v10 =	vadd.f32 v10, v14;
	v16 =	vunpack.i.u.bf16.f32 v11;
	v11 =	vunpack.i.l.bf16.f32 v11  }
0x49: {  	v12 =	vadd.f32 v13, v15;
	v11 =	vadd.f32 v11, v16  }
0x4a: {  	s23 =	simm.s32 $0x17240;
	v56 =	vld [tilespmem:s0+$0xFFFFFF80];
	(v2sf) =	vpush v8, $0x1  }
0x4b: {  	v33 =	vld [tilespmem:s23+$0x80];
	v8 =	vadd.f32 v10, v9;
	v9 =	vadd.f32 v11, v12  }
0x4c: {  	v34 =	vld [tilespmem:s23+$0x90];
	s2 =	spop (v2sf);
	(v2sf) =	vpush v6, $0x1  }
0x4d: {  	v17 =	vld [tilespmem:s0+$0xFFFFFF00];
	s5 =	spop (v2sf);
	(v2sf) =	vpush v7, $0x1;
	v7 =	vadd.f32 v9, v8  }
0x4e: {  	v19 =	vld [tilespmem:s0+$0xFFFFFF10]  }
0x4f: {  	v13 =	vld [tilespmem:s6+$0xFFFFFF20];
	(xrf2) =	vadd.scan.msk.f32 $0xffff, v7  }
0x50: {  	v14 =	vld [tilespmem:s6+$0xFFFFFF30]  }
0x51: {  	v15 =	vld [tilespmem:s6+$0xFFFFFF80];
	s10 =	spop (v2sf);
	(v2sf) =	vpush v5, $0x1  }
0x52: {  	v16 =	vld [tilespmem:s6+$0xFFFFFF90]  }
0x53: {  	v11 =	vld [tilespmem:s6+$0xFFFFFF00]  }
0x54: {  	v12 =	vld [tilespmem:s6+$0xFFFFFF10]  }
0x55: {  	v10 =	vld [tilespmem:s2+$0x7550]  }
0x56: {  	v9 =	vld [tilespmem:s2+$0x7540]  }
0x57: {  	v6 =	vld [tilespmem:s10+$0x7540]  }
0x58: {  	v8 =	vld [tilespmem:s10+$0x7550]  }
0x59: {  	s1 =	simm.s32 $0x1BFB0;
	v5 =	vld [tilespmem:s10+$0x7560];
	v18, _, _ =	vpop (xrf2)  }
0x5a: {  	v7 =	vld [tilespmem:s10+$0x7570];
	[tilespmem:s1+$0xFFFFFFF0] =	vst.msk vm0, v18  }
0x5b: {  	v18 =	vld [tilespmem:s0+$0xC0]  }
0x5c: {  	v20 =	vld [tilespmem:s0+$0xD0]  }
0x5d: {  	s4 =	spop (v2sf);
	v21 =	vld [tilespmem:s6+$0xC0]  }
0x5e: {  	s8 =	spop (v2sf);
	v23 =	vld [tilespmem:s6+$0xD0]  }
0x5f: {  	s7 =	spop (v2sf);
	v25 =	vld [tilespmem:s6+$0xE0]  }
0x60: {  	v8 =	vmul.bf16 v8, v12;
	v12 =	vld [tilespmem:s6+$0xF0];
	s9 =	spop (v2sf)  }
0x61: {  	v22 =	vld [tilespmem:s9+$0x7540]  }
0x62: {  	v6 =	vmul.bf16 v6, v11;
	v24 =	vld [tilespmem:s9+$0x7550]  }
0x63: {  	v11 =	vld [tilespmem:s9+$0x7560]  }
0x64: {  	v5 =	vmul.bf16 v5, v13;
	v6 =	vmul.bf16 v17, v6;
	v13 =	vld [tilespmem:s9+$0x7570]  }
0x65: {  	v7 =	vmul.bf16 v7, v14;
	v8 =	vmul.bf16 v19, v8;
	v14 =	vld [tilespmem:s0+$0xE0]  }
0x66: {  	v10 =	vmul.bf16 v10, v16;
	v9 =	vmul.bf16 v9, v15;
	v15 =	vunpack.i.u.bf16.f32 v6;
	v17 =	vld [tilespmem:s0+$0xF0]  }
0x67: {  	v35 =	vld [tilespmem:s23+$0xA0];
	v6 =	vunpack.i.l.bf16.f32 v6;
	v16 =	vunpack.i.u.bf16.f32 v8;
	v8 =	vunpack.i.l.bf16.f32 v8  }
0x68: {  	v55 =	vld [tilespmem:s23+$0xFFFFFFA0];
	v6 =	vadd.f32 v6, v15;
	v19 =	vmul.bf16 v22, v21;
	v15 =	vmul.bf16 v24, v23  }
0x69: {  	v8 =	vadd.f32 v8, v16;
	v22 =	vld [tilespmem:s0+$0xFFFFFF20];
	v11 =	vmul.bf16 v11, v25;
	v12 =	vmul.bf16 v13, v12  }
0x6a: {  	v18 =	vmul.bf16 v18, v19;
	v19 =	vld [tilespmem:s0+$0xFFFFFF30];
	v13 =	vmul.bf16 v20, v15  }
0x6b: {  	v6 =	vadd.f32 v8, v6;
	v21 =	vld [tilespmem:s2+$0x7560];
	v11 =	vmul.bf16 v14, v11;
	v12 =	vmul.bf16 v17, v12  }
0x6c: {  	v15 =	vld [tilespmem:s2+$0x7570];
	v16 =	vunpack.i.u.bf16.f32 v18;
	v17 =	vunpack.i.l.bf16.f32 v18;
	v18 =	vunpack.i.u.bf16.f32 v13  }
0x6d: {  	v14 =	vld [tilespmem:s6+$0xFFFFFFA0];
	v13 =	vunpack.i.l.bf16.f32 v13;
	v23 =	vunpack.i.u.bf16.f32 v11;
	v11 =	vunpack.i.l.bf16.f32 v11  }
0x6e: {  	v20 =	vld [tilespmem:s6+$0xFFFFFFB0];
	v57 =	vunpack.i.u.bf16.f32 v12;
	v12 =	vunpack.i.l.bf16.f32 v12;
	v5 =	vmul.bf16 v22, v5  }
0x6f: {  	v16 =	vadd.f32 v17, v16;
	v17 =	vld [tilespmem:s0+$0xFFFFFF90];
	v13 =	vadd.f32 v13, v18;
	v7 =	vmul.bf16 v19, v7  }
0x70: {  	v18 =	vld [tilespmem:s0+$0xFFFFFFA0];
	v11 =	vadd.f32 v11, v23;
	v12 =	vadd.f32 v12, v57;
	v19 =	vunpack.i.u.bf16.f32 v5  }
0x71: {  	v22 =	vld [tilespmem:s0+$0xFFFFFFB0];
	v5 =	vunpack.i.l.bf16.f32 v5;
	v23 =	vunpack.i.u.bf16.f32 v7;
	v7 =	vunpack.i.l.bf16.f32 v7  }
0x72: {  	v39 =	vld [tilespmem:s23+$0x10];
	v5 =	vadd.f32 v5, v19;
	v7 =	vadd.f32 v7, v23  }
0x73: {  	v40 =	vld [tilespmem:s23+$0x20];
	v14 =	vmul.bf16 v21, v14;
	v13 =	vadd.f32 v13, v16;
	v11 =	vadd.f32 v12, v11  }
0x74: {  	v42 =	vld [tilespmem:s23+$0x30];
	s10 =	simm.s32 $0x19A40;
	v8 =	vmul.bf16 v56, v9;
	v15 =	vmul.bf16 v15, v20;
	v5 =	vadd.f32 v7, v5  }
0x75: {  	v31 =	vld [tilespmem:s10+$0x80];
	v11 =	vadd.f32 v11, v13;
	v7 =	vmul.bf16 v17, v10;
	v10 =	vmul.bf16 v18, v14  }
0x76: {  	v32 =	vld [tilespmem:s10+$0x90];
	v14 =	vmul.bf16 v22, v15;
	v15 =	vunpack.i.u.bf16.f32 v8;
	v5 =	vadd.f32 v5, v6  }
0x77: {  	v38 =	vld [tilespmem:s10+$0xB0];
	v6 =	vunpack.i.l.bf16.f32 v8;
	v8 =	vunpack.i.u.bf16.f32 v7;
	v7 =	vunpack.i.l.bf16.f32 v7  }
0x78: {  	v43 =	vld [tilespmem:s10+$0xFFFFFF00];
	(xrf2) =	vadd.scan.msk.f32 $0xffff, v11;
	v17 =	vunpack.i.u.bf16.f32 v10;
	v10 =	vunpack.i.l.bf16.f32 v10;
	v18 =	vunpack.i.u.bf16.f32 v14  }
0x79: {  	v44 =	vld [tilespmem:s10+$0xFFFFFF10];
	v6 =	vadd.f32 v6, v15;
	v7 =	vadd.f32 v7, v8;
	(xrf2) =	vadd.scan.msk.f32 $0xffff, v5;
	v5 =	vunpack.i.l.bf16.f32 v14  }
0x7a: {  	v9 =	vld [tilespmem:s5+$0x7550];
	s9 =	sadd.s32 $0x8, s26;
	v10 =	vadd.f32 v10, v17;
	v5 =	vadd.f32 v5, v18  }
0x7b: {  	v6 =	vadd.f32 v7, v6;
	v7 =	vld [tilespmem:s9+$0x2]  }
0x7c: {  	v56 =	vld [tilespmem:s23+$0xFFFFFFB0];
	v5 =	vadd.f32 v5, v10  }
0x7d: {  	v57 =	vld [tilespmem:s23+$0x0]  }
0x7e: {  	v12 =	vld [tilespmem:s5+$0x7540];
	v5 =	vadd.f32 v5, v6  }
0x7f: {  	v16 =	vld [tilespmem:s5+$0x7570]  }
0x80: {  	v20 =	vld [tilespmem:s9+$0x0];
	(xrf2) =	vadd.scan.msk.f32 $0xffff, v5;
	v5 =	vshll.u32 v7, $0x8  }
0x81: {  	v19 =	vld [tilespmem:s6+$0x10];
	v21 =	vshra.s32 v5, $0x2  }
0x82: {  	v13 =	vld [tilespmem:s5+$0x7560];
	(v2sf) =	vpush v21, $0x0  }
0x83: {  	v11 =	vld [tilespmem:s6+$0x0]  }
0x84: {  	v18 =	vld [tilespmem:s9+$0xFFFFFFFE]  }
0x85: {  	v22 =	vld [tilespmem:s0+$0x30]  }
0x86: {  	v14 =	vld [tilespmem:s6+$0x30]  }
0x87: {  	v8 =	vld [tilespmem:s6+$0x20]  }
0x88: {  	v15 =	vld [tilespmem:s0+$0x10]  }
0x89: {  	v17 =	vld [tilespmem:s0+$0x20];
	v18 =	vshll.u32 v18, $0x8  }
0x8a: {  	v20 =	vshll.u32 v20, $0x8;
	v11 =	vmul.bf16 v12, v11;
	v12 =	vld [tilespmem:s23+$0xB0];
	v18 =	vshra.s32 v18, $0x2  }
0x8b: {  	v20 =	vshra.s32 v20, $0x2;
	v10 =	vld [tilespmem:s0+$0x0];
	v6, _, _ =	vpop (xrf2);
	v14 =	vmul.bf16 v16, v14;
	(v2sf) =	vpush v18, $0x0  }
0x8c: {  	v7 =	vld [tilespmem:s9+$0xFFFFFFFC];
	v5, _, _ =	vpop (xrf2);
	(v2sf) =	vpush v20, $0x0  }
0x8d: {  	v14 =	vmul.bf16 v22, v14;
	v22 =	vld [tilespmem:s10+$0xA0];
	[tilespmem:s1+$0xFFFFFF90] =	vst.msk vm0, v5  }
0x8e: {  	v5 =	vld [tilespmem:s6+$0xFFFFFF40]  }
0x8f: {  	v23 =	vld [tilespmem:s4+$0x7540]  }
0x90: {  	v9 =	vmul.bf16 v9, v19;
	v8 =	vmul.bf16 v13, v8;
	v24 =	vld [tilespmem:s6+$0xFFFFFF50]  }
0x91: {  	v58 =	vld [tilespmem:s4+$0x7550];
	s11 =	spop (v2sf)  }
0x92: {  	v9 =	vmul.bf16 v15, v9;
	v8 =	vmul.bf16 v17, v8;
	v7 =	vshll.u32 v7, $0x8;
	v13 =	vld [tilespmem:s11+$0x7540]  }
0x93: {  	v10 =	vmul.bf16 v10, v11;
	v26 =	vshra.s32 v7, $0x2;
	v11 =	vld [tilespmem:s11+$0x7550]  }
0x94: {  	v19 =	vunpack.i.u.bf16.f32 v9;
	v36 =	vunpack.i.u.bf16.f32 v8;
	(v2sf) =	vpush v26, $0x0;
	v15 =	vld [tilespmem:s11+$0x7560]  }
0x95: {  	v8 =	vunpack.i.l.bf16.f32 v8;
	v37 =	vunpack.i.u.bf16.f32 v14;
	v14 =	vunpack.i.l.bf16.f32 v14;
	v17 =	vld [tilespmem:s11+$0x7570]  }
0x96: {  	v9 =	vunpack.i.l.bf16.f32 v9;
	v8 =	vadd.f32 v8, v36;
	v14 =	vadd.f32 v14, v37;
	v27 =	vld [tilespmem:s6+$0xFFFFFF60]  }
0x97: {  	v9 =	vadd.f32 v9, v19;
	v16 =	vunpack.i.u.bf16.f32 v10;
	v10 =	vunpack.i.l.bf16.f32 v10;
	v28 =	vld [tilespmem:s4+$0x7560]  }
0x98: {  	v10 =	vadd.f32 v10, v16;
	v29 =	vld [tilespmem:s6+$0xFFFFFF70];
	v8 =	vadd.f32 v14, v8;
	v7, _, _ =	vpop (xrf2);
	v13 =	vmul.bf16 v13, v33  }
0x99: {  	v30 =	vld [tilespmem:s4+$0x7570];
	[tilespmem:s1+$0xFFFFFFB0] =	vst.msk vm0, v7;
	(v2sf) =	vpush v26, $0x1;
	v11 =	vmul.bf16 v11, v34;
	v15 =	vmul.bf16 v15, v35  }
0x9a: {  	v7 =	vld [tilespmem:s6+$0xFFFFFFC0];
	s12 =	spop (v2sf);
	(v2sf) =	vpush v18, $0x1;
	v12 =	vmul.bf16 v17, v12;
	v13 =	vmul.bf16 v31, v13  }
0x9b: {  	v9 =	vadd.f32 v9, v10;
	v18 =	vld [tilespmem:s23+$0xFFFFFF20];
	s13 =	spop (v2sf);
	(v2sf) =	vpush v20, $0x1;
	v11 =	vmul.bf16 v32, v11  }
0x9c: {  	v60 =	vld [tilespmem:s12+$0x7560];
	v15 =	vmul.bf16 v22, v15;
	v12 =	vmul.bf16 v38, v12;
	v31 =	vunpack.i.u.bf16.f32 v13  }
0x9d: {  	v63 =	vld [tilespmem:s12+$0x7570];
	v13 =	vunpack.i.l.bf16.f32 v13;
	v32 =	vunpack.i.u.bf16.f32 v11;
	v11 =	vunpack.i.l.bf16.f32 v11  }
0x9e: {  	v20 =	vld [tilespmem:s23+$0xFFFFFF80];
	v61 =	vunpack.i.u.bf16.f32 v15;
	v15 =	vunpack.i.l.bf16.f32 v15;
	v62 =	vunpack.i.u.bf16.f32 v12  }
0x9f: {  	v52 =	vld [tilespmem:s13+$0x7540];
	v12 =	vunpack.i.l.bf16.f32 v12;
	v13 =	vadd.f32 v13, v31;
	v11 =	vadd.f32 v11, v32  }
0xa0: {  	v53 =	vld [tilespmem:s13+$0x7550];
	v15 =	vadd.f32 v15, v61;
	v12 =	vadd.f32 v12, v62  }
0xa1: {  	v8 =	vadd.f32 v8, v9;
	v54 =	vld [tilespmem:s13+$0x7560]  }
0xa2: {  	v9 =	vld [tilespmem:s13+$0x7570];
	v11 =	vadd.f32 v11, v13;
	v12 =	vadd.f32 v12, v15  }
0xa3: {  	s24 =	spop (v2sf);
	(v2sf) =	vpush v21, $0x1;
	v21 =	vld [tilespmem:s23+$0xFFFFFF90]  }
0xa4: {  	v16 =	vld [tilespmem:s24+$0x7540];
	v11 =	vadd.f32 v12, v11  }
0xa5: {  	(xrf2) =	vadd.scan.msk.f32 $0xffff, v8;
	v19 =	vld [tilespmem:s24+$0x7550]  }
0xa6: {  	v59 =	vld [tilespmem:s24+$0x7560];
	(xrf2) =	vadd.scan.msk.f32 $0xffff, v11  }
0xa7: {  	v15 =	vld [tilespmem:s23+$0xFFFFFF00]  }
0xa8: {  	v12 =	vld [tilespmem:s23+$0xFFFFFF10]  }
0xa9: {  	v22 =	vld [tilespmem:s12+$0x7550]  }
0xaa: {  	v10 =	vld [tilespmem:s24+$0x7570]  }
0xab: {  	v17 =	vld [tilespmem:s12+$0x7540]  }
0xac: {  	v61 =	vld [tilespmem:s10+$0xFFFFFF30]  }
0xad: {  	v11 =	vld [tilespmem:s23+$0xFFFFFF30];
	v15 =	vmul.bf16 v16, v15;
	v12 =	vmul.bf16 v19, v12  }
0xae: {  	v19 =	vmul.bf16 v22, v21;
	v21 =	vmul.bf16 v60, v55;
	v60 =	vld [tilespmem:s10+$0xFFFFFF20]  }
0xaf: {  	v41, _, _ =	vpop (xrf2);
	v22 =	vmul.bf16 v63, v56;
	v63 =	vld [tilespmem:s10+$0xFFFFFF80]  }
0xb0: {  	s13 =	simm.s32 $0x1C030;
	v15 =	vmul.bf16 v43, v15;
	v43 =	vld [tilespmem:s10+$0xFFFFFF90];
	v8, _, _ =	vpop (xrf2)  }
0xb1: {  	s5 =	spop (v2sf);
	[tilespmem:s13+$0xFFFFFFF0] =	vst.msk vm0, v8;
	v8 =	vmul.bf16 v28, v27;
	v27 =	vmul.bf16 v52, v57;
	v57 =	vld [tilespmem:s10+$0x30]  }
0xb2: {  	s4 =	spop (v2sf);
	v45 =	vld [tilespmem:s10+$0xC0]  }
0xb3: {  	s12 =	spop (v2sf);
	v46 =	vld [tilespmem:s10+$0xD0]  }
0xb4: {  	s25 =	spop (v2sf);
	v47 =	vld [tilespmem:s23+$0xC0]  }
0xb5: {  	v48 =	vld [tilespmem:s25+$0x7540]  }
0xb6: {  	v14 =	vmul.bf16 v23, v5;
	v5 =	vmul.bf16 v30, v29;
	v49 =	vld [tilespmem:s23+$0xD0]  }
0xb7: {  	v26 =	vmul.bf16 v53, v39;
	v29 =	vmul.bf16 v54, v40;
	v50 =	vld [tilespmem:s25+$0x7550]  }
0xb8: {  	v18 =	vmul.bf16 v59, v18;
	v12 =	vmul.bf16 v44, v12;
	v23 =	vld [tilespmem:s23+$0xE0]  }
0xb9: {  	v13 =	vmul.bf16 v58, v24;
	v10 =	vmul.bf16 v10, v11;
	v62 =	vunpack.i.u.bf16.f32 v15;
	v58 =	vld [tilespmem:s25+$0x7560]  }
0xba: {  	v15 =	vunpack.i.l.bf16.f32 v15;
	v44 =	vunpack.i.u.bf16.f32 v12;
	v12 =	vunpack.i.l.bf16.f32 v12;
	v16 =	vld [tilespmem:s23+$0xF0]  }
0xbb: {  	v17 =	vmul.bf16 v17, v20;
	v15 =	vadd.f32 v15, v62;
	v12 =	vadd.f32 v12, v44;
	v11 =	vld [tilespmem:s25+$0x7570]  }
0xbc: {  	v9 =	vmul.bf16 v9, v42;
	v10 =	vmul.bf16 v61, v10;
	v20 =	vld [tilespmem:s10+$0xE0]  }
0xbd: {  	v18 =	vmul.bf16 v60, v18;
	v12 =	vadd.f32 v12, v15;
	v15 =	vmul.bf16 v63, v17;
	v59 =	vld [tilespmem:s10+$0xF0]  }
0xbe: {  	v55 =	vld [tilespmem:s10+$0x20];
	v61 =	vunpack.i.u.bf16.f32 v10;
	v17 =	vmul.bf16 v43, v19;
	v42 =	vmul.bf16 v48, v47  }
0xbf: {  	v62 =	vld [tilespmem:s8+$0x7570];
	v60 =	vunpack.i.u.bf16.f32 v18;
	v47 =	vmul.bf16 v50, v49;
	v23 =	vmul.bf16 v58, v23  }
0xc0: {  	[tilespmem:s1+$0xFFFFFFD0] =	vst.msk vm0, v41;
	v19 =	vld [tilespmem:s8+$0x7550];
	v18 =	vunpack.i.l.bf16.f32 v18;
	v11 =	vmul.bf16 v11, v16;
	v31 =	vmul.bf16 v45, v42  }
0xc1: {  	v63 =	vld [tilespmem:s6+$0x40];
	v18 =	vadd.f32 v18, v60;
	v9 =	vmul.bf16 v57, v9;
	v49 =	vmul.bf16 v46, v47  }
0xc2: {  	v52 =	vld [tilespmem:s10+$0x10];
	v20 =	vmul.bf16 v20, v23;
	v11 =	vmul.bf16 v59, v11;
	v50 =	vunpack.i.u.bf16.f32 v31  }
0xc3: {  	v60 =	vld [tilespmem:s0+$0xFFFFFF50];
	v51 =	vunpack.i.l.bf16.f32 v31;
	v53 =	vunpack.i.u.bf16.f32 v49;
	v34 =	vunpack.i.l.bf16.f32 v49  }
0xc4: {  	v57 =	vld [tilespmem:s6+$0x70];
	v54 =	vunpack.i.u.bf16.f32 v20;
	v20 =	vunpack.i.l.bf16.f32 v20;
	v56 =	vunpack.i.u.bf16.f32 v11  }
0xc5: {  	v48 =	vld [tilespmem:s10+$0xFFFFFFA0];
	v11 =	vunpack.i.l.bf16.f32 v11;
	v25 =	vadd.f32 v51, v50;
	v34 =	vadd.f32 v34, v53  }
0xc6: {  	v10 =	vunpack.i.l.bf16.f32 v10;
	v16 =	vld [tilespmem:s10+$0xFFFFFFB0];
	v20 =	vadd.f32 v20, v54;
	v11 =	vadd.f32 v11, v56  }
0xc7: {  	v26 =	vmul.bf16 v52, v26;
	v52 =	vadd.f32 v10, v61;
	v58 =	vld [tilespmem:s8+$0x7540]  }
0xc8: {  	v23 =	vld [tilespmem:s10+$0x0];
	v25 =	vadd.f32 v34, v25;
	v11 =	vadd.f32 v11, v20  }
0xc9: {  	v29 =	vmul.bf16 v55, v29;
	v32 =	vunpack.i.u.bf16.f32 v15;
	v59 =	vld [tilespmem:s6+$0xFFFFFFD0]  }
0xca: {  	v15 =	vunpack.i.l.bf16.f32 v15;
	v24 =	vadd.f32 v52, v18;
	v47 =	vld [tilespmem:s7+$0x7540];
	v11 =	vadd.f32 v11, v25  }
0xcb: {  	v55 =	vadd.f32 v15, v32;
	v45 =	vunpack.i.u.bf16.f32 v17;
	v17 =	vunpack.i.l.bf16.f32 v17;
	v51 =	vld [tilespmem:s7+$0x7550]  }
0xcc: {  	v24 =	vadd.f32 v24, v12;
	v16 =	vmul.bf16 v16, v22;
	v50 =	vunpack.i.u.bf16.f32 v26;
	v53 =	vld [tilespmem:s6+$0x60];
	(xrf2) =	vadd.scan.msk.f32 $0xffff, v11  }
0xcd: {  	v26 =	vunpack.i.l.bf16.f32 v26;
	v54 =	vunpack.i.u.bf16.f32 v29;
	v20 =	vmul.bf16 v48, v21;
	v21 =	vld [tilespmem:s6+$0xFFFFFFE0]  }
0xce: {  	v29 =	vunpack.i.l.bf16.f32 v29;
	v10 =	vmul.bf16 v58, v7;
	v22 =	vmul.bf16 v23, v27;
	v23 =	vld [tilespmem:s8+$0x7560]  }
0xcf: {  	v56 =	vunpack.i.u.bf16.f32 v9;
	v9 =	vunpack.i.l.bf16.f32 v9;
	v34 =	vadd.f32 v17, v45;
	v25 =	vld [tilespmem:s6+$0xFFFFFFF0]  }
0xd0: {  	v7 =	vld [tilespmem:s7+$0x7560];
	v15 =	vmul.bf16 v19, v59;
	v49 =	vunpack.i.u.bf16.f32 v22;
	v22 =	vunpack.i.l.bf16.f32 v22  }
0xd1: {  	v48 =	vld [tilespmem:s6+$0x50];
	v46 =	vunpack.i.u.bf16.f32 v20;
	v19 =	vadd.f32 v22, v49;
	v22 =	vadd.f32 v26, v50  }
0xd2: {  	v59 =	vld [tilespmem:s0+$0xFFFFFF40];
	v11 =	vunpack.i.l.bf16.f32 v20;
	v20 =	vunpack.i.u.bf16.f32 v16;
	v16 =	vunpack.i.l.bf16.f32 v16  }
0xd3: {  	v58 =	vld [tilespmem:s7+$0x7570];
	v11 =	vadd.f32 v11, v46;
	v20 =	vadd.f32 v16, v20;
	v16 =	vmul.bf16 v23, v21  }
0xd4: {  	v21 =	vadd.f32 v29, v54;
	v23 =	vadd.f32 v9, v56;
	v17 =	vmul.bf16 v62, v25;
	v62 =	vld [tilespmem:s0+$0xFFFFFF60]  }
0xd5: {  	[tilespmem:s1+$0x0] =	vst.msk vm0, v6;
	v18 =	vld [tilespmem:s0+$0xFFFFFF70];
	v61 =	vadd.f32 v34, v55;
	v9 =	vmul.bf16 v47, v63;
	v63 =	vadd.f32 v20, v11  }
0xd6: {  	v12 =	vmul.bf16 v7, v53;
	v22 =	vadd.f32 v22, v19;
	v21 =	vadd.f32 v23, v21;
	v20 =	vld [tilespmem:s0+$0xFFFFFFC0];
	v6, _, _ =	vpop (xrf2);
	(xrf2) =	vadd.scan.msk.f32 $0xffff, v24  }
0xd7: {  	v19 =	vld [tilespmem:s0+$0xFFFFFFD0];
	v11 =	vmul.bf16 v51, v48;
	v23 =	vmul.bf16 v59, v14;
	v7 =	vadd.f32 v63, v61  }
0xd8: {  	v14 =	vmul.bf16 v58, v57;
	v21 =	vadd.f32 v21, v22;
	v22 =	vmul.bf16 v60, v13;
	[tilespmem:s13+$0x0] =	vst.msk vm0, v6;
	v6 =	vld [tilespmem:s0+$0xFFFFFFE0]  }
0xd9: {  	s7 =	simm.s32 $0x4;
	s8 =	sadd.s32 $0x8, s9;
	s6 =	simm.s32 $0x17240;
	v13 =	vunpack.i.l.bf16.f32 v23;
	(xrf2) =	vadd.scan.msk.f32 $0xffff, v7;
	v7 =	vunpack.i.u.bf16.f32 v23;
	v23 =	vmul.bf16 v62, v8;
	v8 =	vld [tilespmem:s0+$0xFFFFFFF0]  }
.LBB2_3:
0xda: {  	v24 =	vld [tilespmem:s8+$0x2];
	v25 =	vunpack.i.u.bf16.f32 v22;
	v22 =	vunpack.i.l.bf16.f32 v22;
	v5 =	vmul.bf16 v18, v5  }
0xdb: {  	v18 =	vld [tilespmem:s8+$0xFFFFFFFE];
	v26 =	vunpack.i.u.bf16.f32 v23;
	v23 =	vunpack.i.l.bf16.f32 v23;
	v10 =	vmul.bf16 v20, v10  }
0xdc: {  	v20 =	vld [tilespmem:s8+$0x0];
	(xrf2) =	vadd.scan.msk.f32 $0xffff, v21;
	v21 =	vunpack.i.u.bf16.f32 v5;
	v5 =	vunpack.i.l.bf16.f32 v5;
	v15 =	vmul.bf16 v19, v15  }
0xdd: {  	v19 =	vld [tilespmem:s8+$0xFFFFFFFC];
	v27 =	vunpack.i.u.bf16.f32 v10;
	v28 =	vunpack.i.l.bf16.f32 v10;
	v6 =	vmul.bf16 v6, v16  }
0xde: {  	v16 =	vunpack.i.u.bf16.f32 v15;
	v15 =	vunpack.i.l.bf16.f32 v15;
	v8 =	vmul.bf16 v8, v17;
	v17 =	vld [tilespmem:s0+$0x40]  }
0xdf: {  	v10 =	vshll.u32 v24, $0x8;
	v24 =	vunpack.i.u.bf16.f32 v6;
	v29 =	vunpack.i.l.bf16.f32 v6;
	v6 =	vld [tilespmem:s0+$0x50]  }
0xe0: {  	v18 =	vshll.u32 v18, $0x8;
	v10 =	vshra.s32 v10, $0x2;
	v30, _, _ =	vpop (xrf2);
	v31 =	vunpack.i.u.bf16.f32 v8;
	v32 =	vld [tilespmem:s0+$0x60]  }
0xe1: {  	v18 =	vshra.s32 v18, $0x2;
	v20 =	vshll.u32 v20, $0x8;
	(v2sf) =	vpush v10, $0x0;
	[tilespmem:s13+$0xFFFFFF90] =	vst.msk vm0, v30;
	v30 =	vld [tilespmem:s0+$0x70];
	s0 =	smov.u32 s10  }
0xe2: {  	v19 =	vshll.u32 v19, $0x8;
	v20 =	vshra.s32 v20, $0x2;
	(v2sf) =	vpush v18, $0x0;
	v33 =	vld [tilespmem:s23+$0xFFFFFF40]  }
0xe3: {  	v19 =	vshra.s32 v19, $0x2;
	(v2sf) =	vpush v20, $0x0;
	v34 =	vld [tilespmem:s5+$0x7540];
	v35, _, _ =	vpop (xrf2);
	v9 =	vmul.bf16 v17, v9  }
0xe4: {  	(v2sf) =	vpush v19, $0x0;
	v17 =	vld [tilespmem:s23+$0xFFFFFF50];
	[tilespmem:s13+$0xFFFFFFB0] =	vst.msk vm0, v35;
	v35 =	vunpack.i.l.bf16.f32 v8;
	v6 =	vmul.bf16 v6, v11  }
0xe5: {  	(v2sf) =	vpush v19, $0x1;
	v8 =	vld [tilespmem:s5+$0x7550];
	v11 =	vunpack.i.u.bf16.f32 v9;
	v12 =	vmul.bf16 v32, v12  }
0xe6: {  	v32 =	vunpack.i.l.bf16.f32 v9;
	(v2sf) =	vpush v18, $0x1;
	v18 =	vld [tilespmem:s23+$0xFFFFFF60];
	v19, _, _ =	vpop (xrf2);
	v9 =	vmul.bf16 v30, v14  }
0xe7: {  	(v2sf) =	vpush v20, $0x1;
	v14 =	vld [tilespmem:s5+$0x7560];
	[tilespmem:s13+$0xFFFFFFD0] =	vst.msk vm0, v19;
	v19 =	vunpack.i.u.bf16.f32 v6;
	v20 =	vunpack.i.l.bf16.f32 v6  }
0xe8: {  	s7 =	sadd.s32 $0x4, s7;
	v6 =	vmul.bf16 v34, v33;
	v30 =	vld [tilespmem:s23+$0xFFFFFF70];
	v33 =	vunpack.i.u.bf16.f32 v12;
	v12 =	vunpack.i.l.bf16.f32 v12  }
0xe9: {  	v13 =	vadd.f32 v13, v7;
	p0 =	slt.u32 s7, $0x24;
	v36 =	vunpack.i.u.bf16.f32 v9;
	v37 =	vunpack.i.l.bf16.f32 v9;
	v34 =	vld [tilespmem:s5+$0x7570]  }
0xea: {  	s10 =	sadd.s32 $0x200, s10;
	v7 =	vmul.bf16 v8, v17;
	v9 =	vld [tilespmem:s23+$0xFFFFFFC0];
	v17 =	vadd.f32 v22, v25;
	v22 =	vadd.f32 v23, v26  }
0xeb: {  	v21 =	vadd.f32 v5, v21;
	v25 =	vadd.f32 v28, v27;
	v23 =	vld [tilespmem:s10+$0x80]  }
0xec: {  	s23 =	sadd.s32 $0x200, s23;
	v26 =	vld [tilespmem:s10+$0x90];
	v8 =	vmul.bf16 v14, v18;
	v14 =	vadd.f32 v15, v16;
	v15 =	vadd.f32 v29, v24  }
0xed: {  	v11 =	vadd.f32 v32, v11;
	v18 =	vadd.f32 v35, v31;
	v16 =	vld [tilespmem:s23+$0x80]  }
0xee: {  	v19 =	vadd.f32 v20, v19;
	v12 =	vadd.f32 v12, v33;
	v24 =	vld [tilespmem:s23+$0x90];
	v5 =	vmul.bf16 v34, v30  }
0xef: {  	v13 =	vadd.f32 v17, v13;
	v17 =	vadd.f32 v37, v36;
	v20 =	vld [tilespmem:s23+$0xA0]  }
0xf0: {  	v21 =	vadd.f32 v21, v22;
	v14 =	vadd.f32 v14, v25;
	v27 =	vld [tilespmem:s23+$0xB0];
	s5 =	spop (v2sf)  }
0xf1: {  	v11 =	vadd.f32 v19, v11;
	v15 =	vadd.f32 v18, v15;
	v22 =	vld [tilespmem:s5+$0x7540];
	s11 =	spop (v2sf)  }
0xf2: {  	v13 =	vadd.f32 v21, v13;
	v12 =	vadd.f32 v17, v12;
	v18 =	vld [tilespmem:s5+$0x7550];
	s2 =	spop (v2sf)  }
0xf3: {  	v14 =	vadd.f32 v15, v14;
	v17 =	vld [tilespmem:s5+$0x7560];
	s25 =	spop (v2sf)  }
0xf4: {  	v11 =	vadd.f32 v12, v11;
	v15 =	vld [tilespmem:s5+$0x7570];
	s5 =	spop (v2sf);
	(xrf2) =	vadd.scan.msk.f32 $0xffff, v13  }
0xf5: {  	v12 =	vld [tilespmem:s10+$0xA0];
	s24 =	spop (v2sf)  }
0xf6: {  	v13 =	vld [tilespmem:s10+$0xB0];
	s9 =	spop (v2sf)  }
0xf7: {  	v16 =	vmul.bf16 v22, v16;
	v19 =	vld [tilespmem:s25+$0x7540];
	(xrf2) =	vadd.scan.msk.f32 $0xffff, v14  }
0xf8: {  	v18 =	vmul.bf16 v18, v24;
	v14 =	vld [tilespmem:s25+$0x7550];
	v17 =	vmul.bf16 v17, v20  }
0xf9: {  	v16 =	vmul.bf16 v23, v16;
	v20 =	vld [tilespmem:s25+$0x7560];
	v15 =	vmul.bf16 v15, v27  }
0xfa: {  	v18 =	vmul.bf16 v26, v18;
	v21 =	vld [tilespmem:s25+$0x7570];
	(xrf2) =	vadd.scan.msk.f32 $0xffff, v11  }
0xfb: {  	v22 =	vunpack.i.u.bf16.f32 v16;
	v12 =	vmul.bf16 v12, v17;
	v11 =	vld [tilespmem:s11+$0x7540];
	v13 =	vmul.bf16 v13, v15  }
0xfc: {  	v16 =	vunpack.i.l.bf16.f32 v16;
	v17 =	vunpack.i.u.bf16.f32 v18;
	v27 =	vunpack.i.l.bf16.f32 v18;
	v15 =	vld [tilespmem:s11+$0x7550]  }
0xfd: {  	v24 =	vunpack.i.u.bf16.f32 v12;
	v12 =	vunpack.i.l.bf16.f32 v12;
	v23 =	vld [tilespmem:s11+$0x7560];
	v25 =	vunpack.i.u.bf16.f32 v13  }
0xfe: {  	v16 =	vadd.f32 v16, v22;
	v17 =	vadd.f32 v27, v17;
	v13 =	vunpack.i.l.bf16.f32 v13;
	v26 =	vld [tilespmem:s11+$0x7570];
	v18, _, _ =	vpop (xrf2)  }
0xff: {  	v12 =	vadd.f32 v12, v24;
	v25 =	vadd.f32 v13, v25;
	v22 =	vld [tilespmem:s2+$0x7540];
	[tilespmem:s1+$0xFFFFFFA0] =	vst.msk vm0, v18  }
0x100: {  	v18 =	vld [tilespmem:s2+$0x7550]  }
0x101: {  	v16 =	vadd.f32 v17, v16;
	v12 =	vadd.f32 v25, v12;
	v24 =	vld [tilespmem:s2+$0x7560];
	v13, _, _ =	vpop (xrf2)  }
0x102: {  	v17 =	vld [tilespmem:s2+$0x7570];
	[tilespmem:s1+$0xFFFFFFC0] =	vst.msk vm0, v13  }
0x103: {  	v12 =	vadd.f32 v12, v16;
	v13 =	vld [tilespmem:s23+$0xFFFFFF00]  }
0x104: {  	v16 =	vld [tilespmem:s23+$0xFFFFFF10];
	(v2sf) =	vpush v10, $0x1;
	v10, _, _ =	vpop (xrf2)  }
0x105: {  	v25 =	vld [tilespmem:s23+$0xFFFFFF20];
	(xrf2) =	vadd.scan.msk.f32 $0xffff, v12;
	[tilespmem:s1+$0xFFFFFFE0] =	vst.msk vm0, v10;
	s1 =	smov.u32 s13  }
0x106: {  	v10 =	vld [tilespmem:s23+$0xFFFFFF30]  }
0x107: {  	v12 =	vld [tilespmem:s23+$0xFFFFFF80]  }
0x108: {  	v13 =	vmul.bf16 v19, v13;
	v19 =	vld [tilespmem:s23+$0xFFFFFF90]  }
0x109: {  	v14 =	vmul.bf16 v14, v16;
	v16 =	vld [tilespmem:s23+$0xFFFFFFA0]  }
0x10a: {  	v20 =	vmul.bf16 v20, v25;
	v25 =	vld [tilespmem:s23+$0xFFFFFFB0]  }
0x10b: {  	v10 =	vmul.bf16 v21, v10;
	v21 =	vld [tilespmem:s23+$0x0]  }
0x10c: {  	v11 =	vmul.bf16 v11, v12;
	v12 =	vld [tilespmem:s23+$0x10]  }
0x10d: {  	v15 =	vmul.bf16 v15, v19;
	v19 =	vld [tilespmem:s23+$0x20]  }
0x10e: {  	v16 =	vmul.bf16 v23, v16;
	v23 =	vld [tilespmem:s23+$0x30]  }
0x10f: {  	s13 =	sadd.s32 $0x80, s13;
	v27 =	vld [tilespmem:s10+$0xFFFFFF00];
	v25 =	vmul.bf16 v26, v25;
	v26, _, _ =	vpop (xrf2)  }
0x110: {  	v28 =	vld [tilespmem:s10+$0xFFFFFF10];
	v21 =	vmul.bf16 v22, v21;
	[tilespmem:s13+$0xFFFFFFF0] =	vst.msk vm0, v26  }
0x111: {  	v18 =	vmul.bf16 v18, v12;
	v22 =	vld [tilespmem:s10+$0xC0]  }
0x112: {  	v19 =	vmul.bf16 v24, v19;
	v24 =	vld [tilespmem:s10+$0xD0]  }
0x113: {  	v17 =	vmul.bf16 v17, v23;
	v23 =	vld [tilespmem:s23+$0xC0];
	s2 =	spop (v2sf)  }
0x114: {  	v12 =	vmul.bf16 v27, v13;
	v13 =	vld [tilespmem:s2+$0x7540]  }
0x115: {  	v14 =	vmul.bf16 v28, v14;
	v26 =	vld [tilespmem:s23+$0xD0]  }
0x116: {  	v27 =	vunpack.i.u.bf16.f32 v12;
	v12 =	vunpack.i.l.bf16.f32 v12;
	v28 =	vld [tilespmem:s2+$0x7550]  }
0x117: {  	v12 =	vadd.f32 v12, v27;
	v27 =	vunpack.i.u.bf16.f32 v14;
	v14 =	vunpack.i.l.bf16.f32 v14;
	v29 =	vld [tilespmem:s23+$0xE0]  }
0x118: {  	v14 =	vadd.f32 v14, v27;
	v27 =	vld [tilespmem:s2+$0x7560]  }
0x119: {  	v30 =	vld [tilespmem:s23+$0xF0]  }
0x11a: {  	v12 =	vadd.f32 v14, v12;
	v14 =	vld [tilespmem:s2+$0x7570]  }
0x11b: {  	v31 =	vld [tilespmem:s10+$0xE0]  }
0x11c: {  	v32 =	vld [tilespmem:s10+$0xF0]  }
0x11d: {  	v13 =	vmul.bf16 v13, v23;
	v33 =	vld [tilespmem:s10+$0xFFFFFF20]  }
0x11e: {  	v26 =	vmul.bf16 v28, v26;
	v27 =	vmul.bf16 v27, v29;
	v23 =	vld [tilespmem:s10+$0xFFFFFF30]  }
0x11f: {  	v13 =	vmul.bf16 v22, v13;
	v28 =	vld [tilespmem:s10+$0xFFFFFF80];
	v14 =	vmul.bf16 v14, v30  }
0x120: {  	v24 =	vmul.bf16 v24, v26;
	v22 =	vld [tilespmem:s10+$0xFFFFFF90]  }
0x121: {  	v29 =	vunpack.i.u.bf16.f32 v13;
	v27 =	vmul.bf16 v31, v27;
	v26 =	vld [tilespmem:s10+$0xFFFFFFA0];
	v14 =	vmul.bf16 v32, v14  }
0x122: {  	v13 =	vunpack.i.l.bf16.f32 v13;
	v31 =	vunpack.i.u.bf16.f32 v24;
	v24 =	vunpack.i.l.bf16.f32 v24;
	v30 =	vld [tilespmem:s10+$0xFFFFFFB0]  }
0x123: {  	v34 =	vunpack.i.u.bf16.f32 v27;
	v27 =	vunpack.i.l.bf16.f32 v27;
	v32 =	vld [tilespmem:s10+$0x0];
	v35 =	vunpack.i.u.bf16.f32 v14  }
0x124: {  	v13 =	vadd.f32 v13, v29;
	v24 =	vadd.f32 v24, v31;
	v14 =	vunpack.i.l.bf16.f32 v14;
	v36 =	vld [tilespmem:s10+$0x10]  }
0x125: {  	v20 =	vmul.bf16 v33, v20;
	v27 =	vadd.f32 v27, v34;
	v14 =	vadd.f32 v14, v35;
	v29 =	vld [tilespmem:s10+$0x20]  }
0x126: {  	v10 =	vmul.bf16 v23, v10;
	v11 =	vmul.bf16 v28, v11;
	v23 =	vld [tilespmem:s10+$0x30]  }
0x127: {  	v13 =	vadd.f32 v24, v13;
	v15 =	vmul.bf16 v22, v15;
	v14 =	vadd.f32 v14, v27;
	v22 =	vld [tilespmem:s4+$0x7540]  }
0x128: {  	v24 =	vunpack.i.u.bf16.f32 v20;
	v16 =	vmul.bf16 v26, v16;
	v25 =	vmul.bf16 v30, v25;
	v26 =	vld [tilespmem:s6+$0xFFFFFFD0]  }
0x129: {  	v21 =	vmul.bf16 v32, v21;
	v13 =	vadd.f32 v14, v13;
	v18 =	vmul.bf16 v36, v18;
	v14 =	vld [tilespmem:s4+$0x7550]  }
0x12a: {  	v20 =	vunpack.i.l.bf16.f32 v20;
	v27 =	vunpack.i.u.bf16.f32 v10;
	v19 =	vmul.bf16 v29, v19;
	v28 =	vld [tilespmem:s6+$0xFFFFFFE0]  }
0x12b: {  	v10 =	vunpack.i.l.bf16.f32 v10;
	v29 =	vunpack.i.u.bf16.f32 v11;
	v17 =	vmul.bf16 v23, v17;
	(xrf2) =	vadd.scan.msk.f32 $0xffff, v13;
	v13 =	vld [tilespmem:s4+$0x7560]  }
0x12c: {  	v11 =	vunpack.i.l.bf16.f32 v11;
	v23 =	vunpack.i.u.bf16.f32 v15;
	v15 =	vunpack.i.l.bf16.f32 v15;
	v30 =	vld [tilespmem:s6+$0xFFFFFFF0]  }
0x12d: {  	v31 =	vunpack.i.u.bf16.f32 v16;
	v16 =	vunpack.i.l.bf16.f32 v16;
	v32 =	vunpack.i.u.bf16.f32 v25;
	v33 =	vld [tilespmem:s4+$0x7570];
	s4 =	smov.u32 s24  }
0x12e: {  	v25 =	vunpack.i.l.bf16.f32 v25;
	v34 =	vunpack.i.u.bf16.f32 v21;
	v21 =	vunpack.i.l.bf16.f32 v21;
	v35 =	vld [tilespmem:s6+$0x40]  }
0x12f: {  	v36 =	vunpack.i.u.bf16.f32 v18;
	v18 =	vunpack.i.l.bf16.f32 v18;
	v37 =	vunpack.i.u.bf16.f32 v19;
	v38 =	vld [tilespmem:s12+$0x7540]  }
0x130: {  	v19 =	vunpack.i.l.bf16.f32 v19;
	v39 =	vunpack.i.u.bf16.f32 v17;
	v40 =	vunpack.i.l.bf16.f32 v17;
	v41 =	vld [tilespmem:s6+$0x50]  }
0x131: {  	v20 =	vadd.f32 v20, v24;
	v24 =	vadd.f32 v10, v27;
	v10 =	vmul.bf16 v22, v9;
	v22 =	vld [tilespmem:s12+$0x7550]  }
0x132: {  	v11 =	vadd.f32 v11, v29;
	v23 =	vadd.f32 v15, v23;
	v15 =	vmul.bf16 v14, v26;
	v14 =	vld [tilespmem:s6+$0x60]  }
0x133: {  	v25 =	vadd.f32 v25, v32;
	v26 =	vadd.f32 v16, v31;
	v16 =	vmul.bf16 v13, v28;
	v13 =	vld [tilespmem:s12+$0x7560]  }
0x134: {  	v21 =	vadd.f32 v21, v34;
	v18 =	vadd.f32 v18, v36;
	v17 =	vmul.bf16 v33, v30;
	v27 =	vld [tilespmem:s6+$0x70];
	s6 =	smov.u32 s23  }
0x135: {  	v19 =	vadd.f32 v19, v37;
	v28 =	vadd.f32 v40, v39;
	v9 =	vmul.bf16 v38, v35;
	v29, _, _ =	vpop (xrf2);
	v30 =	vld [tilespmem:s12+$0x7570];
	s12 =	smov.u32 s9  }
0x136: {  	v20 =	vadd.f32 v24, v20;
	v23 =	vadd.f32 v23, v11;
	[tilespmem:s13+$0x0] =	vst.msk vm0, v29;
	v24 =	vld [tilespmem:s0+$0xFFFFFF40];
	v11 =	vmul.bf16 v22, v41  }
0x137: {  	v21 =	vadd.f32 v18, v21;
	v22 =	vadd.f32 v25, v26;
	v25 =	vld [tilespmem:s0+$0xFFFFFF50]  }
0x138: {  	v20 =	vadd.f32 v20, v12;
	v19 =	vadd.f32 v28, v19;
	v26 =	vld [tilespmem:s0+$0xFFFFFF60];
	v12 =	vmul.bf16 v13, v14  }
.Ltmp0:
0x139: {  	v13 =	vadd.f32 v22, v23;
	v18 =	vld [tilespmem:s0+$0xFFFFFF70];
	(pc) =	sbr.rel @p0 .LBB2_3-.Ltmp0, $4  }
0x13a: {  	v21 =	vadd.f32 v19, v21;
	(xrf2) =	vadd.scan.msk.f32 $0xffff, v20;
	v20 =	vld [tilespmem:s0+$0xFFFFFFC0];
	v14 =	vmul.bf16 v30, v27  }
0x13b: {  	v23 =	vmul.bf16 v24, v6;
	v19 =	vld [tilespmem:s0+$0xFFFFFFD0]  }
0x13c: {  	v22 =	vmul.bf16 v25, v7;
	v6 =	vld [tilespmem:s0+$0xFFFFFFE0]  }
0x13d: {  	s8 =	sadd.s32 $0x8, s8;
	(xrf2) =	vadd.scan.msk.f32 $0xffff, v13;
	v7 =	vunpack.i.u.bf16.f32 v23;
	v13 =	vunpack.i.l.bf16.f32 v23;
	v23 =	vmul.bf16 v26, v8;
	v8 =	vld [tilespmem:s0+$0xFFFFFFF0]  }
0x13e: {  	_ =	sdelay $0x3  }
0x13f: {  	v24 =	vld [tilespmem:s0+$0x40]  }
0x140: {  	v25 =	vld [tilespmem:s0+$0x50]  }
0x141: {  	v27 =	vld [tilespmem:s0+$0x60];
	v26, _, _ =	vpop (xrf2)  }
0x142: {  	v50 =	vld [tilespmem:s0+$0x70];
	[tilespmem:s13+$0xFFFFFF90] =	vst.msk vm0, v26  }
0x143: {  	v28 =	vld [tilespmem:s23+$0xFFFFFF40]  }
0x144: {  	v29 =	vld [tilespmem:s5+$0x7540]  }
0x145: {  	v5 =	vmul.bf16 v18, v5;
	v30 =	vld [tilespmem:s23+$0xFFFFFF50]  }
0x146: {  	v37 =	vunpack.i.u.bf16.f32 v23;
	v23 =	vunpack.i.l.bf16.f32 v23;
	v6 =	vmul.bf16 v6, v16;
	v31 =	vld [tilespmem:s5+$0x7550]  }
0x147: {  	(xrf2) =	vadd.scan.msk.f32 $0xffff, v21;
	v38 =	vunpack.i.u.bf16.f32 v5;
	v5 =	vunpack.i.l.bf16.f32 v5;
	v8 =	vmul.bf16 v8, v17;
	v21 =	vld [tilespmem:s23+$0xFFFFFF60]  }
0x148: {  	v23 =	vadd.f32 v23, v37;
	v5 =	vadd.f32 v5, v38;
	v41 =	vunpack.i.u.bf16.f32 v6;
	v32 =	vld [tilespmem:s5+$0x7560]  }
0x149: {  	v6 =	vunpack.i.l.bf16.f32 v6;
	v43 =	vunpack.i.u.bf16.f32 v8;
	v8 =	vunpack.i.l.bf16.f32 v8;
	v34 =	vld [tilespmem:s23+$0xFFFFFF70]  }
0x14a: {  	v6 =	vadd.f32 v6, v41;
	v8 =	vadd.f32 v8, v43;
	v51 =	vld [tilespmem:s5+$0x7570]  }
0x14b: {  	v5 =	vadd.f32 v5, v23;
	v23 =	vld [tilespmem:s10+$0xFFFFFF40];
	v33, _, _ =	vpop (xrf2)  }
0x14c: {  	v6 =	vadd.f32 v8, v6;
	v8 =	vld [tilespmem:s10+$0xFFFFFF50];
	[tilespmem:s13+$0xFFFFFFB0] =	vst.msk vm0, v33  }
0x14d: {  	v35 =	vld [tilespmem:s23+$0xFFFFFFC0]  }
0x14e: {  	v18 =	vld [tilespmem:s4+$0x7540]  }
0x14f: {  	v10 =	vmul.bf16 v20, v10;
	v20 =	vld [tilespmem:s6+$0xFFFFFFD0]  }
0x150: {  	v15 =	vmul.bf16 v19, v15;
	v19 =	vld [tilespmem:s4+$0x7550]  }
0x151: {  	v16 =	vld [tilespmem:s6+$0xFFFFFFE0]  }
0x152: {  	v36 =	vunpack.i.u.bf16.f32 v22;
	v22 =	vunpack.i.l.bf16.f32 v22;
	v17 =	vld [tilespmem:s4+$0x7560]  }
0x153: {  	v7 =	vadd.f32 v13, v7;
	v13 =	vadd.f32 v22, v36;
	v52, _, _ =	vpop (xrf2);
	v42 =	vld [tilespmem:s6+$0xFFFFFFF0]  }
0x154: {  	v39 =	vunpack.i.u.bf16.f32 v10;
	[tilespmem:s13+$0xFFFFFFD0] =	vst.msk vm0, v52;
	v53 =	vld [tilespmem:s4+$0x7570]  }
0x155: {  	v10 =	vunpack.i.l.bf16.f32 v10;
	v7 =	vadd.f32 v13, v7;
	v40 =	vunpack.i.u.bf16.f32 v15;
	v55 =	vld [tilespmem:s6+$0x40]  }
0x156: {  	v15 =	vunpack.i.l.bf16.f32 v15;
	v9 =	vmul.bf16 v24, v9;
	v11 =	vmul.bf16 v25, v11;
	v44 =	vld [tilespmem:s12+$0x7540]  }
0x157: {  	v10 =	vadd.f32 v10, v39;
	v12 =	vmul.bf16 v27, v12;
	v14 =	vmul.bf16 v50, v14;
	v22 =	vld [tilespmem:s6+$0x50]  }
0x158: {  	v15 =	vadd.f32 v15, v40;
	v54 =	vunpack.i.u.bf16.f32 v9;
	v9 =	vunpack.i.l.bf16.f32 v9;
	v58 =	vld [tilespmem:s12+$0x7550]  }
0x159: {  	v56 =	vunpack.i.u.bf16.f32 v11;
	v11 =	vunpack.i.l.bf16.f32 v11;
	v57 =	vunpack.i.u.bf16.f32 v12;
	v59 =	vld [tilespmem:s6+$0x60]  }
0x15a: {  	v12 =	vunpack.i.l.bf16.f32 v12;
	v60 =	vunpack.i.u.bf16.f32 v14;
	v10 =	vadd.f32 v15, v10;
	v61 =	vld [tilespmem:s12+$0x7560]  }
0x15b: {  	v14 =	vunpack.i.l.bf16.f32 v14;
	v5 =	vadd.f32 v5, v7;
	v9 =	vadd.f32 v9, v54;
	v62 =	vld [tilespmem:s6+$0x70]  }
0x15c: {  	v11 =	vadd.f32 v11, v56;
	v12 =	vadd.f32 v12, v57;
	v13 =	vld [tilespmem:s12+$0x7570];
	v28 =	vmul.bf16 v29, v28  }
0x15d: {  	v14 =	vadd.f32 v14, v60;
	v38 =	vld [tilespmem:s10+$0x40];
	v63 =	vmul.bf16 v31, v30;
	v21 =	vmul.bf16 v32, v21  }
0x15e: {  	v9 =	vadd.f32 v11, v9;
	v34 =	vmul.bf16 v51, v34;
	v11 =	vmul.bf16 v18, v35;
	v18 =	vld [tilespmem:s10+$0xFFFFFF60]  }
0x15f: {  	v12 =	vadd.f32 v14, v12;
	v8 =	vmul.bf16 v8, v63;
	v7 =	vmul.bf16 v17, v16;
	v17 =	vld [tilespmem:s10+$0xFFFFFF70]  }
0x160: {  	v6 =	vadd.f32 v6, v10;
	v15 =	vmul.bf16 v19, v20;
	v20 =	vld [tilespmem:s10+$0xFFFFFFC0];
	v14 =	vmul.bf16 v44, v55  }
0x161: {  	v9 =	vadd.f32 v12, v9;
	v19 =	vmul.bf16 v58, v22;
	v22 =	vmul.bf16 v23, v28;
	v23 =	vld [tilespmem:s10+$0xFFFFFFD0]  }
0x162: {  	v12 =	vmul.bf16 v13, v62;
	v13 =	vld [tilespmem:s10+$0xFFFFFFE0];
	v37 =	vunpack.i.u.bf16.f32 v8;
	v8 =	vunpack.i.l.bf16.f32 v8  }
0x163: {  	v16 =	vmul.bf16 v53, v42;
	v10 =	vmul.bf16 v61, v59;
	v8 =	vadd.f32 v8, v37  }
0x164: {  	v36 =	vunpack.i.u.bf16.f32 v22;
	v22 =	vunpack.i.l.bf16.f32 v22;
	v14 =	vmul.bf16 v38, v14  }
0x165: {  	v22 =	vadd.f32 v22, v36;
	v18 =	vmul.bf16 v18, v21;
	v17 =	vmul.bf16 v17, v34  }
0x166: {  	v21 =	vld [tilespmem:s10+$0xFFFFFFF0];
	v11 =	vmul.bf16 v20, v11;
	v15 =	vmul.bf16 v23, v15  }
0x167: {  	v20 =	vld [tilespmem:s10+$0x50];
	v7 =	vmul.bf16 v13, v7;
	v8 =	vadd.f32 v8, v22;
	v39 =	vunpack.i.u.bf16.f32 v18  }
0x168: {  	v23 =	vld [tilespmem:s10+$0x60];
	v18 =	vunpack.i.l.bf16.f32 v18;
	v40 =	vunpack.i.u.bf16.f32 v17;
	v17 =	vunpack.i.l.bf16.f32 v17  }
0x169: {  	v13 =	vld [tilespmem:s10+$0x70];
	v41 =	vunpack.i.u.bf16.f32 v11;
	v11 =	vunpack.i.l.bf16.f32 v11;
	v42 =	vunpack.i.u.bf16.f32 v15  }
0x16a: {  	v15 =	vunpack.i.l.bf16.f32 v15;
	v18 =	vadd.f32 v18, v39;
	v17 =	vadd.f32 v17, v40  }
0x16b: {  	v11 =	vadd.f32 v11, v41;
	v15 =	vadd.f32 v15, v42;
	v16 =	vmul.bf16 v21, v16  }
0x16c: {  	v21 =	vunpack.i.u.bf16.f32 v7;
	v7 =	vunpack.i.l.bf16.f32 v7;
	v19 =	vmul.bf16 v20, v19  }
0x16d: {  	v20 =	vunpack.i.u.bf16.f32 v14;
	v14 =	vunpack.i.l.bf16.f32 v14;
	v17 =	vadd.f32 v17, v18  }
0x16e: {  	v10 =	vmul.bf16 v23, v10;
	v12 =	vmul.bf16 v13, v12;
	v7 =	vadd.f32 v7, v21  }
0x16f: {  	v14 =	vadd.f32 v14, v20;
	v11 =	vadd.f32 v15, v11;
	v43 =	vunpack.i.u.bf16.f32 v16  }
0x170: {  	v16 =	vunpack.i.l.bf16.f32 v16;
	v13 =	vunpack.i.u.bf16.f32 v19;
	v19 =	vunpack.i.l.bf16.f32 v19  }
0x171: {  	v23 =	vunpack.i.u.bf16.f32 v10;
	v10 =	vunpack.i.l.bf16.f32 v10;
	v21 =	vunpack.i.u.bf16.f32 v12  }
0x172: {  	v16 =	vadd.f32 v16, v43;
	v12 =	vunpack.i.l.bf16.f32 v12;
	v13 =	vadd.f32 v19, v13  }
0x173: {  	(xrf2) =	vadd.scan.msk.f32 $0xffff, v5;
	v10 =	vadd.f32 v10, v23;
	v12 =	vadd.f32 v12, v21  }
0x174: {  	(xrf2) =	vadd.scan.msk.f32 $0xffff, v6;
	v6 =	vadd.f32 v17, v8;
	v5 =	vadd.f32 v16, v7  }
0x175: {  	v7 =	vadd.f32 v13, v14;
	v8 =	vadd.f32 v12, v10  }
0x176: {  	(xrf2) =	vadd.scan.msk.f32 $0xffff, v9;
	v5 =	vadd.f32 v5, v11  }
0x177: {  	(xrf2) =	vadd.scan.msk.f32 $0xffff, v6;
	v7 =	vadd.f32 v8, v7  }
0x178: {  	(xrf2) =	vadd.scan.msk.f32 $0xffff, v5  }
0x179: {  	(xrf2) =	vadd.scan.msk.f32 $0xffff, v7;
	_ =	sdelay $0x4  }
0x17a: {  	v5, _, _ =	vpop (xrf2)  }
0x17b: {  	v6, _, _ =	vpop (xrf2);
	[tilespmem:s1+$0xFFFFFFA0] =	vst.msk vm0, v5  }
0x17c: {  	v5, _, _ =	vpop (xrf2);
	[tilespmem:s1+$0xFFFFFFC0] =	vst.msk vm0, v6  }
0x17d: {  	[tilespmem:s1+$0xFFFFFFE0] =	vst.msk vm0, v5;
	v5, _, _ =	vpop (xrf2)  }
0x17e: {  	[tilespmem:s13+$0xFFFFFFA0] =	vst.msk vm0, v5;
	v5, _, _ =	vpop (xrf2)  }
0x17f: {  	[tilespmem:s13+$0xFFFFFFC0] =	vst.msk vm0, v5;
	v5, _, _ =	vpop (xrf2)  }
0x180: {  	[tilespmem:s13+$0xFFFFFFE0] =	vst.msk vm0, v5  }
0x181: {  	v5 =	vld.idx.msk [tilespmem:v0+s20+$0x0], $0xffff;
	_ =	sdelay $0x4  }
0x182: {  	v5 =	vsub.f32 $0.0e+00, v5;
	_ =	sdelay $0x1  }
0x183: {  	v5 =	vmul.f32 $1.442695020e+00, v5;
	_ =	sdelay $0x1  }
0x184: {  	(erf) = vpow2.f32 v5;
	_ =	sdelay $0x8  }
0x185: {  	v5 =	vpop (erf)  }
0x186: {  	v5 =	vadd.f32 $1.000000000e+00, v5;
	_ =	sdelay $0x1  }
0x187: {  	(erf) = vrcp.f32 v5;
	_ =	sdelay $0x8  }
0x188: {  	v5 =	vpop (erf)  }
0x189: {  	[tilespmem:s30+$0x1C940] =	vst v5  }
0x18a: {  	v5 =	vld.idx.msk [tilespmem:v1+s20+$0x0], $0xffff;
	_ =	sdelay $0x4  }
0x18b: {  	v5 =	vsub.f32 $0.0e+00, v5;
	_ =	sdelay $0x1  }
0x18c: {  	v5 =	vmul.f32 $1.442695020e+00, v5;
	_ =	sdelay $0x1  }
0x18d: {  	(erf) = vpow2.f32 v5;
	_ =	sdelay $0x8  }
0x18e: {  	v5 =	vpop (erf)  }
0x18f: {  	v5 =	vadd.f32 $1.000000000e+00, v5;
	_ =	sdelay $0x1  }
0x190: {  	(erf) = vrcp.f32 v5;
	_ =	sdelay $0x8  }
0x191: {  	v5 =	vpop (erf)  }
0x192: {  	[tilespmem:s30+$0x1C950] =	vst v5  }
0x193: {  	v5 =	vld.idx.msk [tilespmem:v2+s20+$0x0], $0xffff;
	_ =	sdelay $0x4  }
0x194: {  	v5 =	vsub.f32 $0.0e+00, v5;
	_ =	sdelay $0x1  }
0x195: {  	v5 =	vmul.f32 $1.442695020e+00, v5;
	_ =	sdelay $0x1  }
0x196: {  	(erf) = vpow2.f32 v5;
	_ =	sdelay $0x8  }
0x197: {  	v5 =	vpop (erf)  }
0x198: {  	v5 =	vadd.f32 $1.000000000e+00, v5;
	_ =	sdelay $0x1  }
0x199: {  	(erf) = vrcp.f32 v5;
	_ =	sdelay $0x8  }
0x19a: {  	v5 =	vpop (erf)  }
0x19b: {  	[tilespmem:s30+$0x1C960] =	vst v5  }
0x19c: {  	v5 =	vld.idx.msk [tilespmem:v3+s20+$0x0], $0xffff;
	_ =	sdelay $0x4  }
0x19d: {  	v5 =	vsub.f32 $0.0e+00, v5;
	_ =	sdelay $0x1  }
0x19e: {  	v5 =	vmul.f32 $1.442695020e+00, v5;
	_ =	sdelay $0x1  }
0x19f: {  	(erf) = vpow2.f32 v5;
	_ =	sdelay $0x8  }
0x1a0: {  	v5 =	vpop (erf)  }
0x1a1: {  	v5 =	vadd.f32 $1.000000000e+00, v5;
	_ =	sdelay $0x1  }
0x1a2: {  	(erf) = vrcp.f32 v5;
	_ =	sdelay $0x8  }
0x1a3: {  	v5 =	vpop (erf)  }
0x1a4: {  	[tilespmem:s30+$0x1C970] =	vst v5  }
0x1a5: {  	v5 =	vld.idx.msk [tilespmem:v4+s20+$0x0], $0xffff;
	_ =	sdelay $0x4  }
0x1a6: {  	v5 =	vsub.f32 $0.0e+00, v5;
	_ =	sdelay $0x1  }
0x1a7: {  	v5 =	vmul.f32 $1.442695020e+00, v5;
	_ =	sdelay $0x1  }
0x1a8: {  	(erf) = vpow2.f32 v5;
	_ =	sdelay $0x8  }
0x1a9: {  	v5 =	vpop (erf)  }
0x1aa: {  	v5 =	vadd.f32 $1.000000000e+00, v5;
	_ =	sdelay $0x1  }
0x1ab: {  	(erf) = vrcp.f32 v5;
	_ =	sdelay $0x8  }
0x1ac: {  	v5 =	vpop (erf)  }
0x1ad: {  	[tilespmem:s30+$0x1C980] =	vst v5  }
0x1ae: {  	_ =	swait.ge [sflag:s21], $0x1400  }
0x1af: {  	[sflag:s21] =	ssyncset.done $0x0  }
0x1b0: {  	[sflag:s21] =	ssyncadd.s32 $0xFFFFEC00  }
0x1b1: {  	_ =	swait.ge [sflag:s21], $0x1400  }
0x1b2: {  	[sflag:s21] =	ssyncset.done $0x0  }
0x1b3: {  	s25 =	sadd.s32 $0xA0, s30;
	[sflag:s21] =	ssyncadd.s32 $0xFFFFEC00  }
0x1b4: {  	[tilespmem:s15], [sflag:$0x1] =	stream.indirect.gather [hbm4b:s3+s14], $0x40, s25, s14, $0xb8;
	[tilespmem:$0x1F050] =	vst v63  }
0x1b5: {  	s1 =	sadd.s32 $0x27B0, s30  }
0x1b6: {  	[tilespmem:s16], [sflag:$0x1] =	stream.indirect.gather [hbm4b:s3+s14], $0x40, s1, s14, $0xb8;
	[tilespmem:$0x1F050] =	vst v63  }
0x1b7: {  	v5 =	vld [tilespmem:s28+$0x0];
	_ =	sdelay $0x4  }
0x1b8: {  	v5 =	vshll.u32 v5, $0x8  }
0x1b9: {  	v5 =	vshra.s32 v5, $0x2  }
0x1ba: {  	(v2sf) =	vpush v5, $0x0;
	_ =	sdelay $0x6  }
0x1bb: {  	v6 =	vld [tilespmem:s28+$0xFFFFFFFC]  }
0x1bc: {  	v7 =	vld [tilespmem:s28+$0xFFFFFFFE]  }
0x1bd: {  	s0 =	simm.s32 $0x1AD30;
	v8 =	vld [tilespmem:s28+$0xFFFFFFFA]  }
0x1be: {  	v9 =	vld [tilespmem:s0+$0xFFFFFF90]  }
0x1bf: {  	s6 =	simm.s32 $0x18530;
	v10 =	vld [tilespmem:s0+$0xFFFFFFA0]  }
0x1c0: {  	v11 =	vld [tilespmem:s6+$0xFFFFFF90]  }
0x1c1: {  	v12 =	vld [tilespmem:s6+$0xFFFFFFA0]  }
0x1c2: {  	v13 =	vld [tilespmem:s6+$0xFFFFFFB0]  }
0x1c3: {  	v14 =	vld [tilespmem:s6+$0xFFFFFFC0];
	s2 =	spop (v2sf)  }
0x1c4: {  	v6 =	vshll.u32 v6, $0x8;
	v15 =	vld [tilespmem:s2+$0x7540]  }
0x1c5: {  	v7 =	vshll.u32 v7, $0x8;
	v6 =	vshra.s32 v6, $0x2;
	v16 =	vld [tilespmem:s2+$0x7550]  }
0x1c6: {  	v7 =	vshra.s32 v7, $0x2;
	(v2sf) =	vpush v6, $0x0;
	v17 =	vld [tilespmem:s2+$0x7560]  }
0x1c7: {  	(v2sf) =	vpush v7, $0x0;
	v18 =	vld [tilespmem:s2+$0x7570]  }
0x1c8: {  	v19 =	vld [tilespmem:s0+$0xFFFFFFB0]  }
0x1c9: {  	v20 =	vld [tilespmem:s0+$0xFFFFFFC0];
	v8 =	vshll.u32 v8, $0x8  }
0x1ca: {  	v8 =	vshra.s32 v8, $0x2;
	v11 =	vmul.bf16 v15, v11  }
0x1cb: {  	(v2sf) =	vpush v8, $0x0;
	v12 =	vmul.bf16 v16, v12;
	v13 =	vmul.bf16 v17, v13  }
0x1cc: {  	v9 =	vmul.bf16 v9, v11;
	v11 =	vmul.bf16 v18, v14  }
0x1cd: {  	v10 =	vmul.bf16 v10, v12  }
0x1ce: {  	v13 =	vmul.bf16 v19, v13;
	v12 =	vunpack.i.u.bf16.f32 v9;
	v11 =	vmul.bf16 v20, v11  }
0x1cf: {  	v9 =	vunpack.i.l.bf16.f32 v9;
	v14 =	vunpack.i.u.bf16.f32 v10;
	v10 =	vunpack.i.l.bf16.f32 v10  }
0x1d0: {  	v15 =	vunpack.i.u.bf16.f32 v13;
	v13 =	vunpack.i.l.bf16.f32 v13;
	v9 =	vadd.f32 v9, v12  }
0x1d1: {  	v10 =	vadd.f32 v10, v14;
	v16 =	vunpack.i.u.bf16.f32 v11;
	v11 =	vunpack.i.l.bf16.f32 v11  }
0x1d2: {  	v12 =	vadd.f32 v13, v15;
	v11 =	vadd.f32 v11, v16  }
0x1d3: {  	s23 =	simm.s32 $0x18730;
	v46 =	vld [tilespmem:s0+$0xFFFFFE90];
	(v2sf) =	vpush v8, $0x1  }
0x1d4: {  	v51 =	vld [tilespmem:s23+$0xFFFFFF90];
	v8 =	vadd.f32 v10, v9;
	v9 =	vadd.f32 v11, v12  }
0x1d5: {  	v52 =	vld [tilespmem:s23+$0xFFFFFFA0];
	s2 =	spop (v2sf);
	(v2sf) =	vpush v6, $0x1  }
0x1d6: {  	v17 =	vld [tilespmem:s0+$0xFFFFFE10];
	s4 =	spop (v2sf);
	(v2sf) =	vpush v7, $0x1;
	v7 =	vadd.f32 v9, v8  }
0x1d7: {  	v19 =	vld [tilespmem:s0+$0xFFFFFE20]  }
0x1d8: {  	v13 =	vld [tilespmem:s6+$0xFFFFFE30];
	(xrf2) =	vadd.scan.msk.f32 $0xffff, v7  }
0x1d9: {  	v14 =	vld [tilespmem:s6+$0xFFFFFE40]  }
0x1da: {  	v15 =	vld [tilespmem:s6+$0xFFFFFE90];
	s9 =	spop (v2sf);
	(v2sf) =	vpush v5, $0x1  }
0x1db: {  	v16 =	vld [tilespmem:s6+$0xFFFFFEA0]  }
0x1dc: {  	v11 =	vld [tilespmem:s6+$0xFFFFFE10]  }
0x1dd: {  	v12 =	vld [tilespmem:s6+$0xFFFFFE20]  }
0x1de: {  	v10 =	vld [tilespmem:s2+$0x7550]  }
0x1df: {  	v9 =	vld [tilespmem:s2+$0x7540]  }
0x1e0: {  	v6 =	vld [tilespmem:s9+$0x7540]  }
0x1e1: {  	v8 =	vld [tilespmem:s9+$0x7550]  }
0x1e2: {  	s1 =	simm.s32 $0x1C4B0;
	v5 =	vld [tilespmem:s9+$0x7560];
	v18, _, _ =	vpop (xrf2)  }
0x1e3: {  	v7 =	vld [tilespmem:s9+$0x7570];
	[tilespmem:s1+$0xFFFFFFF0] =	vst.msk vm0, v18  }
0x1e4: {  	v18 =	vld [tilespmem:s0+$0xFFFFFFD0]  }
0x1e5: {  	v20 =	vld [tilespmem:s0+$0xFFFFFFE0]  }
0x1e6: {  	s10 =	spop (v2sf);
	v21 =	vld [tilespmem:s6+$0xFFFFFFD0]  }
0x1e7: {  	s8 =	spop (v2sf);
	v23 =	vld [tilespmem:s6+$0xFFFFFFE0]  }
0x1e8: {  	s7 =	spop (v2sf);
	v45 =	vld [tilespmem:s6+$0xFFFFFFF0]  }
0x1e9: {  	v8 =	vmul.bf16 v8, v12;
	v12 =	vld [tilespmem:s6+$0x0];
	s9 =	spop (v2sf)  }
0x1ea: {  	v22 =	vld [tilespmem:s9+$0x7540]  }
0x1eb: {  	v6 =	vmul.bf16 v6, v11;
	v44 =	vld [tilespmem:s9+$0x7550]  }
0x1ec: {  	v11 =	vld [tilespmem:s9+$0x7560]  }
0x1ed: {  	v5 =	vmul.bf16 v5, v13;
	v6 =	vmul.bf16 v17, v6;
	v13 =	vld [tilespmem:s9+$0x7570]  }
0x1ee: {  	v7 =	vmul.bf16 v7, v14;
	v8 =	vmul.bf16 v19, v8;
	v14 =	vld [tilespmem:s0+$0xFFFFFFF0]  }
0x1ef: {  	v10 =	vmul.bf16 v10, v16;
	v9 =	vmul.bf16 v9, v15;
	v15 =	vunpack.i.u.bf16.f32 v6;
	v17 =	vld [tilespmem:s0+$0x0]  }
0x1f0: {  	v53 =	vld [tilespmem:s23+$0xFFFFFFB0];
	v6 =	vunpack.i.l.bf16.f32 v6;
	v16 =	vunpack.i.u.bf16.f32 v8;
	v8 =	vunpack.i.l.bf16.f32 v8  }
0x1f1: {  	v62 =	vld [tilespmem:s23+$0xFFFFFEB0];
	v6 =	vadd.f32 v6, v15;
	v19 =	vmul.bf16 v22, v21;
	v15 =	vmul.bf16 v44, v23  }
0x1f2: {  	v8 =	vadd.f32 v8, v16;
	v22 =	vld [tilespmem:s0+$0xFFFFFE30];
	v11 =	vmul.bf16 v11, v45;
	v12 =	vmul.bf16 v13, v12  }
0x1f3: {  	v18 =	vmul.bf16 v18, v19;
	v19 =	vld [tilespmem:s0+$0xFFFFFE40];
	v13 =	vmul.bf16 v20, v15  }
0x1f4: {  	v6 =	vadd.f32 v8, v6;
	v21 =	vld [tilespmem:s2+$0x7560];
	v11 =	vmul.bf16 v14, v11;
	v12 =	vmul.bf16 v17, v12  }
0x1f5: {  	v15 =	vld [tilespmem:s2+$0x7570];
	v16 =	vunpack.i.u.bf16.f32 v18;
	v17 =	vunpack.i.l.bf16.f32 v18;
	v18 =	vunpack.i.u.bf16.f32 v13  }
0x1f6: {  	v14 =	vld [tilespmem:s6+$0xFFFFFEB0];
	v13 =	vunpack.i.l.bf16.f32 v13;
	v23 =	vunpack.i.u.bf16.f32 v11;
	v11 =	vunpack.i.l.bf16.f32 v11  }
0x1f7: {  	v20 =	vld [tilespmem:s6+$0xFFFFFEC0];
	v47 =	vunpack.i.u.bf16.f32 v12;
	v12 =	vunpack.i.l.bf16.f32 v12;
	v5 =	vmul.bf16 v22, v5  }
0x1f8: {  	v16 =	vadd.f32 v17, v16;
	v17 =	vld [tilespmem:s0+$0xFFFFFEA0];
	v13 =	vadd.f32 v13, v18;
	v7 =	vmul.bf16 v19, v7  }
0x1f9: {  	v18 =	vld [tilespmem:s0+$0xFFFFFEB0];
	v11 =	vadd.f32 v11, v23;
	v12 =	vadd.f32 v12, v47;
	v19 =	vunpack.i.u.bf16.f32 v5  }
0x1fa: {  	v22 =	vld [tilespmem:s0+$0xFFFFFEC0];
	v5 =	vunpack.i.l.bf16.f32 v5;
	v23 =	vunpack.i.u.bf16.f32 v7;
	v7 =	vunpack.i.l.bf16.f32 v7  }
0x1fb: {  	v63 =	vld [tilespmem:s23+$0xFFFFFEC0];
	v8 =	vmul.bf16 v46, v9;
	v5 =	vadd.f32 v5, v19;
	v7 =	vadd.f32 v7, v23  }
0x1fc: {  	v9 =	vld [tilespmem:s4+$0x7550];
	v14 =	vmul.bf16 v21, v14;
	v13 =	vadd.f32 v13, v16;
	v11 =	vadd.f32 v12, v11  }
0x1fd: {  	v15 =	vmul.bf16 v15, v20;
	v12 =	vld [tilespmem:s4+$0x7540];
	v5 =	vadd.f32 v7, v5  }
0x1fe: {  	s9 =	sadd.s32 $0x8, s28;
	v16 =	vld [tilespmem:s4+$0x7570];
	v11 =	vadd.f32 v11, v13;
	v7 =	vmul.bf16 v17, v10;
	v10 =	vmul.bf16 v18, v14  }
0x1ff: {  	v20 =	vld [tilespmem:s9+$0xFFFFFFFE];
	v14 =	vmul.bf16 v22, v15;
	v15 =	vunpack.i.u.bf16.f32 v8;
	v5 =	vadd.f32 v5, v6  }
0x200: {  	v13 =	vld [tilespmem:s4+$0x7560];
	v6 =	vunpack.i.l.bf16.f32 v8;
	v8 =	vunpack.i.u.bf16.f32 v7;
	v7 =	vunpack.i.l.bf16.f32 v7  }
0x201: {  	(xrf2) =	vadd.scan.msk.f32 $0xffff, v11;
	v11 =	vld [tilespmem:s6+$0xFFFFFF10];
	v17 =	vunpack.i.u.bf16.f32 v10;
	v10 =	vunpack.i.l.bf16.f32 v10;
	v18 =	vunpack.i.u.bf16.f32 v14  }
0x202: {  	v6 =	vadd.f32 v6, v15;
	v7 =	vadd.f32 v7, v8;
	v8 =	vld [tilespmem:s6+$0xFFFFFF30];
	(xrf2) =	vadd.scan.msk.f32 $0xffff, v5;
	v5 =	vunpack.i.l.bf16.f32 v14  }
0x203: {  	v10 =	vadd.f32 v10, v17;
	v14 =	vld [tilespmem:s6+$0xFFFFFF40];
	v5 =	vadd.f32 v5, v18  }
0x204: {  	v6 =	vadd.f32 v7, v6;
	v7 =	vld [tilespmem:s9+$0x0]  }
0x205: {  	v17 =	vld [tilespmem:s0+$0xFFFFFF30];
	v5 =	vadd.f32 v5, v10  }
0x206: {  	v22 =	vld [tilespmem:s0+$0xFFFFFF40]  }
0x207: {  	v19 =	vld [tilespmem:s6+$0xFFFFFF20];
	v5 =	vadd.f32 v5, v6  }
0x208: {  	v15 =	vld [tilespmem:s0+$0xFFFFFF20];
	v8 =	vmul.bf16 v13, v8  }
0x209: {  	v11 =	vmul.bf16 v12, v11;
	v12 =	vld [tilespmem:s23+$0xFFFFFFC0];
	v14 =	vmul.bf16 v16, v14;
	(xrf2) =	vadd.scan.msk.f32 $0xffff, v5;
	v5 =	vshll.u32 v7, $0x8  }
0x20a: {  	v18 =	vld [tilespmem:s9+$0xFFFFFFFC];
	v8 =	vmul.bf16 v17, v8;
	v21 =	vshra.s32 v5, $0x2  }
0x20b: {  	v10 =	vld [tilespmem:s0+$0xFFFFFF10];
	v14 =	vmul.bf16 v22, v14;
	(v2sf) =	vpush v21, $0x0  }
0x20c: {  	v6, _, _ =	vpop (xrf2);
	v7 =	vld [tilespmem:s9+$0xFFFFFFFA];
	v54 =	vunpack.i.u.bf16.f32 v8;
	v8 =	vunpack.i.l.bf16.f32 v8  }
0x20d: {  	v55 =	vunpack.i.u.bf16.f32 v14;
	v14 =	vunpack.i.l.bf16.f32 v14;
	v8 =	vadd.f32 v8, v54;
	v54 =	vld [tilespmem:s23+$0xFFFFFF30];
	v5, _, _ =	vpop (xrf2)  }
0x20e: {  	v14 =	vadd.f32 v14, v55;
	v55 =	vld [tilespmem:s23+$0xFFFFFF40];
	[tilespmem:s1+$0xFFFFFF90] =	vst.msk vm0, v5  }
0x20f: {  	v5 =	vld [tilespmem:s6+$0xFFFFFE50]  }
0x210: {  	v18 =	vshll.u32 v18, $0x8;
	v23 =	vld [tilespmem:s10+$0x7540]  }
0x211: {  	v18 =	vshra.s32 v18, $0x2;
	v24 =	vld [tilespmem:s6+$0xFFFFFE60]  }
0x212: {  	v20 =	vshll.u32 v20, $0x8;
	(v2sf) =	vpush v18, $0x0;
	v25 =	vld [tilespmem:s10+$0x7550]  }
0x213: {  	v20 =	vshra.s32 v20, $0x2;
	v7 =	vshll.u32 v7, $0x8;
	v27 =	vld [tilespmem:s6+$0xFFFFFE70]  }
0x214: {  	(v2sf) =	vpush v20, $0x0;
	v28 =	vld [tilespmem:s10+$0x7560];
	v48 =	vshra.s32 v7, $0x2  }
0x215: {  	v29 =	vld [tilespmem:s6+$0xFFFFFE80];
	(v2sf) =	vpush v48, $0x0  }
0x216: {  	v30 =	vld [tilespmem:s10+$0x7570];
	s10 =	simm.s32 $0x1AF30  }
0x217: {  	v49 =	vld [tilespmem:s10+$0xFFFFFF90]  }
0x218: {  	v50 =	vld [tilespmem:s10+$0xFFFFFFA0]  }
0x219: {  	v22 =	vld [tilespmem:s10+$0xFFFFFFB0]  }
0x21a: {  	v9 =	vmul.bf16 v9, v19;
	v56 =	vld [tilespmem:s10+$0xFFFFFFC0];
	s11 =	spop (v2sf)  }
0x21b: {  	v13 =	vld [tilespmem:s11+$0x7540]  }
0x21c: {  	v9 =	vmul.bf16 v15, v9;
	v10 =	vmul.bf16 v10, v11;
	v11 =	vld [tilespmem:s11+$0x7550]  }
0x21d: {  	v15 =	vld [tilespmem:s11+$0x7560]  }
0x21e: {  	v19 =	vunpack.i.u.bf16.f32 v9;
	v9 =	vunpack.i.l.bf16.f32 v9;
	v7, _, _ =	vpop (xrf2);
	v17 =	vld [tilespmem:s11+$0x7570]  }
0x21f: {  	v9 =	vadd.f32 v9, v19;
	v16 =	vunpack.i.u.bf16.f32 v10;
	v10 =	vunpack.i.l.bf16.f32 v10;
	v43 =	vld [tilespmem:s10+$0xFFFFFEA0];
	[tilespmem:s1+$0xFFFFFFB0] =	vst.msk vm0, v7  }
0x220: {  	v10 =	vadd.f32 v10, v16;
	v7 =	vld [tilespmem:s6+$0xFFFFFED0];
	(v2sf) =	vpush v48, $0x1  }
0x221: {  	v8 =	vadd.f32 v14, v8;
	s12 =	spop (v2sf);
	(v2sf) =	vpush v18, $0x1;
	v18 =	vld [tilespmem:s23+$0xFFFFFE30];
	v13 =	vmul.bf16 v13, v51  }
0x222: {  	v9 =	vadd.f32 v9, v10;
	v34 =	vld [tilespmem:s12+$0x7560];
	v11 =	vmul.bf16 v11, v52;
	v15 =	vmul.bf16 v15, v53  }
0x223: {  	s13 =	spop (v2sf);
	v59 =	vld [tilespmem:s12+$0x7570];
	(v2sf) =	vpush v20, $0x1;
	v12 =	vmul.bf16 v17, v12;
	v13 =	vmul.bf16 v49, v13  }
0x224: {  	v8 =	vadd.f32 v8, v9;
	v20 =	vld [tilespmem:s23+$0xFFFFFE90];
	s24 =	spop (v2sf);
	(v2sf) =	vpush v21, $0x1;
	v11 =	vmul.bf16 v50, v11  }
0x225: {  	v60 =	vld [tilespmem:s13+$0x7540];
	v15 =	vmul.bf16 v22, v15;
	v12 =	vmul.bf16 v56, v12;
	v31 =	vunpack.i.u.bf16.f32 v13  }
0x226: {  	v26 =	vld [tilespmem:s13+$0x7550];
	v13 =	vunpack.i.l.bf16.f32 v13;
	v32 =	vunpack.i.u.bf16.f32 v11;
	v11 =	vunpack.i.l.bf16.f32 v11  }
0x227: {  	v61 =	vld [tilespmem:s13+$0x7560];
	v57 =	vunpack.i.u.bf16.f32 v15;
	v15 =	vunpack.i.l.bf16.f32 v15;
	v58 =	vunpack.i.u.bf16.f32 v12  }
0x228: {  	v9 =	vld [tilespmem:s13+$0x7570];
	v12 =	vunpack.i.l.bf16.f32 v12;
	v13 =	vadd.f32 v13, v31;
	v11 =	vadd.f32 v11, v32  }
0x229: {  	v21 =	vld [tilespmem:s23+$0xFFFFFEA0];
	v15 =	vadd.f32 v15, v57;
	v12 =	vadd.f32 v12, v58  }
0x22a: {  	v16 =	vld [tilespmem:s24+$0x7540]  }
0x22b: {  	v19 =	vld [tilespmem:s24+$0x7550];
	v11 =	vadd.f32 v11, v13;
	v12 =	vadd.f32 v12, v15  }
0x22c: {  	v33 =	vld [tilespmem:s24+$0x7560]  }
0x22d: {  	v10 =	vld [tilespmem:s24+$0x7570];
	v11 =	vadd.f32 v12, v11  }
0x22e: {  	(xrf2) =	vadd.scan.msk.f32 $0xffff, v8;
	v17 =	vld [tilespmem:s12+$0x7540]  }
0x22f: {  	v52 =	vld [tilespmem:s23+$0xFFFFFF10];
	(xrf2) =	vadd.scan.msk.f32 $0xffff, v11  }
0x230: {  	v53 =	vld [tilespmem:s23+$0xFFFFFF20]  }
0x231: {  	v22 =	vld [tilespmem:s12+$0x7550]  }
0x232: {  	v12 =	vld [tilespmem:s23+$0xFFFFFE20]  }
0x233: {  	v56 =	vld [tilespmem:s10+$0xFFFFFE10]  }
0x234: {  	v14 =	vmul.bf16 v23, v5;
	v57 =	vld [tilespmem:s10+$0xFFFFFE20]  }
0x235: {  	v5 =	vmul.bf16 v30, v29;
	v29 =	vmul.bf16 v61, v54;
	v61 =	vld [tilespmem:s10+$0xFFFFFE40]  }
0x236: {  	v15 =	vld [tilespmem:s23+$0xFFFFFE10]  }
0x237: {  	v11 =	vld [tilespmem:s23+$0xFFFFFE40];
	v12 =	vmul.bf16 v19, v12  }
0x238: {  	v41, _, _ =	vpop (xrf2);
	v19 =	vmul.bf16 v22, v21;
	v22 =	vmul.bf16 v59, v63;
	v63 =	vld [tilespmem:s10+$0xFFFFFE90]  }
0x239: {  	s13 =	simm.s32 $0x1C530;
	v12 =	vmul.bf16 v57, v12;
	v57 =	vld [tilespmem:s10+$0xFFFFFF40];
	v8, _, _ =	vpop (xrf2)  }
0x23a: {  	s5 =	spop (v2sf);
	[tilespmem:s13+$0xFFFFFFF0] =	vst.msk vm0, v8;
	v8 =	vmul.bf16 v28, v27;
	v27 =	vmul.bf16 v60, v52;
	v60 =	vld [tilespmem:s10+$0xFFFFFE30]  }
0x23b: {  	s4 =	spop (v2sf);
	v45 =	vld [tilespmem:s10+$0xFFFFFFD0]  }
0x23c: {  	s12 =	spop (v2sf);
	v46 =	vld [tilespmem:s10+$0xFFFFFFE0]  }
0x23d: {  	s25 =	spop (v2sf);
	v47 =	vld [tilespmem:s23+$0xFFFFFFD0]  }
0x23e: {  	v15 =	vmul.bf16 v16, v15;
	v48 =	vld [tilespmem:s25+$0x7540]  }
0x23f: {  	v49 =	vld [tilespmem:s23+$0xFFFFFFE0]  }
0x240: {  	v9 =	vmul.bf16 v9, v55;
	v15 =	vmul.bf16 v56, v15;
	v50 =	vld [tilespmem:s25+$0x7550]  }
0x241: {  	v18 =	vmul.bf16 v33, v18;
	v17 =	vmul.bf16 v17, v20;
	v23 =	vld [tilespmem:s23+$0xFFFFFFF0]  }
0x242: {  	v21 =	vmul.bf16 v34, v62;
	v10 =	vmul.bf16 v10, v11;
	v62 =	vunpack.i.u.bf16.f32 v15;
	v58 =	vld [tilespmem:s25+$0x7560]  }
0x243: {  	v15 =	vunpack.i.l.bf16.f32 v15;
	v44 =	vunpack.i.u.bf16.f32 v12;
	v12 =	vunpack.i.l.bf16.f32 v12;
	v16 =	vld [tilespmem:s23+$0x0]  }
0x244: {  	v26 =	vmul.bf16 v26, v53;
	v15 =	vadd.f32 v15, v62;
	v12 =	vadd.f32 v12, v44;
	v11 =	vld [tilespmem:s25+$0x7570]  }
0x245: {  	v13 =	vmul.bf16 v25, v24;
	v10 =	vmul.bf16 v61, v10;
	v20 =	vld [tilespmem:s10+$0xFFFFFFF0]  }
0x246: {  	v12 =	vadd.f32 v12, v15;
	v15 =	vmul.bf16 v63, v17;
	v17 =	vmul.bf16 v43, v19;
	v59 =	vld [tilespmem:s10+$0x0]  }
0x247: {  	v55 =	vld [tilespmem:s10+$0xFFFFFF30];
	v9 =	vmul.bf16 v57, v9;
	v42 =	vmul.bf16 v48, v47  }
0x248: {  	v62 =	vld [tilespmem:s8+$0x7570];
	v47 =	vmul.bf16 v50, v49;
	v23 =	vmul.bf16 v58, v23  }
0x249: {  	[tilespmem:s1+$0xFFFFFFD0] =	vst.msk vm0, v41;
	v19 =	vld [tilespmem:s8+$0x7550];
	v11 =	vmul.bf16 v11, v16;
	v31 =	vmul.bf16 v45, v42  }
0x24a: {  	v61 =	vunpack.i.u.bf16.f32 v10;
	v63 =	vld [tilespmem:s6+$0xFFFFFF50];
	v18 =	vmul.bf16 v60, v18;
	v49 =	vmul.bf16 v46, v47  }
0x24b: {  	v57 =	vld [tilespmem:s6+$0xFFFFFF80];
	v20 =	vmul.bf16 v20, v23;
	v11 =	vmul.bf16 v59, v11;
	v50 =	vunpack.i.u.bf16.f32 v31  }
0x24c: {  	v52 =	vld [tilespmem:s10+$0xFFFFFF20];
	v51 =	vunpack.i.l.bf16.f32 v31;
	v53 =	vunpack.i.u.bf16.f32 v49;
	v34 =	vunpack.i.l.bf16.f32 v49  }
0x24d: {  	v48 =	vld [tilespmem:s10+$0xFFFFFEB0];
	v54 =	vunpack.i.u.bf16.f32 v20;
	v20 =	vunpack.i.l.bf16.f32 v20;
	v56 =	vunpack.i.u.bf16.f32 v11  }
0x24e: {  	v16 =	vld [tilespmem:s10+$0xFFFFFEC0];
	v11 =	vunpack.i.l.bf16.f32 v11;
	v25 =	vadd.f32 v51, v50;
	v34 =	vadd.f32 v34, v53  }
0x24f: {  	v10 =	vunpack.i.l.bf16.f32 v10;
	v58 =	vld [tilespmem:s8+$0x7540];
	v20 =	vadd.f32 v20, v54;
	v11 =	vadd.f32 v11, v56  }
0x250: {  	v32 =	vunpack.i.u.bf16.f32 v15;
	v15 =	vunpack.i.l.bf16.f32 v15;
	v60 =	vunpack.i.u.bf16.f32 v18;
	v23 =	vld [tilespmem:s10+$0xFFFFFF10]  }
0x251: {  	v18 =	vunpack.i.l.bf16.f32 v18;
	v59 =	vld [tilespmem:s6+$0xFFFFFEE0];
	v25 =	vadd.f32 v34, v25;
	v11 =	vadd.f32 v11, v20  }
0x252: {  	v26 =	vmul.bf16 v52, v26;
	v52 =	vadd.f32 v10, v61;
	v47 =	vld [tilespmem:s7+$0x7540];
	v18 =	vadd.f32 v18, v60  }
0x253: {  	v29 =	vmul.bf16 v55, v29;
	v55 =	vadd.f32 v15, v32;
	v60 =	vld [tilespmem:s0+$0xFFFFFE60];
	v11 =	vadd.f32 v11, v25  }
0x254: {  	v45 =	vunpack.i.u.bf16.f32 v17;
	v17 =	vunpack.i.l.bf16.f32 v17;
	v24 =	vadd.f32 v52, v18;
	v51 =	vld [tilespmem:s7+$0x7550]  }
0x255: {  	v16 =	vmul.bf16 v16, v22;
	v50 =	vunpack.i.u.bf16.f32 v26;
	v26 =	vunpack.i.l.bf16.f32 v26;
	v53 =	vld [tilespmem:s6+$0xFFFFFF70];
	(xrf2) =	vadd.scan.msk.f32 $0xffff, v11  }
0x256: {  	v54 =	vunpack.i.u.bf16.f32 v29;
	v29 =	vunpack.i.l.bf16.f32 v29;
	v20 =	vmul.bf16 v48, v21;
	v21 =	vld [tilespmem:s6+$0xFFFFFEF0]  }
0x257: {  	v10 =	vmul.bf16 v58, v7;
	v56 =	vunpack.i.u.bf16.f32 v9;
	v22 =	vmul.bf16 v23, v27;
	v23 =	vld [tilespmem:s8+$0x7560]  }
0x258: {  	v9 =	vunpack.i.l.bf16.f32 v9;
	v24 =	vadd.f32 v24, v12;
	v34 =	vadd.f32 v17, v45;
	v25 =	vld [tilespmem:s6+$0xFFFFFF00]  }
0x259: {  	v7 =	vld [tilespmem:s7+$0x7560];
	v15 =	vmul.bf16 v19, v59;
	v49 =	vunpack.i.u.bf16.f32 v22;
	v22 =	vunpack.i.l.bf16.f32 v22  }
0x25a: {  	v48 =	vld [tilespmem:s6+$0xFFFFFF60];
	v46 =	vunpack.i.u.bf16.f32 v20;
	v19 =	vadd.f32 v22, v49;
	v22 =	vadd.f32 v26, v50  }
0x25b: {  	v59 =	vld [tilespmem:s0+$0xFFFFFE50];
	v11 =	vunpack.i.l.bf16.f32 v20;
	v20 =	vunpack.i.u.bf16.f32 v16;
	v16 =	vunpack.i.l.bf16.f32 v16  }
0x25c: {  	v58 =	vld [tilespmem:s7+$0x7570];
	v11 =	vadd.f32 v11, v46;
	v20 =	vadd.f32 v16, v20;
	v16 =	vmul.bf16 v23, v21  }
0x25d: {  	v21 =	vadd.f32 v29, v54;
	v23 =	vadd.f32 v9, v56;
	v17 =	vmul.bf16 v62, v25;
	v62 =	vld [tilespmem:s0+$0xFFFFFE70]  }
0x25e: {  	[tilespmem:s1+$0x0] =	vst.msk vm0, v6;
	v18 =	vld [tilespmem:s0+$0xFFFFFE80];
	v61 =	vadd.f32 v34, v55;
	v9 =	vmul.bf16 v47, v63;
	v63 =	vadd.f32 v20, v11  }
0x25f: {  	v12 =	vmul.bf16 v7, v53;
	v22 =	vadd.f32 v22, v19;
	v21 =	vadd.f32 v23, v21;
	v20 =	vld [tilespmem:s0+$0xFFFFFED0];
	v6, _, _ =	vpop (xrf2);
	(xrf2) =	vadd.scan.msk.f32 $0xffff, v24  }
0x260: {  	v19 =	vld [tilespmem:s0+$0xFFFFFEE0];
	v11 =	vmul.bf16 v51, v48;
	v23 =	vmul.bf16 v59, v14;
	v7 =	vadd.f32 v63, v61  }
0x261: {  	v14 =	vmul.bf16 v58, v57;
	v21 =	vadd.f32 v21, v22;
	v22 =	vmul.bf16 v60, v13;
	[tilespmem:s13+$0x0] =	vst.msk vm0, v6;
	v6 =	vld [tilespmem:s0+$0xFFFFFEF0]  }
0x262: {  	s7 =	simm.s32 $0x4;
	s8 =	sadd.s32 $0x8, s9;
	s6 =	simm.s32 $0x18730;
	v13 =	vunpack.i.l.bf16.f32 v23;
	(xrf2) =	vadd.scan.msk.f32 $0xffff, v7;
	v7 =	vunpack.i.u.bf16.f32 v23;
	v23 =	vmul.bf16 v62, v8;
	v8 =	vld [tilespmem:s0+$0xFFFFFF00]  }
.LBB2_5:
0x263: {  	v24 =	vld [tilespmem:s8+$0x0];
	v25 =	vunpack.i.u.bf16.f32 v22;
	v22 =	vunpack.i.l.bf16.f32 v22;
	v5 =	vmul.bf16 v18, v5  }
0x264: {  	v18 =	vld [tilespmem:s8+$0xFFFFFFFC];
	v26 =	vunpack.i.u.bf16.f32 v23;
	v23 =	vunpack.i.l.bf16.f32 v23;
	v10 =	vmul.bf16 v20, v10  }
0x265: {  	v20 =	vld [tilespmem:s8+$0xFFFFFFFE];
	(xrf2) =	vadd.scan.msk.f32 $0xffff, v21;
	v21 =	vunpack.i.u.bf16.f32 v5;
	v5 =	vunpack.i.l.bf16.f32 v5;
	v15 =	vmul.bf16 v19, v15  }
0x266: {  	v19 =	vld [tilespmem:s8+$0xFFFFFFFA];
	v27 =	vunpack.i.u.bf16.f32 v10;
	v28 =	vunpack.i.l.bf16.f32 v10;
	v6 =	vmul.bf16 v6, v16  }
0x267: {  	v16 =	vunpack.i.u.bf16.f32 v15;
	v15 =	vunpack.i.l.bf16.f32 v15;
	v8 =	vmul.bf16 v8, v17;
	v17 =	vld [tilespmem:s0+$0xFFFFFF50]  }
0x268: {  	v10 =	vshll.u32 v24, $0x8;
	v24 =	vunpack.i.u.bf16.f32 v6;
	v29 =	vunpack.i.l.bf16.f32 v6;
	v6 =	vld [tilespmem:s0+$0xFFFFFF60]  }
0x269: {  	v18 =	vshll.u32 v18, $0x8;
	v10 =	vshra.s32 v10, $0x2;
	v30, _, _ =	vpop (xrf2);
	v31 =	vunpack.i.u.bf16.f32 v8;
	v32 =	vld [tilespmem:s0+$0xFFFFFF70]  }
0x26a: {  	v18 =	vshra.s32 v18, $0x2;
	v20 =	vshll.u32 v20, $0x8;
	(v2sf) =	vpush v10, $0x0;
	[tilespmem:s13+$0xFFFFFF90] =	vst.msk vm0, v30;
	v30 =	vld [tilespmem:s0+$0xFFFFFF80];
	s0 =	smov.u32 s10  }
0x26b: {  	v19 =	vshll.u32 v19, $0x8;
	v20 =	vshra.s32 v20, $0x2;
	(v2sf) =	vpush v18, $0x0;
	v33 =	vld [tilespmem:s23+$0xFFFFFE50]  }
0x26c: {  	v19 =	vshra.s32 v19, $0x2;
	(v2sf) =	vpush v20, $0x0;
	v34 =	vld [tilespmem:s5+$0x7540];
	v35, _, _ =	vpop (xrf2);
	v9 =	vmul.bf16 v17, v9  }
0x26d: {  	(v2sf) =	vpush v19, $0x0;
	v17 =	vld [tilespmem:s23+$0xFFFFFE60];
	[tilespmem:s13+$0xFFFFFFB0] =	vst.msk vm0, v35;
	v35 =	vunpack.i.l.bf16.f32 v8;
	v6 =	vmul.bf16 v6, v11  }
0x26e: {  	(v2sf) =	vpush v19, $0x1;
	v8 =	vld [tilespmem:s5+$0x7550];
	v11 =	vunpack.i.u.bf16.f32 v9;
	v12 =	vmul.bf16 v32, v12  }
0x26f: {  	v32 =	vunpack.i.l.bf16.f32 v9;
	(v2sf) =	vpush v18, $0x1;
	v18 =	vld [tilespmem:s23+$0xFFFFFE70];
	v19, _, _ =	vpop (xrf2);
	v9 =	vmul.bf16 v30, v14  }
0x270: {  	(v2sf) =	vpush v20, $0x1;
	v14 =	vld [tilespmem:s5+$0x7560];
	[tilespmem:s13+$0xFFFFFFD0] =	vst.msk vm0, v19;
	v19 =	vunpack.i.u.bf16.f32 v6;
	v20 =	vunpack.i.l.bf16.f32 v6  }
0x271: {  	s7 =	sadd.s32 $0x4, s7;
	v6 =	vmul.bf16 v34, v33;
	v30 =	vld [tilespmem:s23+$0xFFFFFE80];
	v33 =	vunpack.i.u.bf16.f32 v12;
	v12 =	vunpack.i.l.bf16.f32 v12  }
0x272: {  	v13 =	vadd.f32 v13, v7;
	p0 =	slt.u32 s7, $0x24;
	v36 =	vunpack.i.u.bf16.f32 v9;
	v37 =	vunpack.i.l.bf16.f32 v9;
	v34 =	vld [tilespmem:s5+$0x7570]  }
0x273: {  	s10 =	sadd.s32 $0x200, s10;
	v7 =	vmul.bf16 v8, v17;
	v9 =	vld [tilespmem:s23+$0xFFFFFED0];
	v17 =	vadd.f32 v22, v25;
	v22 =	vadd.f32 v23, v26  }
0x274: {  	v21 =	vadd.f32 v5, v21;
	v25 =	vadd.f32 v28, v27;
	v23 =	vld [tilespmem:s10+$0xFFFFFF90]  }
0x275: {  	s23 =	sadd.s32 $0x200, s23;
	v26 =	vld [tilespmem:s10+$0xFFFFFFA0];
	v8 =	vmul.bf16 v14, v18;
	v14 =	vadd.f32 v15, v16;
	v15 =	vadd.f32 v29, v24  }
0x276: {  	v11 =	vadd.f32 v32, v11;
	v18 =	vadd.f32 v35, v31;
	v16 =	vld [tilespmem:s23+$0xFFFFFF90]  }
0x277: {  	v19 =	vadd.f32 v20, v19;
	v12 =	vadd.f32 v12, v33;
	v24 =	vld [tilespmem:s23+$0xFFFFFFA0];
	v5 =	vmul.bf16 v34, v30  }
0x278: {  	v13 =	vadd.f32 v17, v13;
	v17 =	vadd.f32 v37, v36;
	v20 =	vld [tilespmem:s23+$0xFFFFFFB0]  }
0x279: {  	v21 =	vadd.f32 v21, v22;
	v14 =	vadd.f32 v14, v25;
	v27 =	vld [tilespmem:s23+$0xFFFFFFC0];
	s5 =	spop (v2sf)  }
0x27a: {  	v11 =	vadd.f32 v19, v11;
	v15 =	vadd.f32 v18, v15;
	v22 =	vld [tilespmem:s5+$0x7540];
	s11 =	spop (v2sf)  }
0x27b: {  	v13 =	vadd.f32 v21, v13;
	v12 =	vadd.f32 v17, v12;
	v18 =	vld [tilespmem:s5+$0x7550];
	s2 =	spop (v2sf)  }
0x27c: {  	v14 =	vadd.f32 v15, v14;
	v17 =	vld [tilespmem:s5+$0x7560];
	s25 =	spop (v2sf)  }
0x27d: {  	v11 =	vadd.f32 v12, v11;
	v15 =	vld [tilespmem:s5+$0x7570];
	s5 =	spop (v2sf);
	(xrf2) =	vadd.scan.msk.f32 $0xffff, v13  }
0x27e: {  	v12 =	vld [tilespmem:s10+$0xFFFFFFB0];
	s24 =	spop (v2sf)  }
0x27f: {  	v13 =	vld [tilespmem:s10+$0xFFFFFFC0];
	s9 =	spop (v2sf)  }
0x280: {  	v16 =	vmul.bf16 v22, v16;
	v19 =	vld [tilespmem:s25+$0x7540];
	(xrf2) =	vadd.scan.msk.f32 $0xffff, v14  }
0x281: {  	v18 =	vmul.bf16 v18, v24;
	v14 =	vld [tilespmem:s25+$0x7550];
	v17 =	vmul.bf16 v17, v20  }
0x282: {  	v16 =	vmul.bf16 v23, v16;
	v20 =	vld [tilespmem:s25+$0x7560];
	v15 =	vmul.bf16 v15, v27  }
0x283: {  	v18 =	vmul.bf16 v26, v18;
	v21 =	vld [tilespmem:s25+$0x7570];
	(xrf2) =	vadd.scan.msk.f32 $0xffff, v11  }
0x284: {  	v22 =	vunpack.i.u.bf16.f32 v16;
	v12 =	vmul.bf16 v12, v17;
	v11 =	vld [tilespmem:s11+$0x7540];
	v13 =	vmul.bf16 v13, v15  }
0x285: {  	v16 =	vunpack.i.l.bf16.f32 v16;
	v17 =	vunpack.i.u.bf16.f32 v18;
	v27 =	vunpack.i.l.bf16.f32 v18;
	v15 =	vld [tilespmem:s11+$0x7550]  }
0x286: {  	v24 =	vunpack.i.u.bf16.f32 v12;
	v12 =	vunpack.i.l.bf16.f32 v12;
	v23 =	vld [tilespmem:s11+$0x7560];
	v25 =	vunpack.i.u.bf16.f32 v13  }
0x287: {  	v16 =	vadd.f32 v16, v22;
	v17 =	vadd.f32 v27, v17;
	v13 =	vunpack.i.l.bf16.f32 v13;
	v26 =	vld [tilespmem:s11+$0x7570];
	v18, _, _ =	vpop (xrf2)  }
0x288: {  	v12 =	vadd.f32 v12, v24;
	v25 =	vadd.f32 v13, v25;
	v22 =	vld [tilespmem:s2+$0x7540];
	[tilespmem:s1+$0xFFFFFFA0] =	vst.msk vm0, v18  }
0x289: {  	v18 =	vld [tilespmem:s2+$0x7550]  }
0x28a: {  	v16 =	vadd.f32 v17, v16;
	v12 =	vadd.f32 v25, v12;
	v24 =	vld [tilespmem:s2+$0x7560];
	v13, _, _ =	vpop (xrf2)  }
0x28b: {  	v17 =	vld [tilespmem:s2+$0x7570];
	[tilespmem:s1+$0xFFFFFFC0] =	vst.msk vm0, v13  }
0x28c: {  	v12 =	vadd.f32 v12, v16;
	v13 =	vld [tilespmem:s23+$0xFFFFFE10]  }
0x28d: {  	v16 =	vld [tilespmem:s23+$0xFFFFFE20];
	(v2sf) =	vpush v10, $0x1;
	v10, _, _ =	vpop (xrf2)  }
0x28e: {  	v25 =	vld [tilespmem:s23+$0xFFFFFE30];
	(xrf2) =	vadd.scan.msk.f32 $0xffff, v12;
	[tilespmem:s1+$0xFFFFFFE0] =	vst.msk vm0, v10;
	s1 =	smov.u32 s13  }
0x28f: {  	v10 =	vld [tilespmem:s23+$0xFFFFFE40]  }
0x290: {  	v12 =	vld [tilespmem:s23+$0xFFFFFE90]  }
0x291: {  	v13 =	vmul.bf16 v19, v13;
	v19 =	vld [tilespmem:s23+$0xFFFFFEA0]  }
0x292: {  	v14 =	vmul.bf16 v14, v16;
	v16 =	vld [tilespmem:s23+$0xFFFFFEB0]  }
0x293: {  	v20 =	vmul.bf16 v20, v25;
	v25 =	vld [tilespmem:s23+$0xFFFFFEC0]  }
0x294: {  	v10 =	vmul.bf16 v21, v10;
	v21 =	vld [tilespmem:s23+$0xFFFFFF10]  }
0x295: {  	v11 =	vmul.bf16 v11, v12;
	v12 =	vld [tilespmem:s23+$0xFFFFFF20]  }
0x296: {  	v15 =	vmul.bf16 v15, v19;
	v19 =	vld [tilespmem:s23+$0xFFFFFF30]  }
0x297: {  	v16 =	vmul.bf16 v23, v16;
	v23 =	vld [tilespmem:s23+$0xFFFFFF40]  }
0x298: {  	s13 =	sadd.s32 $0x80, s13;
	v27 =	vld [tilespmem:s10+$0xFFFFFE10];
	v25 =	vmul.bf16 v26, v25;
	v26, _, _ =	vpop (xrf2)  }
0x299: {  	v28 =	vld [tilespmem:s10+$0xFFFFFE20];
	v21 =	vmul.bf16 v22, v21;
	[tilespmem:s13+$0xFFFFFFF0] =	vst.msk vm0, v26  }
0x29a: {  	v18 =	vmul.bf16 v18, v12;
	v22 =	vld [tilespmem:s10+$0xFFFFFFD0]  }
0x29b: {  	v19 =	vmul.bf16 v24, v19;
	v24 =	vld [tilespmem:s10+$0xFFFFFFE0]  }
0x29c: {  	v17 =	vmul.bf16 v17, v23;
	v23 =	vld [tilespmem:s23+$0xFFFFFFD0];
	s2 =	spop (v2sf)  }
0x29d: {  	v12 =	vmul.bf16 v27, v13;
	v13 =	vld [tilespmem:s2+$0x7540]  }
0x29e: {  	v14 =	vmul.bf16 v28, v14;
	v26 =	vld [tilespmem:s23+$0xFFFFFFE0]  }
0x29f: {  	v27 =	vunpack.i.u.bf16.f32 v12;
	v12 =	vunpack.i.l.bf16.f32 v12;
	v28 =	vld [tilespmem:s2+$0x7550]  }
0x2a0: {  	v12 =	vadd.f32 v12, v27;
	v27 =	vunpack.i.u.bf16.f32 v14;
	v14 =	vunpack.i.l.bf16.f32 v14;
	v29 =	vld [tilespmem:s23+$0xFFFFFFF0]  }
0x2a1: {  	v14 =	vadd.f32 v14, v27;
	v27 =	vld [tilespmem:s2+$0x7560]  }
0x2a2: {  	v30 =	vld [tilespmem:s23+$0x0]  }
0x2a3: {  	v12 =	vadd.f32 v14, v12;
	v14 =	vld [tilespmem:s2+$0x7570]  }
0x2a4: {  	v31 =	vld [tilespmem:s10+$0xFFFFFFF0]  }
0x2a5: {  	v32 =	vld [tilespmem:s10+$0x0]  }
0x2a6: {  	v13 =	vmul.bf16 v13, v23;
	v33 =	vld [tilespmem:s10+$0xFFFFFE30]  }
0x2a7: {  	v26 =	vmul.bf16 v28, v26;
	v27 =	vmul.bf16 v27, v29;
	v23 =	vld [tilespmem:s10+$0xFFFFFE40]  }
0x2a8: {  	v13 =	vmul.bf16 v22, v13;
	v28 =	vld [tilespmem:s10+$0xFFFFFE90];
	v14 =	vmul.bf16 v14, v30  }
0x2a9: {  	v24 =	vmul.bf16 v24, v26;
	v22 =	vld [tilespmem:s10+$0xFFFFFEA0]  }
0x2aa: {  	v29 =	vunpack.i.u.bf16.f32 v13;
	v27 =	vmul.bf16 v31, v27;
	v26 =	vld [tilespmem:s10+$0xFFFFFEB0];
	v14 =	vmul.bf16 v32, v14  }
0x2ab: {  	v13 =	vunpack.i.l.bf16.f32 v13;
	v31 =	vunpack.i.u.bf16.f32 v24;
	v24 =	vunpack.i.l.bf16.f32 v24;
	v30 =	vld [tilespmem:s10+$0xFFFFFEC0]  }
0x2ac: {  	v34 =	vunpack.i.u.bf16.f32 v27;
	v27 =	vunpack.i.l.bf16.f32 v27;
	v32 =	vld [tilespmem:s10+$0xFFFFFF10];
	v35 =	vunpack.i.u.bf16.f32 v14  }
0x2ad: {  	v13 =	vadd.f32 v13, v29;
	v24 =	vadd.f32 v24, v31;
	v14 =	vunpack.i.l.bf16.f32 v14;
	v36 =	vld [tilespmem:s10+$0xFFFFFF20]  }
0x2ae: {  	v20 =	vmul.bf16 v33, v20;
	v27 =	vadd.f32 v27, v34;
	v14 =	vadd.f32 v14, v35;
	v29 =	vld [tilespmem:s10+$0xFFFFFF30]  }
0x2af: {  	v10 =	vmul.bf16 v23, v10;
	v11 =	vmul.bf16 v28, v11;
	v23 =	vld [tilespmem:s10+$0xFFFFFF40]  }
0x2b0: {  	v13 =	vadd.f32 v24, v13;
	v15 =	vmul.bf16 v22, v15;
	v14 =	vadd.f32 v14, v27;
	v22 =	vld [tilespmem:s4+$0x7540]  }
0x2b1: {  	v24 =	vunpack.i.u.bf16.f32 v20;
	v16 =	vmul.bf16 v26, v16;
	v25 =	vmul.bf16 v30, v25;
	v26 =	vld [tilespmem:s6+$0xFFFFFEE0]  }
0x2b2: {  	v21 =	vmul.bf16 v32, v21;
	v13 =	vadd.f32 v14, v13;
	v18 =	vmul.bf16 v36, v18;
	v14 =	vld [tilespmem:s4+$0x7550]  }
0x2b3: {  	v20 =	vunpack.i.l.bf16.f32 v20;
	v27 =	vunpack.i.u.bf16.f32 v10;
	v19 =	vmul.bf16 v29, v19;
	v28 =	vld [tilespmem:s6+$0xFFFFFEF0]  }
0x2b4: {  	v10 =	vunpack.i.l.bf16.f32 v10;
	v29 =	vunpack.i.u.bf16.f32 v11;
	v17 =	vmul.bf16 v23, v17;
	(xrf2) =	vadd.scan.msk.f32 $0xffff, v13;
	v13 =	vld [tilespmem:s4+$0x7560]  }
0x2b5: {  	v11 =	vunpack.i.l.bf16.f32 v11;
	v23 =	vunpack.i.u.bf16.f32 v15;
	v15 =	vunpack.i.l.bf16.f32 v15;
	v30 =	vld [tilespmem:s6+$0xFFFFFF00]  }
0x2b6: {  	v31 =	vunpack.i.u.bf16.f32 v16;
	v16 =	vunpack.i.l.bf16.f32 v16;
	v32 =	vunpack.i.u.bf16.f32 v25;
	v33 =	vld [tilespmem:s4+$0x7570];
	s4 =	smov.u32 s24  }
0x2b7: {  	v25 =	vunpack.i.l.bf16.f32 v25;
	v34 =	vunpack.i.u.bf16.f32 v21;
	v21 =	vunpack.i.l.bf16.f32 v21;
	v35 =	vld [tilespmem:s6+$0xFFFFFF50]  }
0x2b8: {  	v36 =	vunpack.i.u.bf16.f32 v18;
	v18 =	vunpack.i.l.bf16.f32 v18;
	v37 =	vunpack.i.u.bf16.f32 v19;
	v38 =	vld [tilespmem:s12+$0x7540]  }
0x2b9: {  	v19 =	vunpack.i.l.bf16.f32 v19;
	v39 =	vunpack.i.u.bf16.f32 v17;
	v40 =	vunpack.i.l.bf16.f32 v17;
	v41 =	vld [tilespmem:s6+$0xFFFFFF60]  }
0x2ba: {  	v20 =	vadd.f32 v20, v24;
	v24 =	vadd.f32 v10, v27;
	v10 =	vmul.bf16 v22, v9;
	v22 =	vld [tilespmem:s12+$0x7550]  }
0x2bb: {  	v11 =	vadd.f32 v11, v29;
	v23 =	vadd.f32 v15, v23;
	v15 =	vmul.bf16 v14, v26;
	v14 =	vld [tilespmem:s6+$0xFFFFFF70]  }
0x2bc: {  	v25 =	vadd.f32 v25, v32;
	v26 =	vadd.f32 v16, v31;
	v16 =	vmul.bf16 v13, v28;
	v13 =	vld [tilespmem:s12+$0x7560]  }
0x2bd: {  	v21 =	vadd.f32 v21, v34;
	v18 =	vadd.f32 v18, v36;
	v17 =	vmul.bf16 v33, v30;
	v27 =	vld [tilespmem:s6+$0xFFFFFF80];
	s6 =	smov.u32 s23  }
0x2be: {  	v19 =	vadd.f32 v19, v37;
	v28 =	vadd.f32 v40, v39;
	v9 =	vmul.bf16 v38, v35;
	v29, _, _ =	vpop (xrf2);
	v30 =	vld [tilespmem:s12+$0x7570];
	s12 =	smov.u32 s9  }
0x2bf: {  	v20 =	vadd.f32 v24, v20;
	v23 =	vadd.f32 v23, v11;
	[tilespmem:s13+$0x0] =	vst.msk vm0, v29;
	v24 =	vld [tilespmem:s0+$0xFFFFFE50];
	v11 =	vmul.bf16 v22, v41  }
0x2c0: {  	v21 =	vadd.f32 v18, v21;
	v22 =	vadd.f32 v25, v26;
	v25 =	vld [tilespmem:s0+$0xFFFFFE60]  }
0x2c1: {  	v20 =	vadd.f32 v20, v12;
	v19 =	vadd.f32 v28, v19;
	v26 =	vld [tilespmem:s0+$0xFFFFFE70];
	v12 =	vmul.bf16 v13, v14  }
.Ltmp1:
0x2c2: {  	v13 =	vadd.f32 v22, v23;
	v18 =	vld [tilespmem:s0+$0xFFFFFE80];
	(pc) =	sbr.rel @p0 .LBB2_5-.Ltmp1, $4  }
0x2c3: {  	v21 =	vadd.f32 v19, v21;
	(xrf2) =	vadd.scan.msk.f32 $0xffff, v20;
	v20 =	vld [tilespmem:s0+$0xFFFFFED0];
	v14 =	vmul.bf16 v30, v27  }
0x2c4: {  	v23 =	vmul.bf16 v24, v6;
	v19 =	vld [tilespmem:s0+$0xFFFFFEE0]  }
0x2c5: {  	v22 =	vmul.bf16 v25, v7;
	v6 =	vld [tilespmem:s0+$0xFFFFFEF0]  }
0x2c6: {  	s8 =	sadd.s32 $0x8, s8;
	(xrf2) =	vadd.scan.msk.f32 $0xffff, v13;
	v7 =	vunpack.i.u.bf16.f32 v23;
	v13 =	vunpack.i.l.bf16.f32 v23;
	v23 =	vmul.bf16 v26, v8;
	v8 =	vld [tilespmem:s0+$0xFFFFFF00]  }
0x2c7: {  	_ =	sdelay $0x3  }
0x2c8: {  	v24 =	vld [tilespmem:s0+$0xFFFFFF50]  }
0x2c9: {  	v25 =	vld [tilespmem:s0+$0xFFFFFF60]  }
0x2ca: {  	v27 =	vld [tilespmem:s0+$0xFFFFFF70];
	v26, _, _ =	vpop (xrf2)  }
0x2cb: {  	v59 =	vld [tilespmem:s0+$0xFFFFFF80];
	[tilespmem:s13+$0xFFFFFF90] =	vst.msk vm0, v26  }
0x2cc: {  	v28 =	vld [tilespmem:s23+$0xFFFFFE50]  }
0x2cd: {  	v29 =	vld [tilespmem:s5+$0x7540]  }
0x2ce: {  	v30 =	vld [tilespmem:s23+$0xFFFFFE60]  }
0x2cf: {  	v31 =	vld [tilespmem:s5+$0x7550]  }
0x2d0: {  	v60 =	vld [tilespmem:s23+$0xFFFFFE70]  }
0x2d1: {  	v32 =	vld [tilespmem:s5+$0x7560]  }
0x2d2: {  	v37 =	vunpack.i.u.bf16.f32 v23;
	v62 =	vunpack.i.l.bf16.f32 v23;
	v34 =	vld [tilespmem:s23+$0xFFFFFE80]  }
0x2d3: {  	(xrf2) =	vadd.scan.msk.f32 $0xffff, v21;
	v23 =	vadd.f32 v62, v37;
	v62 =	vld [tilespmem:s10+$0xFFFFFE60];
	v33, _, _ =	vpop (xrf2)  }
0x2d4: {  	[tilespmem:s13+$0xFFFFFFB0] =	vst.msk vm0, v33;
	v33 =	vld [tilespmem:s5+$0x7570]  }
0x2d5: {  	v35 =	vld [tilespmem:s23+$0xFFFFFED0]  }
0x2d6: {  	v5 =	vmul.bf16 v18, v5;
	v18 =	vld [tilespmem:s4+$0x7540]  }
0x2d7: {  	v10 =	vmul.bf16 v20, v10;
	v20 =	vld [tilespmem:s6+$0xFFFFFEE0]  }
0x2d8: {  	v15 =	vmul.bf16 v19, v15;
	v19 =	vld [tilespmem:s4+$0x7550]  }
0x2d9: {  	v36 =	vunpack.i.u.bf16.f32 v22;
	v61 =	vunpack.i.l.bf16.f32 v22;
	v6 =	vmul.bf16 v6, v16;
	v16 =	vld [tilespmem:s6+$0xFFFFFEF0]  }
0x2da: {  	v7 =	vadd.f32 v13, v7;
	v22 =	vadd.f32 v61, v36;
	v42 =	vld [tilespmem:s4+$0x7560]  }
0x2db: {  	v38 =	vunpack.i.u.bf16.f32 v5;
	v5 =	vunpack.i.l.bf16.f32 v5;
	v39 =	vunpack.i.u.bf16.f32 v10;
	v44 =	vld [tilespmem:s6+$0xFFFFFF00]  }
0x2dc: {  	v10 =	vunpack.i.l.bf16.f32 v10;
	v5 =	vadd.f32 v5, v38;
	v7 =	vadd.f32 v22, v7;
	v46 =	vld [tilespmem:s4+$0x7570]  }
0x2dd: {  	v8 =	vmul.bf16 v8, v17;
	v63 =	vunpack.i.u.bf16.f32 v15;
	v15 =	vunpack.i.l.bf16.f32 v15;
	v43, _, _ =	vpop (xrf2);
	v40 =	vld [tilespmem:s10+$0xFFFFFED0]  }
0x2de: {  	v10 =	vadd.f32 v10, v39;
	v45 =	vunpack.i.u.bf16.f32 v6;
	v6 =	vunpack.i.l.bf16.f32 v6;
	[tilespmem:s13+$0xFFFFFFD0] =	vst.msk vm0, v43;
	v43 =	vld [tilespmem:s10+$0xFFFFFEE0]  }
0x2df: {  	v9 =	vmul.bf16 v24, v9;
	v11 =	vmul.bf16 v25, v11;
	v6 =	vadd.f32 v6, v45;
	v45 =	vld [tilespmem:s10+$0xFFFFFEF0]  }
0x2e0: {  	v12 =	vmul.bf16 v27, v12;
	v14 =	vmul.bf16 v59, v14;
	v15 =	vadd.f32 v15, v63;
	v48 =	vld [tilespmem:s6+$0xFFFFFF50]  }
0x2e1: {  	v5 =	vadd.f32 v5, v23;
	v47 =	vunpack.i.u.bf16.f32 v8;
	v8 =	vunpack.i.l.bf16.f32 v8;
	v49 =	vld [tilespmem:s12+$0x7540]  }
0x2e2: {  	v50 =	vunpack.i.u.bf16.f32 v9;
	v9 =	vunpack.i.l.bf16.f32 v9;
	v52 =	vunpack.i.u.bf16.f32 v11;
	v51 =	vld [tilespmem:s6+$0xFFFFFF60]  }
0x2e3: {  	v11 =	vunpack.i.l.bf16.f32 v11;
	v8 =	vadd.f32 v8, v47;
	v55 =	vunpack.i.u.bf16.f32 v12;
	v53 =	vld [tilespmem:s12+$0x7550]  }
0x2e4: {  	v12 =	vunpack.i.l.bf16.f32 v12;
	v58 =	vunpack.i.u.bf16.f32 v14;
	v10 =	vadd.f32 v15, v10;
	v54 =	vld [tilespmem:s6+$0xFFFFFF70]  }
0x2e5: {  	v14 =	vunpack.i.l.bf16.f32 v14;
	v5 =	vadd.f32 v5, v7;
	v9 =	vadd.f32 v9, v50;
	v56 =	vld [tilespmem:s12+$0x7560]  }
0x2e6: {  	v11 =	vadd.f32 v11, v52;
	v12 =	vadd.f32 v12, v55;
	v57 =	vld [tilespmem:s6+$0xFFFFFF80];
	v30 =	vmul.bf16 v31, v30  }
0x2e7: {  	v14 =	vadd.f32 v14, v58;
	v59 =	vld [tilespmem:s12+$0x7570];
	v28 =	vmul.bf16 v29, v28;
	v21 =	vmul.bf16 v32, v60  }
0x2e8: {  	v6 =	vadd.f32 v8, v6;
	v60 =	vld [tilespmem:s10+$0xFFFFFE50];
	v61 =	vmul.bf16 v33, v34;
	v8 =	vmul.bf16 v62, v30  }
0x2e9: {  	v9 =	vadd.f32 v11, v9;
	v47 =	vld [tilespmem:s10+$0xFFFFFF00];
	v63 =	vmul.bf16 v18, v35;
	v32 =	vmul.bf16 v19, v20  }
0x2ea: {  	v12 =	vadd.f32 v14, v12;
	v55 =	vld [tilespmem:s10+$0xFFFFFF80];
	v7 =	vmul.bf16 v42, v16;
	v34 =	vmul.bf16 v46, v44  }
0x2eb: {  	v6 =	vadd.f32 v6, v10;
	v33 =	vld [tilespmem:s10+$0xFFFFFE70];
	v13 =	vmul.bf16 v49, v48;
	v39 =	vmul.bf16 v53, v51  }
0x2ec: {  	v9 =	vadd.f32 v12, v9;
	v41 =	vmul.bf16 v56, v54;
	v44 =	vmul.bf16 v59, v57  }
0x2ed: {  	v48 =	vunpack.i.u.bf16.f32 v8;
	v42 =	vmul.bf16 v60, v28;
	v11 =	vmul.bf16 v40, v63  }
0x2ee: {  	v8 =	vunpack.i.l.bf16.f32 v8;
	v15 =	vmul.bf16 v43, v32;
	v7 =	vmul.bf16 v45, v7  }
0x2ef: {  	v35 =	vld [tilespmem:s10+$0xFFFFFE80];
	v16 =	vmul.bf16 v47, v34;
	v8 =	vadd.f32 v8, v48;
	v12 =	vmul.bf16 v55, v44  }
0x2f0: {  	v49 =	vld [tilespmem:s10+$0xFFFFFF50];
	v46 =	vunpack.i.u.bf16.f32 v42;
	v20 =	vunpack.i.l.bf16.f32 v42;
	v18 =	vmul.bf16 v33, v21  }
0x2f1: {  	v51 =	vld [tilespmem:s10+$0xFFFFFF60];
	v54 =	vunpack.i.u.bf16.f32 v11;
	v11 =	vunpack.i.l.bf16.f32 v11;
	v56 =	vunpack.i.u.bf16.f32 v15  }
0x2f2: {  	v53 =	vld [tilespmem:s10+$0xFFFFFF70];
	v15 =	vunpack.i.l.bf16.f32 v15;
	v57 =	vunpack.i.u.bf16.f32 v7;
	v7 =	vunpack.i.l.bf16.f32 v7  }
0x2f3: {  	v58 =	vunpack.i.u.bf16.f32 v16;
	v16 =	vunpack.i.l.bf16.f32 v16;
	v20 =	vadd.f32 v20, v46  }
0x2f4: {  	v19 =	vmul.bf16 v35, v61;
	v11 =	vadd.f32 v11, v54;
	v15 =	vadd.f32 v15, v56  }
0x2f5: {  	v7 =	vadd.f32 v7, v57;
	v61 =	vunpack.i.u.bf16.f32 v12;
	v16 =	vadd.f32 v16, v58  }
0x2f6: {  	v12 =	vunpack.i.l.bf16.f32 v12;
	v50 =	vunpack.i.u.bf16.f32 v18;
	v13 =	vmul.bf16 v49, v13  }
0x2f7: {  	v18 =	vunpack.i.l.bf16.f32 v18;
	v14 =	vmul.bf16 v51, v39;
	v10 =	vmul.bf16 v53, v41  }
0x2f8: {  	v12 =	vadd.f32 v12, v61;
	v52 =	vunpack.i.u.bf16.f32 v19;
	v18 =	vadd.f32 v18, v50  }
0x2f9: {  	v19 =	vunpack.i.l.bf16.f32 v19;
	v8 =	vadd.f32 v8, v20;
	v11 =	vadd.f32 v15, v11  }
0x2fa: {  	v59 =	vunpack.i.u.bf16.f32 v13;
	v13 =	vunpack.i.l.bf16.f32 v13;
	v60 =	vunpack.i.u.bf16.f32 v14  }
0x2fb: {  	v14 =	vunpack.i.l.bf16.f32 v14;
	v23 =	vunpack.i.u.bf16.f32 v10;
	v19 =	vadd.f32 v19, v52  }
0x2fc: {  	v10 =	vunpack.i.l.bf16.f32 v10;
	v13 =	vadd.f32 v13, v59;
	v14 =	vadd.f32 v14, v60  }
0x2fd: {  	v10 =	vadd.f32 v10, v23;
	v62 =	vadd.f32 v19, v18  }
0x2fe: {  	(xrf2) =	vadd.scan.msk.f32 $0xffff, v5;
	v5 =	vadd.f32 v16, v7;
	v7 =	vadd.f32 v14, v13  }
0x2ff: {  	(xrf2) =	vadd.scan.msk.f32 $0xffff, v6;
	v63 =	vadd.f32 v12, v10;
	v6 =	vadd.f32 v62, v8  }
0x300: {  	(xrf2) =	vadd.scan.msk.f32 $0xffff, v9;
	v5 =	vadd.f32 v5, v11  }
0x301: {  	v7 =	vadd.f32 v63, v7;
	(xrf2) =	vadd.scan.msk.f32 $0xffff, v6  }
0x302: {  	(xrf2) =	vadd.scan.msk.f32 $0xffff, v5  }
0x303: {  	(xrf2) =	vadd.scan.msk.f32 $0xffff, v7;
	_ =	sdelay $0x4  }
0x304: {  	v5, _, _ =	vpop (xrf2)  }
0x305: {  	v6, _, _ =	vpop (xrf2);
	[tilespmem:s1+$0xFFFFFFA0] =	vst.msk vm0, v5  }
0x306: {  	v5, _, _ =	vpop (xrf2);
	[tilespmem:s1+$0xFFFFFFC0] =	vst.msk vm0, v6  }
0x307: {  	[tilespmem:s1+$0xFFFFFFE0] =	vst.msk vm0, v5;
	v5, _, _ =	vpop (xrf2)  }
0x308: {  	[tilespmem:s13+$0xFFFFFFA0] =	vst.msk vm0, v5;
	v5, _, _ =	vpop (xrf2)  }
0x309: {  	[tilespmem:s13+$0xFFFFFFC0] =	vst.msk vm0, v5;
	v5, _, _ =	vpop (xrf2)  }
0x30a: {  	[tilespmem:s13+$0xFFFFFFE0] =	vst.msk vm0, v5  }
0x30b: {  	v5 =	vld.idx.msk [tilespmem:v0+s22+$0x0], $0xffff;
	_ =	sdelay $0x4  }
0x30c: {  	v5 =	vsub.f32 $0.0e+00, v5;
	_ =	sdelay $0x1  }
0x30d: {  	v5 =	vmul.f32 $1.442695020e+00, v5;
	_ =	sdelay $0x1  }
0x30e: {  	(erf) = vpow2.f32 v5;
	_ =	sdelay $0x8  }
0x30f: {  	v5 =	vpop (erf)  }
0x310: {  	v5 =	vadd.f32 $1.000000000e+00, v5;
	_ =	sdelay $0x1  }
0x311: {  	(erf) = vrcp.f32 v5;
	_ =	sdelay $0x8  }
0x312: {  	v5 =	vpop (erf)  }
0x313: {  	[tilespmem:s31+$0x1C940] =	vst v5  }
0x314: {  	v5 =	vld.idx.msk [tilespmem:v1+s22+$0x0], $0xffff;
	_ =	sdelay $0x4  }
0x315: {  	v5 =	vsub.f32 $0.0e+00, v5;
	_ =	sdelay $0x1  }
0x316: {  	v5 =	vmul.f32 $1.442695020e+00, v5;
	_ =	sdelay $0x1  }
0x317: {  	(erf) = vpow2.f32 v5;
	_ =	sdelay $0x8  }
0x318: {  	v5 =	vpop (erf)  }
0x319: {  	v5 =	vadd.f32 $1.000000000e+00, v5;
	_ =	sdelay $0x1  }
0x31a: {  	(erf) = vrcp.f32 v5;
	_ =	sdelay $0x8  }
0x31b: {  	v5 =	vpop (erf)  }
0x31c: {  	[tilespmem:s30+$0x1C9A0] =	vst v5  }
0x31d: {  	v5 =	vld.idx.msk [tilespmem:v2+s22+$0x0], $0xffff;
	_ =	sdelay $0x4  }
0x31e: {  	v5 =	vsub.f32 $0.0e+00, v5;
	_ =	sdelay $0x1  }
0x31f: {  	v5 =	vmul.f32 $1.442695020e+00, v5;
	_ =	sdelay $0x1  }
0x320: {  	(erf) = vpow2.f32 v5;
	_ =	sdelay $0x8  }
0x321: {  	v5 =	vpop (erf)  }
0x322: {  	v5 =	vadd.f32 $1.000000000e+00, v5;
	_ =	sdelay $0x1  }
0x323: {  	(erf) = vrcp.f32 v5;
	_ =	sdelay $0x8  }
0x324: {  	v5 =	vpop (erf)  }
0x325: {  	[tilespmem:s30+$0x1C9B0] =	vst v5  }
0x326: {  	v5 =	vld.idx.msk [tilespmem:v3+s22+$0x0], $0xffff;
	_ =	sdelay $0x4  }
0x327: {  	v5 =	vsub.f32 $0.0e+00, v5;
	_ =	sdelay $0x1  }
0x328: {  	v5 =	vmul.f32 $1.442695020e+00, v5;
	_ =	sdelay $0x1  }
0x329: {  	(erf) = vpow2.f32 v5;
	_ =	sdelay $0x8  }
0x32a: {  	v5 =	vpop (erf)  }
0x32b: {  	v5 =	vadd.f32 $1.000000000e+00, v5;
	_ =	sdelay $0x1  }
0x32c: {  	(erf) = vrcp.f32 v5;
	_ =	sdelay $0x8  }
0x32d: {  	v5 =	vpop (erf)  }
0x32e: {  	[tilespmem:s30+$0x1C9C0] =	vst v5  }
0x32f: {  	v5 =	vld.idx.msk [tilespmem:v4+s22+$0x0], $0xffff;
	_ =	sdelay $0x4  }
0x330: {  	v5 =	vsub.f32 $0.0e+00, v5;
	_ =	sdelay $0x1  }
0x331: {  	v5 =	vmul.f32 $1.442695020e+00, v5;
	_ =	sdelay $0x1  }
0x332: {  	(erf) = vpow2.f32 v5;
	_ =	sdelay $0x8  }
0x333: {  	v5 =	vpop (erf)  }
0x334: {  	v5 =	vadd.f32 $1.000000000e+00, v5;
	_ =	sdelay $0x1  }
0x335: {  	(erf) = vrcp.f32 v5;
	_ =	sdelay $0x3  }
0x336: {  	s29 =	sadd.s32 $0x1, s29  }
0x337: {  	p0 =	sne.s32 s29, $0x3E  }
.Ltmp2:
0x338: {  	_ = 	snop;
	(pc) =	sbr.rel @p0 .LBB2_2-.Ltmp2, $3  }
0x339: {  	_ =	sdelay $0x1  }
0x33a: {  	v5 =	vpop (erf)  }
0x33b: {  	s26 =	sadd.s32 $0xA0, s26;
	s28 =	sadd.s32 $0xA0, s28;
	[tilespmem:s30+$0x1C9D0] =	vst v5  }
0x33c: {  	_ =	swait.ge [sflag:s17], $0x1400  }
0x33d: {  	[sflag:s17] =	ssyncset.done $0x0  }
0x33e: {  	[sflag:s17] =	ssyncadd.s32 $0xFFFFEC00  }
0x33f: {  	_ =	swait.ge [sflag:s17], $0x1400  }
0x340: {  	[sflag:s17] =	ssyncset.done $0x0  }
0x341: {  	s1 =	simm.s32 $0x74E6;
	[sflag:s17] =	ssyncadd.s32 $0xFFFFEC00  }
0x342: {  	v5 =	vld [tilespmem:s1+$0x0];
	_ =	sdelay $0x4  }
0x343: {  	v5 =	vshll.u32 v5, $0x8  }
0x344: {  	v5 =	vshra.s32 v5, $0x2  }
0x345: {  	(v2sf) =	vpush v5, $0x0;
	_ =	sdelay $0x6  }
0x346: {  	v6 =	vld [tilespmem:s1+$0xFFFFFFFC]  }
0x347: {  	v7 =	vld [tilespmem:s1+$0xFFFFFFFE]  }
0x348: {  	s0 =	simm.s32 $0x19840;
	v8 =	vld [tilespmem:s1+$0xFFFFFFFA]  }
0x349: {  	v9 =	vld [tilespmem:s0+$0x80]  }
0x34a: {  	s6 =	simm.s32 $0x17040;
	v10 =	vld [tilespmem:s0+$0x90]  }
0x34b: {  	v11 =	vld [tilespmem:s6+$0x80]  }
0x34c: {  	v12 =	vld [tilespmem:s6+$0x90]  }
0x34d: {  	v13 =	vld [tilespmem:s6+$0xA0]  }
0x34e: {  	v14 =	vld [tilespmem:s6+$0xB0];
	s23 =	spop (v2sf)  }
0x34f: {  	v6 =	vshll.u32 v6, $0x8;
	v15 =	vld [tilespmem:s23+$0x7540]  }
0x350: {  	v7 =	vshll.u32 v7, $0x8;
	v6 =	vshra.s32 v6, $0x2;
	v16 =	vld [tilespmem:s23+$0x7550]  }
0x351: {  	v7 =	vshra.s32 v7, $0x2;
	(v2sf) =	vpush v6, $0x0;
	v17 =	vld [tilespmem:s23+$0x7560]  }
0x352: {  	(v2sf) =	vpush v7, $0x0;
	v18 =	vld [tilespmem:s23+$0x7570]  }
0x353: {  	v19 =	vld [tilespmem:s0+$0xA0]  }
0x354: {  	v20 =	vld [tilespmem:s0+$0xB0];
	v8 =	vshll.u32 v8, $0x8  }
0x355: {  	v8 =	vshra.s32 v8, $0x2;
	v11 =	vmul.bf16 v15, v11  }
0x356: {  	(v2sf) =	vpush v8, $0x0;
	v12 =	vmul.bf16 v16, v12;
	v13 =	vmul.bf16 v17, v13  }
0x357: {  	v9 =	vmul.bf16 v9, v11;
	v11 =	vmul.bf16 v18, v14  }
0x358: {  	v10 =	vmul.bf16 v10, v12  }
0x359: {  	v13 =	vmul.bf16 v19, v13;
	v12 =	vunpack.i.u.bf16.f32 v9;
	v11 =	vmul.bf16 v20, v11  }
0x35a: {  	v9 =	vunpack.i.l.bf16.f32 v9;
	v14 =	vunpack.i.u.bf16.f32 v10;
	v10 =	vunpack.i.l.bf16.f32 v10  }
0x35b: {  	v15 =	vunpack.i.u.bf16.f32 v13;
	v13 =	vunpack.i.l.bf16.f32 v13;
	v9 =	vadd.f32 v9, v12  }
0x35c: {  	v10 =	vadd.f32 v10, v14;
	v16 =	vunpack.i.u.bf16.f32 v11;
	v11 =	vunpack.i.l.bf16.f32 v11  }
0x35d: {  	v12 =	vadd.f32 v13, v15;
	v11 =	vadd.f32 v11, v16  }
0x35e: {  	s10 =	simm.s32 $0x19A40;
	v56 =	vld [tilespmem:s0+$0xFFFFFF80];
	(v2sf) =	vpush v8, $0x1  }
0x35f: {  	v31 =	vld [tilespmem:s10+$0x80];
	v8 =	vadd.f32 v10, v9;
	v9 =	vadd.f32 v11, v12  }
0x360: {  	v32 =	vld [tilespmem:s10+$0x90];
	s2 =	spop (v2sf);
	(v2sf) =	vpush v6, $0x1  }
0x361: {  	v17 =	vld [tilespmem:s0+$0xFFFFFF00];
	s5 =	spop (v2sf);
	(v2sf) =	vpush v7, $0x1;
	v7 =	vadd.f32 v9, v8  }
0x362: {  	v19 =	vld [tilespmem:s0+$0xFFFFFF10]  }
0x363: {  	v13 =	vld [tilespmem:s6+$0xFFFFFF20];
	(xrf2) =	vadd.scan.msk.f32 $0xffff, v7  }
0x364: {  	v14 =	vld [tilespmem:s6+$0xFFFFFF30]  }
0x365: {  	v15 =	vld [tilespmem:s6+$0xFFFFFF80];
	s24 =	spop (v2sf);
	(v2sf) =	vpush v5, $0x1  }
0x366: {  	v16 =	vld [tilespmem:s6+$0xFFFFFF90]  }
0x367: {  	v11 =	vld [tilespmem:s6+$0xFFFFFF00]  }
0x368: {  	v12 =	vld [tilespmem:s6+$0xFFFFFF10]  }
0x369: {  	v10 =	vld [tilespmem:s2+$0x7550]  }
0x36a: {  	v9 =	vld [tilespmem:s2+$0x7540]  }
0x36b: {  	v6 =	vld [tilespmem:s24+$0x7540]  }
0x36c: {  	v8 =	vld [tilespmem:s24+$0x7550]  }
0x36d: {  	s1 =	simm.s32 $0x1BFB0;
	v5 =	vld [tilespmem:s24+$0x7560];
	v18, _, _ =	vpop (xrf2)  }
0x36e: {  	v7 =	vld [tilespmem:s24+$0x7570];
	[tilespmem:s1+$0xFFFFFFF0] =	vst.msk vm0, v18  }
0x36f: {  	v18 =	vld [tilespmem:s0+$0xC0]  }
0x370: {  	v20 =	vld [tilespmem:s0+$0xD0]  }
0x371: {  	s4 =	spop (v2sf);
	v21 =	vld [tilespmem:s6+$0xC0]  }
0x372: {  	s8 =	spop (v2sf);
	v23 =	vld [tilespmem:s6+$0xD0]  }
0x373: {  	s7 =	spop (v2sf);
	v25 =	vld [tilespmem:s6+$0xE0]  }
0x374: {  	v8 =	vmul.bf16 v8, v12;
	v12 =	vld [tilespmem:s6+$0xF0];
	s9 =	spop (v2sf)  }
0x375: {  	v22 =	vld [tilespmem:s9+$0x7540]  }
0x376: {  	v6 =	vmul.bf16 v6, v11;
	v24 =	vld [tilespmem:s9+$0x7550]  }
0x377: {  	v11 =	vld [tilespmem:s9+$0x7560]  }
0x378: {  	v5 =	vmul.bf16 v5, v13;
	v6 =	vmul.bf16 v17, v6;
	v13 =	vld [tilespmem:s9+$0x7570]  }
0x379: {  	v7 =	vmul.bf16 v7, v14;
	v8 =	vmul.bf16 v19, v8;
	v14 =	vld [tilespmem:s0+$0xE0]  }
0x37a: {  	v10 =	vmul.bf16 v10, v16;
	v9 =	vmul.bf16 v9, v15;
	v15 =	vunpack.i.u.bf16.f32 v6;
	v17 =	vld [tilespmem:s0+$0xF0]  }
0x37b: {  	v38 =	vld [tilespmem:s10+$0xB0];
	v6 =	vunpack.i.l.bf16.f32 v6;
	v16 =	vunpack.i.u.bf16.f32 v8;
	v8 =	vunpack.i.l.bf16.f32 v8  }
0x37c: {  	v43 =	vld [tilespmem:s10+$0xFFFFFF00];
	v6 =	vadd.f32 v6, v15;
	v19 =	vmul.bf16 v22, v21;
	v15 =	vmul.bf16 v24, v23  }
0x37d: {  	v8 =	vadd.f32 v8, v16;
	v22 =	vld [tilespmem:s0+$0xFFFFFF20];
	v11 =	vmul.bf16 v11, v25;
	v12 =	vmul.bf16 v13, v12  }
0x37e: {  	v18 =	vmul.bf16 v18, v19;
	v19 =	vld [tilespmem:s0+$0xFFFFFF30];
	v13 =	vmul.bf16 v20, v15  }
0x37f: {  	v6 =	vadd.f32 v8, v6;
	v21 =	vld [tilespmem:s2+$0x7560];
	v11 =	vmul.bf16 v14, v11;
	v12 =	vmul.bf16 v17, v12  }
0x380: {  	v15 =	vld [tilespmem:s2+$0x7570];
	v16 =	vunpack.i.u.bf16.f32 v18;
	v17 =	vunpack.i.l.bf16.f32 v18;
	v18 =	vunpack.i.u.bf16.f32 v13  }
0x381: {  	v14 =	vld [tilespmem:s6+$0xFFFFFFA0];
	v13 =	vunpack.i.l.bf16.f32 v13;
	v23 =	vunpack.i.u.bf16.f32 v11;
	v11 =	vunpack.i.l.bf16.f32 v11  }
0x382: {  	v20 =	vld [tilespmem:s6+$0xFFFFFFB0];
	v57 =	vunpack.i.u.bf16.f32 v12;
	v12 =	vunpack.i.l.bf16.f32 v12;
	v5 =	vmul.bf16 v22, v5  }
0x383: {  	v16 =	vadd.f32 v17, v16;
	v17 =	vld [tilespmem:s0+$0xFFFFFF90];
	v13 =	vadd.f32 v13, v18;
	v7 =	vmul.bf16 v19, v7  }
0x384: {  	v18 =	vld [tilespmem:s0+$0xFFFFFFA0];
	v11 =	vadd.f32 v11, v23;
	v12 =	vadd.f32 v12, v57;
	v19 =	vunpack.i.u.bf16.f32 v5  }
0x385: {  	v22 =	vld [tilespmem:s0+$0xFFFFFFB0];
	v5 =	vunpack.i.l.bf16.f32 v5;
	v23 =	vunpack.i.u.bf16.f32 v7;
	v7 =	vunpack.i.l.bf16.f32 v7  }
0x386: {  	v44 =	vld [tilespmem:s10+$0xFFFFFF10];
	s23 =	simm.s32 $0x17240;
	v5 =	vadd.f32 v5, v19;
	v7 =	vadd.f32 v7, v23  }
0x387: {  	v33 =	vld [tilespmem:s23+$0x80];
	v14 =	vmul.bf16 v21, v14;
	v13 =	vadd.f32 v13, v16;
	v11 =	vadd.f32 v12, v11  }
0x388: {  	v34 =	vld [tilespmem:s23+$0x90];
	v8 =	vmul.bf16 v56, v9;
	v15 =	vmul.bf16 v15, v20;
	v5 =	vadd.f32 v7, v5  }
0x389: {  	v35 =	vld [tilespmem:s23+$0xA0];
	v11 =	vadd.f32 v11, v13;
	v7 =	vmul.bf16 v17, v10;
	v10 =	vmul.bf16 v18, v14  }
0x38a: {  	v55 =	vld [tilespmem:s23+$0xFFFFFFA0];
	v14 =	vmul.bf16 v22, v15;
	v15 =	vunpack.i.u.bf16.f32 v8;
	v5 =	vadd.f32 v5, v6  }
0x38b: {  	v39 =	vld [tilespmem:s23+$0x10];
	v6 =	vunpack.i.l.bf16.f32 v8;
	v8 =	vunpack.i.u.bf16.f32 v7;
	v7 =	vunpack.i.l.bf16.f32 v7  }
0x38c: {  	v40 =	vld [tilespmem:s23+$0x20];
	(xrf2) =	vadd.scan.msk.f32 $0xffff, v11;
	v17 =	vunpack.i.u.bf16.f32 v10;
	v10 =	vunpack.i.l.bf16.f32 v10;
	v18 =	vunpack.i.u.bf16.f32 v14  }
0x38d: {  	v42 =	vld [tilespmem:s23+$0x30];
	v6 =	vadd.f32 v6, v15;
	v7 =	vadd.f32 v7, v8;
	(xrf2) =	vadd.scan.msk.f32 $0xffff, v5;
	v5 =	vunpack.i.l.bf16.f32 v14  }
0x38e: {  	s25 =	simm.s32 $0x74EE;
	v9 =	vld [tilespmem:s5+$0x7550];
	v10 =	vadd.f32 v10, v17;
	v5 =	vadd.f32 v5, v18  }
0x38f: {  	v6 =	vadd.f32 v7, v6;
	v7 =	vld [tilespmem:s25+$0x0]  }
0x390: {  	v56 =	vld [tilespmem:s23+$0xFFFFFFB0];
	v5 =	vadd.f32 v5, v10  }
0x391: {  	v57 =	vld [tilespmem:s23+$0x0]  }
0x392: {  	v12 =	vld [tilespmem:s5+$0x7540];
	v5 =	vadd.f32 v5, v6  }
0x393: {  	v16 =	vld [tilespmem:s5+$0x7570]  }
0x394: {  	v20 =	vld [tilespmem:s25+$0xFFFFFFFE];
	(xrf2) =	vadd.scan.msk.f32 $0xffff, v5;
	v5 =	vshll.u32 v7, $0x8  }
0x395: {  	v19 =	vld [tilespmem:s6+$0x10];
	v21 =	vshra.s32 v5, $0x2  }
0x396: {  	v13 =	vld [tilespmem:s5+$0x7560];
	(v2sf) =	vpush v21, $0x0  }
0x397: {  	v11 =	vld [tilespmem:s6+$0x0]  }
0x398: {  	v18 =	vld [tilespmem:s25+$0xFFFFFFFC]  }
0x399: {  	v22 =	vld [tilespmem:s0+$0x30]  }
0x39a: {  	v14 =	vld [tilespmem:s6+$0x30]  }
0x39b: {  	v8 =	vld [tilespmem:s6+$0x20]  }
0x39c: {  	v15 =	vld [tilespmem:s0+$0x10]  }
0x39d: {  	v17 =	vld [tilespmem:s0+$0x20];
	v18 =	vshll.u32 v18, $0x8  }
0x39e: {  	v20 =	vshll.u32 v20, $0x8;
	v11 =	vmul.bf16 v12, v11;
	v12 =	vld [tilespmem:s23+$0xB0];
	v18 =	vshra.s32 v18, $0x2  }
0x39f: {  	v20 =	vshra.s32 v20, $0x2;
	v10 =	vld [tilespmem:s0+$0x0];
	v6, _, _ =	vpop (xrf2);
	v14 =	vmul.bf16 v16, v14;
	(v2sf) =	vpush v18, $0x0  }
0x3a0: {  	v7 =	vld [tilespmem:s25+$0xFFFFFFFA];
	v5, _, _ =	vpop (xrf2);
	(v2sf) =	vpush v20, $0x0  }
0x3a1: {  	v14 =	vmul.bf16 v22, v14;
	v22 =	vld [tilespmem:s10+$0xA0];
	[tilespmem:s1+$0xFFFFFF90] =	vst.msk vm0, v5  }
0x3a2: {  	v5 =	vld [tilespmem:s6+$0xFFFFFF40]  }
0x3a3: {  	v23 =	vld [tilespmem:s4+$0x7540]  }
0x3a4: {  	v9 =	vmul.bf16 v9, v19;
	v8 =	vmul.bf16 v13, v8;
	v24 =	vld [tilespmem:s6+$0xFFFFFF50]  }
0x3a5: {  	v58 =	vld [tilespmem:s4+$0x7550];
	s26 =	spop (v2sf)  }
0x3a6: {  	v9 =	vmul.bf16 v15, v9;
	v8 =	vmul.bf16 v17, v8;
	v7 =	vshll.u32 v7, $0x8;
	v13 =	vld [tilespmem:s26+$0x7540]  }
0x3a7: {  	v10 =	vmul.bf16 v10, v11;
	v26 =	vshra.s32 v7, $0x2;
	v11 =	vld [tilespmem:s26+$0x7550]  }
0x3a8: {  	v19 =	vunpack.i.u.bf16.f32 v9;
	v36 =	vunpack.i.u.bf16.f32 v8;
	(v2sf) =	vpush v26, $0x0;
	v15 =	vld [tilespmem:s26+$0x7560]  }
0x3a9: {  	v8 =	vunpack.i.l.bf16.f32 v8;
	v37 =	vunpack.i.u.bf16.f32 v14;
	v14 =	vunpack.i.l.bf16.f32 v14;
	v17 =	vld [tilespmem:s26+$0x7570]  }
0x3aa: {  	v9 =	vunpack.i.l.bf16.f32 v9;
	v8 =	vadd.f32 v8, v36;
	v14 =	vadd.f32 v14, v37;
	v27 =	vld [tilespmem:s6+$0xFFFFFF60]  }
0x3ab: {  	v9 =	vadd.f32 v9, v19;
	v16 =	vunpack.i.u.bf16.f32 v10;
	v10 =	vunpack.i.l.bf16.f32 v10;
	v28 =	vld [tilespmem:s4+$0x7560]  }
0x3ac: {  	v10 =	vadd.f32 v10, v16;
	v29 =	vld [tilespmem:s6+$0xFFFFFF70];
	v8 =	vadd.f32 v14, v8;
	v7, _, _ =	vpop (xrf2);
	v13 =	vmul.bf16 v13, v33  }
0x3ad: {  	v30 =	vld [tilespmem:s4+$0x7570];
	[tilespmem:s1+$0xFFFFFFB0] =	vst.msk vm0, v7;
	(v2sf) =	vpush v26, $0x1;
	v11 =	vmul.bf16 v11, v34;
	v15 =	vmul.bf16 v15, v35  }
0x3ae: {  	v7 =	vld [tilespmem:s6+$0xFFFFFFC0];
	s28 =	spop (v2sf);
	(v2sf) =	vpush v18, $0x1;
	v12 =	vmul.bf16 v17, v12;
	v13 =	vmul.bf16 v31, v13  }
0x3af: {  	v9 =	vadd.f32 v9, v10;
	v18 =	vld [tilespmem:s23+$0xFFFFFF20];
	s29 =	spop (v2sf);
	(v2sf) =	vpush v20, $0x1;
	v11 =	vmul.bf16 v32, v11  }
0x3b0: {  	v60 =	vld [tilespmem:s28+$0x7560];
	v15 =	vmul.bf16 v22, v15;
	v12 =	vmul.bf16 v38, v12;
	v31 =	vunpack.i.u.bf16.f32 v13  }
0x3b1: {  	v63 =	vld [tilespmem:s28+$0x7570];
	v13 =	vunpack.i.l.bf16.f32 v13;
	v32 =	vunpack.i.u.bf16.f32 v11;
	v11 =	vunpack.i.l.bf16.f32 v11  }
0x3b2: {  	v20 =	vld [tilespmem:s23+$0xFFFFFF80];
	v61 =	vunpack.i.u.bf16.f32 v15;
	v15 =	vunpack.i.l.bf16.f32 v15;
	v62 =	vunpack.i.u.bf16.f32 v12  }
0x3b3: {  	v52 =	vld [tilespmem:s29+$0x7540];
	v12 =	vunpack.i.l.bf16.f32 v12;
	v13 =	vadd.f32 v13, v31;
	v11 =	vadd.f32 v11, v32  }
0x3b4: {  	v53 =	vld [tilespmem:s29+$0x7550];
	v15 =	vadd.f32 v15, v61;
	v12 =	vadd.f32 v12, v62  }
0x3b5: {  	v8 =	vadd.f32 v8, v9;
	v54 =	vld [tilespmem:s29+$0x7560]  }
0x3b6: {  	v9 =	vld [tilespmem:s29+$0x7570];
	v11 =	vadd.f32 v11, v13;
	v12 =	vadd.f32 v12, v15  }
0x3b7: {  	s30 =	spop (v2sf);
	(v2sf) =	vpush v21, $0x1;
	v21 =	vld [tilespmem:s23+$0xFFFFFF90]  }
0x3b8: {  	v16 =	vld [tilespmem:s30+$0x7540];
	v11 =	vadd.f32 v12, v11  }
0x3b9: {  	(xrf2) =	vadd.scan.msk.f32 $0xffff, v8;
	v19 =	vld [tilespmem:s30+$0x7550]  }
0x3ba: {  	v59 =	vld [tilespmem:s30+$0x7560];
	(xrf2) =	vadd.scan.msk.f32 $0xffff, v11  }
0x3bb: {  	v15 =	vld [tilespmem:s23+$0xFFFFFF00]  }
0x3bc: {  	v12 =	vld [tilespmem:s23+$0xFFFFFF10]  }
0x3bd: {  	v22 =	vld [tilespmem:s28+$0x7550]  }
0x3be: {  	v10 =	vld [tilespmem:s30+$0x7570]  }
0x3bf: {  	v17 =	vld [tilespmem:s28+$0x7540]  }
0x3c0: {  	v61 =	vld [tilespmem:s10+$0xFFFFFF30]  }
0x3c1: {  	v11 =	vld [tilespmem:s23+$0xFFFFFF30];
	v15 =	vmul.bf16 v16, v15;
	v12 =	vmul.bf16 v19, v12  }
0x3c2: {  	v19 =	vmul.bf16 v22, v21;
	v21 =	vmul.bf16 v60, v55;
	v60 =	vld [tilespmem:s10+$0xFFFFFF20]  }
0x3c3: {  	v41, _, _ =	vpop (xrf2);
	v22 =	vmul.bf16 v63, v56;
	v63 =	vld [tilespmem:s10+$0xFFFFFF80]  }
0x3c4: {  	s13 =	simm.s32 $0x1C030;
	v15 =	vmul.bf16 v43, v15;
	v43 =	vld [tilespmem:s10+$0xFFFFFF90];
	v8, _, _ =	vpop (xrf2)  }
0x3c5: {  	s5 =	spop (v2sf);
	[tilespmem:s13+$0xFFFFFFF0] =	vst.msk vm0, v8;
	v8 =	vmul.bf16 v28, v27;
	v27 =	vmul.bf16 v52, v57;
	v57 =	vld [tilespmem:s10+$0x30]  }
0x3c6: {  	s4 =	spop (v2sf);
	v45 =	vld [tilespmem:s10+$0xC0]  }
0x3c7: {  	s12 =	spop (v2sf);
	v46 =	vld [tilespmem:s10+$0xD0]  }
0x3c8: {  	s31 =	spop (v2sf);
	v47 =	vld [tilespmem:s23+$0xC0]  }
0x3c9: {  	v48 =	vld [tilespmem:s31+$0x7540]  }
0x3ca: {  	v14 =	vmul.bf16 v23, v5;
	v5 =	vmul.bf16 v30, v29;
	v49 =	vld [tilespmem:s23+$0xD0]  }
0x3cb: {  	v26 =	vmul.bf16 v53, v39;
	v29 =	vmul.bf16 v54, v40;
	v50 =	vld [tilespmem:s31+$0x7550]  }
0x3cc: {  	v18 =	vmul.bf16 v59, v18;
	v12 =	vmul.bf16 v44, v12;
	v23 =	vld [tilespmem:s23+$0xE0]  }
0x3cd: {  	v13 =	vmul.bf16 v58, v24;
	v10 =	vmul.bf16 v10, v11;
	v62 =	vunpack.i.u.bf16.f32 v15;
	v58 =	vld [tilespmem:s31+$0x7560]  }
0x3ce: {  	v15 =	vunpack.i.l.bf16.f32 v15;
	v44 =	vunpack.i.u.bf16.f32 v12;
	v12 =	vunpack.i.l.bf16.f32 v12;
	v16 =	vld [tilespmem:s23+$0xF0]  }
0x3cf: {  	v17 =	vmul.bf16 v17, v20;
	v15 =	vadd.f32 v15, v62;
	v12 =	vadd.f32 v12, v44;
	v11 =	vld [tilespmem:s31+$0x7570]  }
0x3d0: {  	v9 =	vmul.bf16 v9, v42;
	v10 =	vmul.bf16 v61, v10;
	v20 =	vld [tilespmem:s10+$0xE0]  }
0x3d1: {  	v18 =	vmul.bf16 v60, v18;
	v12 =	vadd.f32 v12, v15;
	v15 =	vmul.bf16 v63, v17;
	v59 =	vld [tilespmem:s10+$0xF0]  }
0x3d2: {  	v55 =	vld [tilespmem:s10+$0x20];
	v61 =	vunpack.i.u.bf16.f32 v10;
	v17 =	vmul.bf16 v43, v19;
	v42 =	vmul.bf16 v48, v47  }
0x3d3: {  	v62 =	vld [tilespmem:s8+$0x7570];
	v60 =	vunpack.i.u.bf16.f32 v18;
	v47 =	vmul.bf16 v50, v49;
	v23 =	vmul.bf16 v58, v23  }
0x3d4: {  	[tilespmem:s1+$0xFFFFFFD0] =	vst.msk vm0, v41;
	v19 =	vld [tilespmem:s8+$0x7550];
	v18 =	vunpack.i.l.bf16.f32 v18;
	v11 =	vmul.bf16 v11, v16;
	v31 =	vmul.bf16 v45, v42  }
0x3d5: {  	v63 =	vld [tilespmem:s6+$0x40];
	v18 =	vadd.f32 v18, v60;
	v9 =	vmul.bf16 v57, v9;
	v49 =	vmul.bf16 v46, v47  }
0x3d6: {  	v52 =	vld [tilespmem:s10+$0x10];
	v20 =	vmul.bf16 v20, v23;
	v11 =	vmul.bf16 v59, v11;
	v50 =	vunpack.i.u.bf16.f32 v31  }
0x3d7: {  	v60 =	vld [tilespmem:s0+$0xFFFFFF50];
	v51 =	vunpack.i.l.bf16.f32 v31;
	v53 =	vunpack.i.u.bf16.f32 v49;
	v34 =	vunpack.i.l.bf16.f32 v49  }
0x3d8: {  	v57 =	vld [tilespmem:s6+$0x70];
	v54 =	vunpack.i.u.bf16.f32 v20;
	v20 =	vunpack.i.l.bf16.f32 v20;
	v56 =	vunpack.i.u.bf16.f32 v11  }
0x3d9: {  	v48 =	vld [tilespmem:s10+$0xFFFFFFA0];
	v11 =	vunpack.i.l.bf16.f32 v11;
	v25 =	vadd.f32 v51, v50;
	v34 =	vadd.f32 v34, v53  }
0x3da: {  	v10 =	vunpack.i.l.bf16.f32 v10;
	v16 =	vld [tilespmem:s10+$0xFFFFFFB0];
	v20 =	vadd.f32 v20, v54;
	v11 =	vadd.f32 v11, v56  }
0x3db: {  	v26 =	vmul.bf16 v52, v26;
	v52 =	vadd.f32 v10, v61;
	v58 =	vld [tilespmem:s8+$0x7540]  }
0x3dc: {  	v23 =	vld [tilespmem:s10+$0x0];
	v25 =	vadd.f32 v34, v25;
	v11 =	vadd.f32 v11, v20  }
0x3dd: {  	v29 =	vmul.bf16 v55, v29;
	v32 =	vunpack.i.u.bf16.f32 v15;
	v59 =	vld [tilespmem:s6+$0xFFFFFFD0]  }
0x3de: {  	v15 =	vunpack.i.l.bf16.f32 v15;
	v24 =	vadd.f32 v52, v18;
	v47 =	vld [tilespmem:s7+$0x7540];
	v11 =	vadd.f32 v11, v25  }
0x3df: {  	v55 =	vadd.f32 v15, v32;
	v45 =	vunpack.i.u.bf16.f32 v17;
	v17 =	vunpack.i.l.bf16.f32 v17;
	v51 =	vld [tilespmem:s7+$0x7550]  }
0x3e0: {  	v24 =	vadd.f32 v24, v12;
	v16 =	vmul.bf16 v16, v22;
	v50 =	vunpack.i.u.bf16.f32 v26;
	v53 =	vld [tilespmem:s6+$0x60];
	(xrf2) =	vadd.scan.msk.f32 $0xffff, v11  }
0x3e1: {  	v26 =	vunpack.i.l.bf16.f32 v26;
	v54 =	vunpack.i.u.bf16.f32 v29;
	v20 =	vmul.bf16 v48, v21;
	v21 =	vld [tilespmem:s6+$0xFFFFFFE0]  }
0x3e2: {  	v29 =	vunpack.i.l.bf16.f32 v29;
	v10 =	vmul.bf16 v58, v7;
	v22 =	vmul.bf16 v23, v27;
	v23 =	vld [tilespmem:s8+$0x7560]  }
0x3e3: {  	v56 =	vunpack.i.u.bf16.f32 v9;
	v9 =	vunpack.i.l.bf16.f32 v9;
	v34 =	vadd.f32 v17, v45;
	v25 =	vld [tilespmem:s6+$0xFFFFFFF0]  }
0x3e4: {  	v7 =	vld [tilespmem:s7+$0x7560];
	v15 =	vmul.bf16 v19, v59;
	v49 =	vunpack.i.u.bf16.f32 v22;
	v22 =	vunpack.i.l.bf16.f32 v22  }
0x3e5: {  	v48 =	vld [tilespmem:s6+$0x50];
	v46 =	vunpack.i.u.bf16.f32 v20;
	v19 =	vadd.f32 v22, v49;
	v22 =	vadd.f32 v26, v50  }
0x3e6: {  	v59 =	vld [tilespmem:s0+$0xFFFFFF40];
	v11 =	vunpack.i.l.bf16.f32 v20;
	v20 =	vunpack.i.u.bf16.f32 v16;
	v16 =	vunpack.i.l.bf16.f32 v16  }
0x3e7: {  	v58 =	vld [tilespmem:s7+$0x7570];
	v11 =	vadd.f32 v11, v46;
	v20 =	vadd.f32 v16, v20;
	v16 =	vmul.bf16 v23, v21  }
0x3e8: {  	v21 =	vadd.f32 v29, v54;
	v23 =	vadd.f32 v9, v56;
	v17 =	vmul.bf16 v62, v25;
	v62 =	vld [tilespmem:s0+$0xFFFFFF60]  }
0x3e9: {  	[tilespmem:s1+$0x0] =	vst.msk vm0, v6;
	v18 =	vld [tilespmem:s0+$0xFFFFFF70];
	v61 =	vadd.f32 v34, v55;
	v9 =	vmul.bf16 v47, v63;
	v63 =	vadd.f32 v20, v11  }
0x3ea: {  	v12 =	vmul.bf16 v7, v53;
	v22 =	vadd.f32 v22, v19;
	v21 =	vadd.f32 v23, v21;
	v20 =	vld [tilespmem:s0+$0xFFFFFFC0];
	v6, _, _ =	vpop (xrf2);
	(xrf2) =	vadd.scan.msk.f32 $0xffff, v24  }
0x3eb: {  	v19 =	vld [tilespmem:s0+$0xFFFFFFD0];
	v11 =	vmul.bf16 v51, v48;
	v23 =	vmul.bf16 v59, v14;
	v7 =	vadd.f32 v63, v61  }
0x3ec: {  	v14 =	vmul.bf16 v58, v57;
	v21 =	vadd.f32 v21, v22;
	v22 =	vmul.bf16 v60, v13;
	[tilespmem:s13+$0x0] =	vst.msk vm0, v6;
	v6 =	vld [tilespmem:s0+$0xFFFFFFE0]  }
0x3ed: {  	s7 =	simm.s32 $0x4;
	s8 =	simm.s32 $0x74F6;
	s6 =	simm.s32 $0x17240;
	v13 =	vunpack.i.l.bf16.f32 v23;
	(xrf2) =	vadd.scan.msk.f32 $0xffff, v7;
	v7 =	vunpack.i.u.bf16.f32 v23;
	v23 =	vmul.bf16 v62, v8;
	v8 =	vld [tilespmem:s0+$0xFFFFFFF0]  }
.LBB2_8:
0x3ee: {  	v24 =	vld [tilespmem:s8+$0x0];
	v25 =	vunpack.i.u.bf16.f32 v22;
	v22 =	vunpack.i.l.bf16.f32 v22;
	v5 =	vmul.bf16 v18, v5  }
0x3ef: {  	v18 =	vld [tilespmem:s8+$0xFFFFFFFC];
	v26 =	vunpack.i.u.bf16.f32 v23;
	v23 =	vunpack.i.l.bf16.f32 v23;
	v10 =	vmul.bf16 v20, v10  }
0x3f0: {  	v20 =	vld [tilespmem:s8+$0xFFFFFFFE];
	(xrf2) =	vadd.scan.msk.f32 $0xffff, v21;
	v21 =	vunpack.i.u.bf16.f32 v5;
	v5 =	vunpack.i.l.bf16.f32 v5;
	v15 =	vmul.bf16 v19, v15  }
0x3f1: {  	v19 =	vld [tilespmem:s8+$0xFFFFFFFA];
	v27 =	vunpack.i.u.bf16.f32 v10;
	v28 =	vunpack.i.l.bf16.f32 v10;
	v6 =	vmul.bf16 v6, v16  }
0x3f2: {  	v16 =	vunpack.i.u.bf16.f32 v15;
	v15 =	vunpack.i.l.bf16.f32 v15;
	v8 =	vmul.bf16 v8, v17;
	v17 =	vld [tilespmem:s0+$0x40]  }
0x3f3: {  	v10 =	vshll.u32 v24, $0x8;
	v24 =	vunpack.i.u.bf16.f32 v6;
	v29 =	vunpack.i.l.bf16.f32 v6;
	v6 =	vld [tilespmem:s0+$0x50]  }
0x3f4: {  	v18 =	vshll.u32 v18, $0x8;
	v10 =	vshra.s32 v10, $0x2;
	v30, _, _ =	vpop (xrf2);
	v31 =	vunpack.i.u.bf16.f32 v8;
	v32 =	vld [tilespmem:s0+$0x60]  }
0x3f5: {  	v18 =	vshra.s32 v18, $0x2;
	v20 =	vshll.u32 v20, $0x8;
	(v2sf) =	vpush v10, $0x0;
	[tilespmem:s13+$0xFFFFFF90] =	vst.msk vm0, v30;
	v30 =	vld [tilespmem:s0+$0x70];
	s0 =	smov.u32 s10  }
0x3f6: {  	v19 =	vshll.u32 v19, $0x8;
	v20 =	vshra.s32 v20, $0x2;
	(v2sf) =	vpush v18, $0x0;
	v33 =	vld [tilespmem:s23+$0xFFFFFF40]  }
0x3f7: {  	v19 =	vshra.s32 v19, $0x2;
	(v2sf) =	vpush v20, $0x0;
	v34 =	vld [tilespmem:s5+$0x7540];
	v35, _, _ =	vpop (xrf2);
	v9 =	vmul.bf16 v17, v9  }
0x3f8: {  	(v2sf) =	vpush v19, $0x0;
	v17 =	vld [tilespmem:s23+$0xFFFFFF50];
	[tilespmem:s13+$0xFFFFFFB0] =	vst.msk vm0, v35;
	v35 =	vunpack.i.l.bf16.f32 v8;
	v6 =	vmul.bf16 v6, v11  }
0x3f9: {  	(v2sf) =	vpush v19, $0x1;
	v8 =	vld [tilespmem:s5+$0x7550];
	v11 =	vunpack.i.u.bf16.f32 v9;
	v12 =	vmul.bf16 v32, v12  }
0x3fa: {  	v32 =	vunpack.i.l.bf16.f32 v9;
	(v2sf) =	vpush v18, $0x1;
	v18 =	vld [tilespmem:s23+$0xFFFFFF60];
	v19, _, _ =	vpop (xrf2);
	v9 =	vmul.bf16 v30, v14  }
0x3fb: {  	(v2sf) =	vpush v20, $0x1;
	v14 =	vld [tilespmem:s5+$0x7560];
	[tilespmem:s13+$0xFFFFFFD0] =	vst.msk vm0, v19;
	v19 =	vunpack.i.u.bf16.f32 v6;
	v20 =	vunpack.i.l.bf16.f32 v6  }
0x3fc: {  	s7 =	sadd.s32 $0x4, s7;
	v6 =	vmul.bf16 v34, v33;
	v30 =	vld [tilespmem:s23+$0xFFFFFF70];
	v33 =	vunpack.i.u.bf16.f32 v12;
	v12 =	vunpack.i.l.bf16.f32 v12  }
0x3fd: {  	v13 =	vadd.f32 v13, v7;
	p0 =	slt.u32 s7, $0x24;
	v36 =	vunpack.i.u.bf16.f32 v9;
	v37 =	vunpack.i.l.bf16.f32 v9;
	v34 =	vld [tilespmem:s5+$0x7570]  }
0x3fe: {  	s10 =	sadd.s32 $0x200, s10;
	v7 =	vmul.bf16 v8, v17;
	v9 =	vld [tilespmem:s23+$0xFFFFFFC0];
	v17 =	vadd.f32 v22, v25;
	v22 =	vadd.f32 v23, v26  }
0x3ff: {  	v21 =	vadd.f32 v5, v21;
	v25 =	vadd.f32 v28, v27;
	v23 =	vld [tilespmem:s10+$0x80]  }
0x400: {  	s23 =	sadd.s32 $0x200, s23;
	v26 =	vld [tilespmem:s10+$0x90];
	v8 =	vmul.bf16 v14, v18;
	v14 =	vadd.f32 v15, v16;
	v15 =	vadd.f32 v29, v24  }
0x401: {  	v11 =	vadd.f32 v32, v11;
	v18 =	vadd.f32 v35, v31;
	v16 =	vld [tilespmem:s23+$0x80]  }
0x402: {  	v19 =	vadd.f32 v20, v19;
	v12 =	vadd.f32 v12, v33;
	v24 =	vld [tilespmem:s23+$0x90];
	v5 =	vmul.bf16 v34, v30  }
0x403: {  	v13 =	vadd.f32 v17, v13;
	v17 =	vadd.f32 v37, v36;
	v20 =	vld [tilespmem:s23+$0xA0]  }
0x404: {  	v21 =	vadd.f32 v21, v22;
	v14 =	vadd.f32 v14, v25;
	v27 =	vld [tilespmem:s23+$0xB0];
	s5 =	spop (v2sf)  }
0x405: {  	v11 =	vadd.f32 v19, v11;
	v15 =	vadd.f32 v18, v15;
	v22 =	vld [tilespmem:s5+$0x7540];
	s11 =	spop (v2sf)  }
0x406: {  	v13 =	vadd.f32 v21, v13;
	v12 =	vadd.f32 v17, v12;
	v18 =	vld [tilespmem:s5+$0x7550];
	s2 =	spop (v2sf)  }
0x407: {  	v14 =	vadd.f32 v15, v14;
	v17 =	vld [tilespmem:s5+$0x7560];
	s25 =	spop (v2sf)  }
0x408: {  	v11 =	vadd.f32 v12, v11;
	v15 =	vld [tilespmem:s5+$0x7570];
	s5 =	spop (v2sf);
	(xrf2) =	vadd.scan.msk.f32 $0xffff, v13  }
0x409: {  	v12 =	vld [tilespmem:s10+$0xA0];
	s24 =	spop (v2sf)  }
0x40a: {  	v13 =	vld [tilespmem:s10+$0xB0];
	s9 =	spop (v2sf)  }
0x40b: {  	v16 =	vmul.bf16 v22, v16;
	v19 =	vld [tilespmem:s25+$0x7540];
	(xrf2) =	vadd.scan.msk.f32 $0xffff, v14  }
0x40c: {  	v18 =	vmul.bf16 v18, v24;
	v14 =	vld [tilespmem:s25+$0x7550];
	v17 =	vmul.bf16 v17, v20  }
0x40d: {  	v16 =	vmul.bf16 v23, v16;
	v20 =	vld [tilespmem:s25+$0x7560];
	v15 =	vmul.bf16 v15, v27  }
0x40e: {  	v18 =	vmul.bf16 v26, v18;
	v21 =	vld [tilespmem:s25+$0x7570];
	(xrf2) =	vadd.scan.msk.f32 $0xffff, v11  }
0x40f: {  	v22 =	vunpack.i.u.bf16.f32 v16;
	v12 =	vmul.bf16 v12, v17;
	v11 =	vld [tilespmem:s11+$0x7540];
	v13 =	vmul.bf16 v13, v15  }
0x410: {  	v16 =	vunpack.i.l.bf16.f32 v16;
	v17 =	vunpack.i.u.bf16.f32 v18;
	v27 =	vunpack.i.l.bf16.f32 v18;
	v15 =	vld [tilespmem:s11+$0x7550]  }
0x411: {  	v24 =	vunpack.i.u.bf16.f32 v12;
	v12 =	vunpack.i.l.bf16.f32 v12;
	v23 =	vld [tilespmem:s11+$0x7560];
	v25 =	vunpack.i.u.bf16.f32 v13  }
0x412: {  	v16 =	vadd.f32 v16, v22;
	v17 =	vadd.f32 v27, v17;
	v13 =	vunpack.i.l.bf16.f32 v13;
	v26 =	vld [tilespmem:s11+$0x7570];
	v18, _, _ =	vpop (xrf2)  }
0x413: {  	v12 =	vadd.f32 v12, v24;
	v25 =	vadd.f32 v13, v25;
	v22 =	vld [tilespmem:s2+$0x7540];
	[tilespmem:s1+$0xFFFFFFA0] =	vst.msk vm0, v18  }
0x414: {  	v18 =	vld [tilespmem:s2+$0x7550]  }
0x415: {  	v16 =	vadd.f32 v17, v16;
	v12 =	vadd.f32 v25, v12;
	v24 =	vld [tilespmem:s2+$0x7560];
	v13, _, _ =	vpop (xrf2)  }
0x416: {  	v17 =	vld [tilespmem:s2+$0x7570];
	[tilespmem:s1+$0xFFFFFFC0] =	vst.msk vm0, v13  }
0x417: {  	v12 =	vadd.f32 v12, v16;
	v13 =	vld [tilespmem:s23+$0xFFFFFF00]  }
0x418: {  	v16 =	vld [tilespmem:s23+$0xFFFFFF10];
	(v2sf) =	vpush v10, $0x1;
	v10, _, _ =	vpop (xrf2)  }
0x419: {  	v25 =	vld [tilespmem:s23+$0xFFFFFF20];
	(xrf2) =	vadd.scan.msk.f32 $0xffff, v12;
	[tilespmem:s1+$0xFFFFFFE0] =	vst.msk vm0, v10;
	s1 =	smov.u32 s13  }
0x41a: {  	v10 =	vld [tilespmem:s23+$0xFFFFFF30]  }
0x41b: {  	v12 =	vld [tilespmem:s23+$0xFFFFFF80]  }
0x41c: {  	v13 =	vmul.bf16 v19, v13;
	v19 =	vld [tilespmem:s23+$0xFFFFFF90]  }
0x41d: {  	v14 =	vmul.bf16 v14, v16;
	v16 =	vld [tilespmem:s23+$0xFFFFFFA0]  }
0x41e: {  	v20 =	vmul.bf16 v20, v25;
	v25 =	vld [tilespmem:s23+$0xFFFFFFB0]  }
0x41f: {  	v10 =	vmul.bf16 v21, v10;
	v21 =	vld [tilespmem:s23+$0x0]  }
0x420: {  	v11 =	vmul.bf16 v11, v12;
	v12 =	vld [tilespmem:s23+$0x10]  }
0x421: {  	v15 =	vmul.bf16 v15, v19;
	v19 =	vld [tilespmem:s23+$0x20]  }
0x422: {  	v16 =	vmul.bf16 v23, v16;
	v23 =	vld [tilespmem:s23+$0x30]  }
0x423: {  	s13 =	sadd.s32 $0x80, s13;
	v27 =	vld [tilespmem:s10+$0xFFFFFF00];
	v25 =	vmul.bf16 v26, v25;
	v26, _, _ =	vpop (xrf2)  }
0x424: {  	v28 =	vld [tilespmem:s10+$0xFFFFFF10];
	v21 =	vmul.bf16 v22, v21;
	[tilespmem:s13+$0xFFFFFFF0] =	vst.msk vm0, v26  }
0x425: {  	v18 =	vmul.bf16 v18, v12;
	v22 =	vld [tilespmem:s10+$0xC0]  }
0x426: {  	v19 =	vmul.bf16 v24, v19;
	v24 =	vld [tilespmem:s10+$0xD0]  }
0x427: {  	v17 =	vmul.bf16 v17, v23;
	v23 =	vld [tilespmem:s23+$0xC0];
	s2 =	spop (v2sf)  }
0x428: {  	v12 =	vmul.bf16 v27, v13;
	v13 =	vld [tilespmem:s2+$0x7540]  }
0x429: {  	v14 =	vmul.bf16 v28, v14;
	v26 =	vld [tilespmem:s23+$0xD0]  }
0x42a: {  	v27 =	vunpack.i.u.bf16.f32 v12;
	v12 =	vunpack.i.l.bf16.f32 v12;
	v28 =	vld [tilespmem:s2+$0x7550]  }
0x42b: {  	v12 =	vadd.f32 v12, v27;
	v27 =	vunpack.i.u.bf16.f32 v14;
	v14 =	vunpack.i.l.bf16.f32 v14;
	v29 =	vld [tilespmem:s23+$0xE0]  }
0x42c: {  	v14 =	vadd.f32 v14, v27;
	v27 =	vld [tilespmem:s2+$0x7560]  }
0x42d: {  	v30 =	vld [tilespmem:s23+$0xF0]  }
0x42e: {  	v12 =	vadd.f32 v14, v12;
	v14 =	vld [tilespmem:s2+$0x7570]  }
0x42f: {  	v31 =	vld [tilespmem:s10+$0xE0]  }
0x430: {  	v32 =	vld [tilespmem:s10+$0xF0]  }
0x431: {  	v13 =	vmul.bf16 v13, v23;
	v33 =	vld [tilespmem:s10+$0xFFFFFF20]  }
0x432: {  	v26 =	vmul.bf16 v28, v26;
	v27 =	vmul.bf16 v27, v29;
	v23 =	vld [tilespmem:s10+$0xFFFFFF30]  }
0x433: {  	v13 =	vmul.bf16 v22, v13;
	v28 =	vld [tilespmem:s10+$0xFFFFFF80];
	v14 =	vmul.bf16 v14, v30  }
0x434: {  	v24 =	vmul.bf16 v24, v26;
	v22 =	vld [tilespmem:s10+$0xFFFFFF90]  }
0x435: {  	v29 =	vunpack.i.u.bf16.f32 v13;
	v27 =	vmul.bf16 v31, v27;
	v26 =	vld [tilespmem:s10+$0xFFFFFFA0];
	v14 =	vmul.bf16 v32, v14  }
0x436: {  	v13 =	vunpack.i.l.bf16.f32 v13;
	v31 =	vunpack.i.u.bf16.f32 v24;
	v24 =	vunpack.i.l.bf16.f32 v24;
	v30 =	vld [tilespmem:s10+$0xFFFFFFB0]  }
0x437: {  	v34 =	vunpack.i.u.bf16.f32 v27;
	v27 =	vunpack.i.l.bf16.f32 v27;
	v32 =	vld [tilespmem:s10+$0x0];
	v35 =	vunpack.i.u.bf16.f32 v14  }
0x438: {  	v13 =	vadd.f32 v13, v29;
	v24 =	vadd.f32 v24, v31;
	v14 =	vunpack.i.l.bf16.f32 v14;
	v36 =	vld [tilespmem:s10+$0x10]  }
0x439: {  	v20 =	vmul.bf16 v33, v20;
	v27 =	vadd.f32 v27, v34;
	v14 =	vadd.f32 v14, v35;
	v29 =	vld [tilespmem:s10+$0x20]  }
0x43a: {  	v10 =	vmul.bf16 v23, v10;
	v11 =	vmul.bf16 v28, v11;
	v23 =	vld [tilespmem:s10+$0x30]  }
0x43b: {  	v13 =	vadd.f32 v24, v13;
	v15 =	vmul.bf16 v22, v15;
	v14 =	vadd.f32 v14, v27;
	v22 =	vld [tilespmem:s4+$0x7540]  }
0x43c: {  	v24 =	vunpack.i.u.bf16.f32 v20;
	v16 =	vmul.bf16 v26, v16;
	v25 =	vmul.bf16 v30, v25;
	v26 =	vld [tilespmem:s6+$0xFFFFFFD0]  }
0x43d: {  	v21 =	vmul.bf16 v32, v21;
	v13 =	vadd.f32 v14, v13;
	v18 =	vmul.bf16 v36, v18;
	v14 =	vld [tilespmem:s4+$0x7550]  }
0x43e: {  	v20 =	vunpack.i.l.bf16.f32 v20;
	v27 =	vunpack.i.u.bf16.f32 v10;
	v19 =	vmul.bf16 v29, v19;
	v28 =	vld [tilespmem:s6+$0xFFFFFFE0]  }
0x43f: {  	v10 =	vunpack.i.l.bf16.f32 v10;
	v29 =	vunpack.i.u.bf16.f32 v11;
	v17 =	vmul.bf16 v23, v17;
	(xrf2) =	vadd.scan.msk.f32 $0xffff, v13;
	v13 =	vld [tilespmem:s4+$0x7560]  }
0x440: {  	v11 =	vunpack.i.l.bf16.f32 v11;
	v23 =	vunpack.i.u.bf16.f32 v15;
	v15 =	vunpack.i.l.bf16.f32 v15;
	v30 =	vld [tilespmem:s6+$0xFFFFFFF0]  }
0x441: {  	v31 =	vunpack.i.u.bf16.f32 v16;
	v16 =	vunpack.i.l.bf16.f32 v16;
	v32 =	vunpack.i.u.bf16.f32 v25;
	v33 =	vld [tilespmem:s4+$0x7570];
	s4 =	smov.u32 s24  }
0x442: {  	v25 =	vunpack.i.l.bf16.f32 v25;
	v34 =	vunpack.i.u.bf16.f32 v21;
	v21 =	vunpack.i.l.bf16.f32 v21;
	v35 =	vld [tilespmem:s6+$0x40]  }
0x443: {  	v36 =	vunpack.i.u.bf16.f32 v18;
	v18 =	vunpack.i.l.bf16.f32 v18;
	v37 =	vunpack.i.u.bf16.f32 v19;
	v38 =	vld [tilespmem:s12+$0x7540]  }
0x444: {  	v19 =	vunpack.i.l.bf16.f32 v19;
	v39 =	vunpack.i.u.bf16.f32 v17;
	v40 =	vunpack.i.l.bf16.f32 v17;
	v41 =	vld [tilespmem:s6+$0x50]  }
0x445: {  	v20 =	vadd.f32 v20, v24;
	v24 =	vadd.f32 v10, v27;
	v10 =	vmul.bf16 v22, v9;
	v22 =	vld [tilespmem:s12+$0x7550]  }
0x446: {  	v11 =	vadd.f32 v11, v29;
	v23 =	vadd.f32 v15, v23;
	v15 =	vmul.bf16 v14, v26;
	v14 =	vld [tilespmem:s6+$0x60]  }
0x447: {  	v25 =	vadd.f32 v25, v32;
	v26 =	vadd.f32 v16, v31;
	v16 =	vmul.bf16 v13, v28;
	v13 =	vld [tilespmem:s12+$0x7560]  }
0x448: {  	v21 =	vadd.f32 v21, v34;
	v18 =	vadd.f32 v18, v36;
	v17 =	vmul.bf16 v33, v30;
	v27 =	vld [tilespmem:s6+$0x70];
	s6 =	smov.u32 s23  }
0x449: {  	v19 =	vadd.f32 v19, v37;
	v28 =	vadd.f32 v40, v39;
	v9 =	vmul.bf16 v38, v35;
	v29, _, _ =	vpop (xrf2);
	v30 =	vld [tilespmem:s12+$0x7570];
	s12 =	smov.u32 s9  }
0x44a: {  	v20 =	vadd.f32 v24, v20;
	v23 =	vadd.f32 v23, v11;
	[tilespmem:s13+$0x0] =	vst.msk vm0, v29;
	v24 =	vld [tilespmem:s0+$0xFFFFFF40];
	v11 =	vmul.bf16 v22, v41  }
0x44b: {  	v21 =	vadd.f32 v18, v21;
	v22 =	vadd.f32 v25, v26;
	v25 =	vld [tilespmem:s0+$0xFFFFFF50]  }
0x44c: {  	v20 =	vadd.f32 v20, v12;
	v19 =	vadd.f32 v28, v19;
	v26 =	vld [tilespmem:s0+$0xFFFFFF60];
	v12 =	vmul.bf16 v13, v14  }
.Ltmp3:
0x44d: {  	v13 =	vadd.f32 v22, v23;
	v18 =	vld [tilespmem:s0+$0xFFFFFF70];
	(pc) =	sbr.rel @p0 .LBB2_8-.Ltmp3, $4  }
0x44e: {  	v21 =	vadd.f32 v19, v21;
	(xrf2) =	vadd.scan.msk.f32 $0xffff, v20;
	v20 =	vld [tilespmem:s0+$0xFFFFFFC0];
	v14 =	vmul.bf16 v30, v27  }
0x44f: {  	v23 =	vmul.bf16 v24, v6;
	v19 =	vld [tilespmem:s0+$0xFFFFFFD0]  }
0x450: {  	v22 =	vmul.bf16 v25, v7;
	v6 =	vld [tilespmem:s0+$0xFFFFFFE0]  }
0x451: {  	s8 =	sadd.s32 $0x8, s8;
	(xrf2) =	vadd.scan.msk.f32 $0xffff, v13;
	v7 =	vunpack.i.u.bf16.f32 v23;
	v13 =	vunpack.i.l.bf16.f32 v23;
	v23 =	vmul.bf16 v26, v8;
	v8 =	vld [tilespmem:s0+$0xFFFFFFF0]  }
0x452: {  	_ =	sdelay $0x3  }
0x453: {  	v24 =	vld [tilespmem:s0+$0x40]  }
0x454: {  	v25 =	vld [tilespmem:s0+$0x50]  }
0x455: {  	v27 =	vld [tilespmem:s0+$0x60];
	v26, _, _ =	vpop (xrf2)  }
0x456: {  	v59 =	vld [tilespmem:s0+$0x70];
	[tilespmem:s13+$0xFFFFFF90] =	vst.msk vm0, v26  }
0x457: {  	v28 =	vld [tilespmem:s23+$0xFFFFFF40]  }
0x458: {  	v29 =	vld [tilespmem:s5+$0x7540]  }
0x459: {  	v30 =	vld [tilespmem:s23+$0xFFFFFF50]  }
0x45a: {  	v31 =	vld [tilespmem:s5+$0x7550]  }
0x45b: {  	v60 =	vld [tilespmem:s23+$0xFFFFFF60]  }
0x45c: {  	v32 =	vld [tilespmem:s5+$0x7560]  }
0x45d: {  	v37 =	vunpack.i.u.bf16.f32 v23;
	v62 =	vunpack.i.l.bf16.f32 v23;
	v34 =	vld [tilespmem:s23+$0xFFFFFF70]  }
0x45e: {  	(xrf2) =	vadd.scan.msk.f32 $0xffff, v21;
	v23 =	vadd.f32 v62, v37;
	v62 =	vld [tilespmem:s10+$0xFFFFFF50];
	v33, _, _ =	vpop (xrf2)  }
0x45f: {  	[tilespmem:s13+$0xFFFFFFB0] =	vst.msk vm0, v33;
	v33 =	vld [tilespmem:s5+$0x7570]  }
0x460: {  	v35 =	vld [tilespmem:s23+$0xFFFFFFC0]  }
0x461: {  	v5 =	vmul.bf16 v18, v5;
	v18 =	vld [tilespmem:s4+$0x7540]  }
0x462: {  	v10 =	vmul.bf16 v20, v10;
	v20 =	vld [tilespmem:s6+$0xFFFFFFD0]  }
0x463: {  	v15 =	vmul.bf16 v19, v15;
	v19 =	vld [tilespmem:s4+$0x7550]  }
0x464: {  	v36 =	vunpack.i.u.bf16.f32 v22;
	v61 =	vunpack.i.l.bf16.f32 v22;
	v6 =	vmul.bf16 v6, v16;
	v16 =	vld [tilespmem:s6+$0xFFFFFFE0]  }
0x465: {  	v7 =	vadd.f32 v13, v7;
	v22 =	vadd.f32 v61, v36;
	v42 =	vld [tilespmem:s4+$0x7560]  }
0x466: {  	v38 =	vunpack.i.u.bf16.f32 v5;
	v5 =	vunpack.i.l.bf16.f32 v5;
	v39 =	vunpack.i.u.bf16.f32 v10;
	v44 =	vld [tilespmem:s6+$0xFFFFFFF0]  }
0x467: {  	v10 =	vunpack.i.l.bf16.f32 v10;
	v5 =	vadd.f32 v5, v38;
	v7 =	vadd.f32 v22, v7;
	v46 =	vld [tilespmem:s4+$0x7570]  }
0x468: {  	v8 =	vmul.bf16 v8, v17;
	v63 =	vunpack.i.u.bf16.f32 v15;
	v15 =	vunpack.i.l.bf16.f32 v15;
	v43, _, _ =	vpop (xrf2);
	v40 =	vld [tilespmem:s10+$0xFFFFFFC0]  }
0x469: {  	v10 =	vadd.f32 v10, v39;
	v45 =	vunpack.i.u.bf16.f32 v6;
	v6 =	vunpack.i.l.bf16.f32 v6;
	[tilespmem:s13+$0xFFFFFFD0] =	vst.msk vm0, v43;
	v43 =	vld [tilespmem:s10+$0xFFFFFFD0]  }
0x46a: {  	v9 =	vmul.bf16 v24, v9;
	v11 =	vmul.bf16 v25, v11;
	v6 =	vadd.f32 v6, v45;
	v45 =	vld [tilespmem:s10+$0xFFFFFFE0]  }
0x46b: {  	v12 =	vmul.bf16 v27, v12;
	v14 =	vmul.bf16 v59, v14;
	v15 =	vadd.f32 v15, v63;
	v48 =	vld [tilespmem:s6+$0x40]  }
0x46c: {  	v5 =	vadd.f32 v5, v23;
	v47 =	vunpack.i.u.bf16.f32 v8;
	v8 =	vunpack.i.l.bf16.f32 v8;
	v49 =	vld [tilespmem:s12+$0x7540]  }
0x46d: {  	v50 =	vunpack.i.u.bf16.f32 v9;
	v9 =	vunpack.i.l.bf16.f32 v9;
	v52 =	vunpack.i.u.bf16.f32 v11;
	v51 =	vld [tilespmem:s6+$0x50]  }
0x46e: {  	v11 =	vunpack.i.l.bf16.f32 v11;
	v8 =	vadd.f32 v8, v47;
	v55 =	vunpack.i.u.bf16.f32 v12;
	v53 =	vld [tilespmem:s12+$0x7550]  }
0x46f: {  	v12 =	vunpack.i.l.bf16.f32 v12;
	v58 =	vunpack.i.u.bf16.f32 v14;
	v10 =	vadd.f32 v15, v10;
	v54 =	vld [tilespmem:s6+$0x60]  }
0x470: {  	v14 =	vunpack.i.l.bf16.f32 v14;
	v5 =	vadd.f32 v5, v7;
	v9 =	vadd.f32 v9, v50;
	v56 =	vld [tilespmem:s12+$0x7560]  }
0x471: {  	v11 =	vadd.f32 v11, v52;
	v12 =	vadd.f32 v12, v55;
	v57 =	vld [tilespmem:s6+$0x70];
	v30 =	vmul.bf16 v31, v30  }
0x472: {  	v14 =	vadd.f32 v14, v58;
	v59 =	vld [tilespmem:s12+$0x7570];
	v28 =	vmul.bf16 v29, v28;
	v21 =	vmul.bf16 v32, v60  }
0x473: {  	v6 =	vadd.f32 v8, v6;
	v60 =	vld [tilespmem:s10+$0xFFFFFF40];
	v61 =	vmul.bf16 v33, v34;
	v8 =	vmul.bf16 v62, v30  }
0x474: {  	v9 =	vadd.f32 v11, v9;
	v47 =	vld [tilespmem:s10+$0xFFFFFFF0];
	v63 =	vmul.bf16 v18, v35;
	v32 =	vmul.bf16 v19, v20  }
0x475: {  	v12 =	vadd.f32 v14, v12;
	v55 =	vld [tilespmem:s10+$0x70];
	v7 =	vmul.bf16 v42, v16;
	v34 =	vmul.bf16 v46, v44  }
0x476: {  	v6 =	vadd.f32 v6, v10;
	v33 =	vld [tilespmem:s10+$0xFFFFFF60];
	v13 =	vmul.bf16 v49, v48;
	v39 =	vmul.bf16 v53, v51  }
0x477: {  	v9 =	vadd.f32 v12, v9;
	v41 =	vmul.bf16 v56, v54;
	v44 =	vmul.bf16 v59, v57  }
0x478: {  	v48 =	vunpack.i.u.bf16.f32 v8;
	v42 =	vmul.bf16 v60, v28;
	v11 =	vmul.bf16 v40, v63  }
0x479: {  	v8 =	vunpack.i.l.bf16.f32 v8;
	v15 =	vmul.bf16 v43, v32;
	v7 =	vmul.bf16 v45, v7  }
0x47a: {  	v35 =	vld [tilespmem:s10+$0xFFFFFF70];
	v16 =	vmul.bf16 v47, v34;
	v8 =	vadd.f32 v8, v48;
	v12 =	vmul.bf16 v55, v44  }
0x47b: {  	v49 =	vld [tilespmem:s10+$0x40];
	v46 =	vunpack.i.u.bf16.f32 v42;
	v20 =	vunpack.i.l.bf16.f32 v42;
	v18 =	vmul.bf16 v33, v21  }
0x47c: {  	v51 =	vld [tilespmem:s10+$0x50];
	v54 =	vunpack.i.u.bf16.f32 v11;
	v11 =	vunpack.i.l.bf16.f32 v11;
	v56 =	vunpack.i.u.bf16.f32 v15  }
0x47d: {  	v53 =	vld [tilespmem:s10+$0x60];
	v15 =	vunpack.i.l.bf16.f32 v15;
	v57 =	vunpack.i.u.bf16.f32 v7;
	v7 =	vunpack.i.l.bf16.f32 v7  }
0x47e: {  	v58 =	vunpack.i.u.bf16.f32 v16;
	v16 =	vunpack.i.l.bf16.f32 v16;
	v20 =	vadd.f32 v20, v46  }
0x47f: {  	v19 =	vmul.bf16 v35, v61;
	v11 =	vadd.f32 v11, v54;
	v15 =	vadd.f32 v15, v56  }
0x480: {  	v7 =	vadd.f32 v7, v57;
	v61 =	vunpack.i.u.bf16.f32 v12;
	v16 =	vadd.f32 v16, v58  }
0x481: {  	v12 =	vunpack.i.l.bf16.f32 v12;
	v50 =	vunpack.i.u.bf16.f32 v18;
	v13 =	vmul.bf16 v49, v13  }
0x482: {  	v18 =	vunpack.i.l.bf16.f32 v18;
	v14 =	vmul.bf16 v51, v39;
	v10 =	vmul.bf16 v53, v41  }
0x483: {  	v12 =	vadd.f32 v12, v61;
	v52 =	vunpack.i.u.bf16.f32 v19;
	v18 =	vadd.f32 v18, v50  }
0x484: {  	v19 =	vunpack.i.l.bf16.f32 v19;
	v8 =	vadd.f32 v8, v20;
	v11 =	vadd.f32 v15, v11  }
0x485: {  	v59 =	vunpack.i.u.bf16.f32 v13;
	v13 =	vunpack.i.l.bf16.f32 v13;
	v60 =	vunpack.i.u.bf16.f32 v14  }
0x486: {  	v14 =	vunpack.i.l.bf16.f32 v14;
	v23 =	vunpack.i.u.bf16.f32 v10;
	v19 =	vadd.f32 v19, v52  }
0x487: {  	v10 =	vunpack.i.l.bf16.f32 v10;
	v13 =	vadd.f32 v13, v59;
	v14 =	vadd.f32 v14, v60  }
0x488: {  	v10 =	vadd.f32 v10, v23;
	v62 =	vadd.f32 v19, v18  }
0x489: {  	(xrf2) =	vadd.scan.msk.f32 $0xffff, v5;
	v5 =	vadd.f32 v16, v7;
	v7 =	vadd.f32 v14, v13  }
0x48a: {  	(xrf2) =	vadd.scan.msk.f32 $0xffff, v6;
	v63 =	vadd.f32 v12, v10;
	v6 =	vadd.f32 v62, v8  }
0x48b: {  	(xrf2) =	vadd.scan.msk.f32 $0xffff, v9;
	v5 =	vadd.f32 v5, v11  }
0x48c: {  	v7 =	vadd.f32 v63, v7;
	(xrf2) =	vadd.scan.msk.f32 $0xffff, v6  }
0x48d: {  	(xrf2) =	vadd.scan.msk.f32 $0xffff, v5  }
0x48e: {  	(xrf2) =	vadd.scan.msk.f32 $0xffff, v7;
	_ =	sdelay $0x4  }
0x48f: {  	v5, _, _ =	vpop (xrf2)  }
0x490: {  	v6, _, _ =	vpop (xrf2);
	[tilespmem:s1+$0xFFFFFFA0] =	vst.msk vm0, v5  }
0x491: {  	v5, _, _ =	vpop (xrf2);
	[tilespmem:s1+$0xFFFFFFC0] =	vst.msk vm0, v6  }
0x492: {  	[tilespmem:s1+$0xFFFFFFE0] =	vst.msk vm0, v5;
	v5, _, _ =	vpop (xrf2)  }
0x493: {  	[tilespmem:s13+$0xFFFFFFA0] =	vst.msk vm0, v5;
	v5, _, _ =	vpop (xrf2)  }
0x494: {  	[tilespmem:s13+$0xFFFFFFC0] =	vst.msk vm0, v5;
	v5, _, _ =	vpop (xrf2)  }
0x495: {  	[tilespmem:s13+$0xFFFFFFE0] =	vst.msk vm0, v5  }
0x496: {  	v5 =	vld.idx.msk [tilespmem:v0+s20+$0x0], $0xffff;
	_ =	sdelay $0x4  }
0x497: {  	v5 =	vsub.f32 $0.0e+00, v5;
	_ =	sdelay $0x1  }
0x498: {  	v5 =	vmul.f32 $1.442695020e+00, v5;
	_ =	sdelay $0x1  }
0x499: {  	(erf) = vpow2.f32 v5;
	_ =	sdelay $0x8  }
0x49a: {  	v5 =	vpop (erf)  }
0x49b: {  	v5 =	vadd.f32 $1.000000000e+00, v5;
	_ =	sdelay $0x1  }
0x49c: {  	(erf) = vrcp.f32 v5;
	_ =	sdelay $0x8  }
0x49d: {  	v5 =	vpop (erf)  }
0x49e: {  	[tilespmem:$0x1F000] =	vst v5  }
0x49f: {  	v5 =	vld.idx.msk [tilespmem:v1+s20+$0x0], $0xffff;
	_ =	sdelay $0x4  }
0x4a0: {  	v5 =	vsub.f32 $0.0e+00, v5;
	_ =	sdelay $0x1  }
0x4a1: {  	v5 =	vmul.f32 $1.442695020e+00, v5;
	_ =	sdelay $0x1  }
0x4a2: {  	(erf) = vpow2.f32 v5;
	_ =	sdelay $0x8  }
0x4a3: {  	v5 =	vpop (erf)  }
0x4a4: {  	v5 =	vadd.f32 $1.000000000e+00, v5;
	_ =	sdelay $0x1  }
0x4a5: {  	(erf) = vrcp.f32 v5;
	_ =	sdelay $0x8  }
0x4a6: {  	v5 =	vpop (erf)  }
0x4a7: {  	[tilespmem:$0x1F010] =	vst v5  }
0x4a8: {  	v5 =	vld.idx.msk [tilespmem:v2+s20+$0x0], $0xffff;
	_ =	sdelay $0x4  }
0x4a9: {  	v5 =	vsub.f32 $0.0e+00, v5;
	_ =	sdelay $0x1  }
0x4aa: {  	v5 =	vmul.f32 $1.442695020e+00, v5;
	_ =	sdelay $0x1  }
0x4ab: {  	(erf) = vpow2.f32 v5;
	_ =	sdelay $0x8  }
0x4ac: {  	v5 =	vpop (erf)  }
0x4ad: {  	v5 =	vadd.f32 $1.000000000e+00, v5;
	_ =	sdelay $0x1  }
0x4ae: {  	(erf) = vrcp.f32 v5;
	_ =	sdelay $0x8  }
0x4af: {  	v5 =	vpop (erf)  }
0x4b0: {  	[tilespmem:$0x1F020] =	vst v5  }
0x4b1: {  	v5 =	vld.idx.msk [tilespmem:v3+s20+$0x0], $0xffff;
	_ =	sdelay $0x4  }
0x4b2: {  	v5 =	vsub.f32 $0.0e+00, v5;
	_ =	sdelay $0x1  }
0x4b3: {  	v5 =	vmul.f32 $1.442695020e+00, v5;
	_ =	sdelay $0x1  }
0x4b4: {  	(erf) = vpow2.f32 v5;
	_ =	sdelay $0x8  }
0x4b5: {  	v5 =	vpop (erf)  }
0x4b6: {  	v5 =	vadd.f32 $1.000000000e+00, v5;
	_ =	sdelay $0x1  }
0x4b7: {  	(erf) = vrcp.f32 v5;
	_ =	sdelay $0x8  }
0x4b8: {  	v5 =	vpop (erf)  }
0x4b9: {  	[tilespmem:$0x1F030] =	vst v5  }
0x4ba: {  	v5 =	vld.idx.msk [tilespmem:v4+s20+$0x0], $0xffff;
	_ =	sdelay $0x4  }
0x4bb: {  	v5 =	vsub.f32 $0.0e+00, v5;
	_ =	sdelay $0x1  }
0x4bc: {  	v5 =	vmul.f32 $1.442695020e+00, v5;
	_ =	sdelay $0x1  }
0x4bd: {  	(erf) = vpow2.f32 v5;
	_ =	sdelay $0x8  }
0x4be: {  	v5 =	vpop (erf)  }
0x4bf: {  	v5 =	vadd.f32 $1.000000000e+00, v5;
	_ =	sdelay $0x1  }
0x4c0: {  	(erf) = vrcp.f32 v5;
	_ =	sdelay $0x8  }
0x4c1: {  	s8 =	simm.s32 $0x0;
	v5 =	vpop (erf)  }
0x4c2: {  	s29 =	simm.s32 $0x1C940;
	s30 =	simm.s32 $0x3;
	s28 =	rddreg [dreg:$0x8];
	[tilespmem:$0x1F040] =	vst v5  }
0x4c3: {  	[hbm4b:s28+s8] =	stream.linear.scatter [tilespmem:s29], [sflag:$0x3], $0x2710, $0x38;
	[tilespmem:$0x1F050] =	vst v63  }
0x4c4: {  	_ =	swait.ge [sflag:s30], $0x2710  }
0x4c5: {  	s2 =	rddreg [dreg:$0xa]  }
0x4c6: {  	s31 =	rddreg [dreg:$0x9];
	s2 =	sadd.s32 $0x1, s2  }
0x4c7: {  	p0 =	sne.s32 s2, s31  }
.Ltmp4:
0x4c8: {  	_ = 	snop;
	(pc) =	sbr.rel @p0 .LBB2_1-.Ltmp4, $3  }
0x4c9: {  	_ =	sdelay $0x1  }
0x4ca: {  	[sflag:s30] =	ssyncset.done $0x0  }
0x4cb: {  	[sflag:s30] =	ssyncadd.s32 $0xFFFFD8F0  }
0x4cc: {  	_ =	sfence.sel $0x180000  }
0x4cd: {  	[bflag:$0x0] =	sbarrier.arrive $0xFFFF  }
0x4ce: {  	_ =	strace $0x90000047  }
0x4cf: {  	s0 =	stileid.u32;
	[bflag:$0x2] =	sbarrier.arrive $0xFFFF  }
0x4d0: {  	p0 =	sne.s32 s0, $0x0;
	s0 =	rddreg [dreg:$0x3]  }
0x4d1: {  	s0 =	sadd.s32 @!p0 $0x100000, s0  }
0x4d2: {  	[sflag:s0] =	ssyncadd.tile.s32 @!p0 $0x1;
	_ =	shalt  }
.Lfunc_end2:
_tile_overlayer_lowered:
.L_overlay_start_2:
0x4d3: {  	(tag) =	ssettag $0x2  }
0x4d4: {  	s0 =	rddreg [dreg:$0x0];
	s2 =	stileid.u32  }
0x4d5: {  	s1 =	rddreg [dreg:$0x1];
	p0 =	sne.s32 s2, $0x0  }
0x4d6: {  	s3 =	rddreg [dreg:$0x2];
	[bflag:$0x3] =	sbarrier.arrive $0xFFFF;
	s2 =	simm.s32 @!p0 $0x1C04  }
0x4d7: {  	[timem:s3], [sflag:s2] =	dma.local @!p0 [hbm:s0], s1  }
0x4d8: {  	s0 =	simm.s32 @!p0 $0x4  }
0x4d9: {  	_ =	swait.ge @!p0 [sflag:s0], s1  }
0x4da: {  	s1 =	ssub.s32 @!p0 $0x0, s1;
	[sflag:s0] =	ssyncset.done @!p0 $0x0  }
0x4db: {  	[sflag:s0] =	ssyncadd.s32 @!p0 s1  }
0x4dc: {  	[bflag:$0x3] =	sbarrier.arrive $0xFFFF  }
0x4dd: {  	_ =	shalt  }

</sc_bundles>
